<compile_context>
chip_gen: v7x
topology: tpu7x:2x2x1
jax: 0.10.2.dev20260603
libtpu: 0.0.44.dev20260713+nightly
codegen_flags: <defaults>
</compile_context>

<pallas_src>
import functools

import jax
import jax.numpy as jnp
from jax import lax
from jax.experimental import pallas as pl
from jax.experimental.pallas import tpu as pltpu
from jax.experimental.pallas import tpu_sc as plsc

_NUM_CLASSES = 15
_THRESH = 0.05
_TOPK = 2000
_N = 384 * 384
_TOT = _N * _NUM_CLASSES

_NW = 32
_CHUNK = _TOT // _NW
_NVEC = _CHUNK // 16
_HBINS = 2048
_CAP = 1024
_BIAS = 0x3D000000


def _mean_body(x_ref, o_ref):
    s = jax.nn.sigmoid(x_ref[...])
    o_ref[...] = jnp.mean(s, axis=0)


def _scores_mean_cm(cls_score):
    x = cls_score.reshape(8, _NUM_CLASSES, 1152, 128)
    return pl.pallas_call(
        _mean_body,
        grid=(_NUM_CLASSES, 3),
        in_specs=[pl.BlockSpec((8, 1, 384, 128), lambda c, r: (0, c, r, 0))],
        out_specs=pl.BlockSpec((1, 384, 128), lambda c, r: (c, r, 0)),
        out_shape=jax.ShapeDtypeStruct((_NUM_CLASSES, 1152, 128), jnp.float32),
    )(x)



def _zero_vmem(ref, nwords):
    z = jnp.zeros((16,), jnp.int32)

    def z_body(i, _):
        ref[pl.ds(i * 16, 16)] = z
        return 0

    lax.fori_loop(0, nwords // 16, z_body, 0)


def _scan_top(hist_ref, nbins, base, target):
    iota = lax.iota(jnp.int32, 16)
    neg = jnp.int32(-2147483647)
    nch = nbins // 16

    def cond(carry):
        found, j, _, _, _ = carry
        return jnp.logical_and(jnp.logical_not(found), j < nch)

    def body(carry):
        _, j, b, cabove, cnt = carry
        c = nch - 1 - j
        h = hist_ref[pl.ds(c * 16, 16)]
        cum = plsc.cumsum(h)
        s = jnp.max(cum)
        ge = (cnt + s) - (cum - h)
        mask = ge >= target
        hit = (cnt + s) >= target
        l_ = jnp.max(jnp.where(mask, iota, -1))
        cum_at = jnp.max(jnp.where(iota == l_, cum, neg))
        nb = c * 16 + l_
        ncab = cnt + s - cum_at
        return (hit, j + 1, jnp.where(hit, nb, b),
                jnp.where(hit, ncab, cabove), cnt + s)

    res = lax.while_loop(cond, body, (jnp.bool_(False), jnp.int32(0),
                                      jnp.int32(-1), base, base))
    return res[0], res[2], res[3]


def _sum_hist(hist_ref, nbins):
    def body(i, acc):
        return acc + hist_ref[pl.ds(i * 16, 16)]

    v = lax.fori_loop(0, nbins // 16, body, jnp.zeros((16,), jnp.int32))
    return jnp.sum(v)


def _merge_hist(hist_hbm_refs, hbuf, H):
    pltpu.sync_copy(hist_hbm_refs, hbuf)

    def m_body(i, _):
        H[pl.ds(i * 16, 16)] = hbuf[0, pl.ds(i * 16, 16)] + hbuf[1, pl.ds(i * 16, 16)]
        return 0

    lax.fori_loop(0, _HBINS // 16, m_body, 0)



_sc_mesh = plsc.VectorSubcoreMesh(core_axis_name="c", subcore_axis_name="s")


@functools.partial(
    pl.kernel,
    out_type=(
        jax.ShapeDtypeStruct((2, _HBINS), jnp.int32),
        jax.ShapeDtypeStruct((_NW * _NVEC,), jnp.int32),
    ),
    mesh=_sc_mesh,
    compiler_params=pltpu.CompilerParams(needs_layout_passes=False),
    scratch_types=[
        pltpu.VMEM((_CHUNK,), jnp.float32),
        pltpu.VMEM((_HBINS,), jnp.int32),
        pltpu.VMEM((_NVEC,), jnp.int32),
        pltpu.VMEM_SHARED((16, _HBINS), jnp.int32),
        pltpu.VMEM((16, _HBINS), jnp.int32),
    ],
)
def _sc_hist1(smf_hbm, out_hbm, gmax_hbm, vals, hist, gmax, shared, redbuf):
    cid = lax.axis_index("c")
    sid = lax.axis_index("s")
    wid = sid * 2 + cid
    pltpu.sync_copy(smf_hbm.at[pl.ds(wid * _CHUNK, _CHUNK)], vals)
    _zero_vmem(hist, _HBINS)
    ones = jnp.ones((16,), jnp.int32)
    iota = lax.iota(jnp.int32, 16)
    neg = jnp.full((16,), -2147483647, jnp.int32)

    def g_body(g, _):
        gmv = neg
        for t in range(16):
            i = g * 16 + t
            v = vals[pl.ds(i * 16, 16)]
            b = lax.bitcast_convert_type(v, jnp.int32)
            valid = v > _THRESH
            key = b - _BIAS
            bin_ = jnp.where(valid, lax.shift_right_logical(key, 15), 0)
            plsc.addupdate_scatter(hist, [bin_], ones, mask=valid)
            gmv = jnp.maximum(gmv, jnp.where(valid, key, neg))
        gmax[pl.ds(g * 16, 16)] = gmv
        return 0

    lax.fori_loop(0, _NVEC // 16, g_body, 0)
    pltpu.sync_copy(gmax, gmax_hbm.at[pl.ds(wid * _NVEC, _NVEC)])

    pltpu.sync_copy(hist, shared.at[sid])
    plsc.subcore_barrier()

    @pl.when(sid == 0)
    def _():
        pltpu.sync_copy(shared, redbuf)

        def red(i, _):
            acc = redbuf[0, pl.ds(i * 16, 16)]
            for t in range(1, 16):
                acc = acc + redbuf[t, pl.ds(i * 16, 16)]
            hist[pl.ds(i * 16, 16)] = acc
            return 0

        lax.fori_loop(0, _HBINS // 16, red, 0)
        pltpu.sync_copy(hist, out_hbm.at[cid])



@functools.partial(
    pl.kernel,
    out_type=(
        jax.ShapeDtypeStruct((_NW * _CAP,), jnp.int32),
        jax.ShapeDtypeStruct((_NW * _CAP,), jnp.int32),
        jax.ShapeDtypeStruct((_NW * 128,), jnp.int32),
        jax.ShapeDtypeStruct((16,), jnp.int32),
    ),
    mesh=_sc_mesh,
    compiler_params=pltpu.CompilerParams(needs_layout_passes=False),
    scratch_types=[
        pltpu.VMEM((_CHUNK,), jnp.float32),
        pltpu.VMEM((2, _HBINS), jnp.int32),
        pltpu.VMEM((_HBINS,), jnp.int32),
        pltpu.VMEM((_NVEC,), jnp.int32),
        pltpu.VMEM((_CAP,), jnp.int32),
        pltpu.VMEM((_CAP,), jnp.int32),
        pltpu.VMEM((128,), jnp.int32),
        pltpu.VMEM((16,), jnp.int32),
        pltpu.SMEM((4,), jnp.int32),
    ],
)
def _sc_compact(smf_hbm, gmax_hbm, hist_hbm, ck_hbm, cf_hbm, cnt_hbm, mb_hbm,
                vals, hbuf, H, gmax, ck, cf, cntv, mbv, off_ref):
    cid = lax.axis_index("c")
    sid = lax.axis_index("s")
    wid = sid * 2 + cid
    pltpu.sync_copy(smf_hbm.at[pl.ds(wid * _CHUNK, _CHUNK)], vals)
    pltpu.sync_copy(gmax_hbm.at[pl.ds(wid * _NVEC, _NVEC)], gmax)
    _merge_hist(hist_hbm, hbuf, H)
    found, b1, cabove1 = _scan_top(H, _HBINS, jnp.int32(0), jnp.int32(_TOPK))
    b1 = jnp.where(found, b1, jnp.int32(-1))
    thr_lo = b1 * 32768
    iota = lax.iota(jnp.int32, 16)
    off_ref[0] = 0

    def g_body(g, _):
        gv = gmax[pl.ds(g * 16, 16)]
        m0 = gv >= thr_lo

        @pl.when(jnp.any(m0))
        def _():
            def col_cond(carry):
                m, _ = carry
                return jnp.any(m > 0)

            def col_body(carry):
                m, off = carry
                l = plsc.all_reduce_ffs(m > 0)[0]
                idx = g * 256 + l + iota * 16
                vv = plsc.load_gather(vals, [idx])
                b = lax.bitcast_convert_type(vv, jnp.int32)
                key = b - _BIAS
                mm = jnp.logical_and(
                    vv > _THRESH,
                    lax.shift_right_logical(key, 15) == b1)
                incl = plsc.cumsum(mm.astype(jnp.int32))
                tot = jnp.max(incl)
                jv = wid * _CHUNK + idx
                cdiv = jv // _N
                flat = (jv - cdiv * _N) * _NUM_CLASSES + cdiv
                pos = off + incl - 1
                m2 = jnp.logical_and(mm, pos < _CAP)
                pos = jnp.where(m2, pos, 0)
                plsc.store_scatter(ck, [pos], key, mask=m2)
                plsc.store_scatter(cf, [pos], flat, mask=m2)
                return jnp.where(iota != l, m, 0), off + tot

            m_end, off_end = lax.while_loop(
                col_cond, col_body, (m0.astype(jnp.int32), off_ref[0]))
            off_ref[0] = off_end

        return 0

    lax.fori_loop(0, _NVEC // 16, g_body, 0)
    cnt_final = jnp.minimum(off_ref[0], _CAP)

    def c_body(i, _):
        cntv[pl.ds(i * 16, 16)] = jnp.broadcast_to(cnt_final, (16,))
        return 0

    lax.fori_loop(0, 8, c_body, 0)
    pltpu.sync_copy(ck, ck_hbm.at[pl.ds(wid * _CAP, _CAP)])
    pltpu.sync_copy(cf, cf_hbm.at[pl.ds(wid * _CAP, _CAP)])
    pltpu.sync_copy(cntv, cnt_hbm.at[pl.ds(wid * 128, 128)])

    @pl.when(wid == 0)
    def _():
        num_valid = _sum_hist(H, _HBINS)
        foundi = jnp.int32(1) - jnp.where(found, 0, 1)
        is0 = (iota == 0).astype(jnp.int32)
        is1 = (iota == 1).astype(jnp.int32)
        is2 = (iota == 2).astype(jnp.int32)
        is3 = (iota == 3).astype(jnp.int32)
        mbv[...] = (is0 * foundi + is1 * jnp.maximum(b1, 0)
                    + is2 * cabove1 + is3 * num_valid)
        pltpu.sync_copy(mbv, mb_hbm)



def _reg_body(mb_ref, x_ref, ck_ref, cf_ref, cnt_ref, o_ref, acc_ref, si_ref):
    r = pl.program_id(0)

    @pl.when(r == 0)
    def _():
        for i in range(12):
            acc_ref[i] = 0.0
        found = mb_ref[0] > 0
        b1 = mb_ref[1]
        cabove1 = mb_ref[2]
        num_valid = mb_ref[3]
        kb = ck_ref[...]
        fb = cf_ref[...]
        cnts = cnt_ref[...][:, 0:1]
        pos = lax.broadcasted_iota(jnp.int32, (_NW, _CAP), 1)
        maskc = pos < cnts
        k_t = jnp.float32(_TOPK) - cabove1.astype(jnp.float32)

        def fcnt(x):
            return jnp.sum(jnp.where(
                jnp.logical_and(maskc, kb >= x), 1.0, 0.0))

        def v_body(_, lohi):
            lo, hi = lohi
            mid = lax.shift_right_logical(lo + hi + 1, 1)
            take = fcnt(mid) >= k_t
            return jnp.where(take, mid, lo), jnp.where(take, hi, mid - 1)

        lo0 = b1 * 32768
        hi0 = lo0 + 32767
        v26, _ = lax.fori_loop(0, 15, v_body, (lo0, hi0))
        count_gt = cabove1.astype(jnp.float32) + fcnt(v26 + 1)
        rr = jnp.float32(_TOPK) - count_gt
        eqmask = jnp.logical_and(maskc, kb == v26)

        def gcnt(x):
            return jnp.sum(jnp.where(
                jnp.logical_and(eqmask, fb <= x), 1.0, 0.0))

        def t_body(_, lohi):
            lo, hi = lohi
            mid = lax.shift_right_logical(lo + hi, 1)
            take = gcnt(mid) >= rr
            return jnp.where(take, lo, mid + 1), jnp.where(take, mid, hi)

        istar, _ = lax.fori_loop(0, 22, t_body,
                                 (jnp.int32(0), jnp.int32((1 << 22) - 1)))
        thresh_key = jnp.int32(0x3D4CCCCD - _BIAS)
        si_ref[0] = jnp.where(found, v26, thresh_key)
        si_ref[1] = jnp.where(found, istar, jnp.int32(-1))
        si_ref[2] = (num_valid > 0).astype(jnp.int32)

    v26s = si_ref[0]
    istar = si_ref[1]
    blk = x_ref[...]
    row2d = lax.broadcasted_iota(jnp.int32, (128, 128), 0)
    lane2d = lax.broadcasted_iota(jnp.int32, (128, 128), 1)
    n = (r * 128 + row2d) * 128 + lane2d
    keep = None
    for c in range(_NUM_CLASSES):
        key_c = lax.bitcast_convert_type(blk[c], jnp.int32) - _BIAS
        flat = n * _NUM_CLASSES + c
        sel = jnp.logical_or(
            key_c > v26s, jnp.logical_and(key_c == v26s, flat <= istar))
        keep = sel if keep is None else jnp.logical_or(keep, sel)
    x = blk[3]
    y = blk[5]
    lab = x > y
    fx = jnp.logical_and(keep, lab).astype(jnp.float32)
    fy = jnp.logical_and(keep, jnp.logical_not(lab)).astype(jnp.float32)
    acc_ref[0] += jnp.sum(fx)
    acc_ref[1] += jnp.sum(fx * x)
    acc_ref[2] += jnp.sum(fx * y)
    acc_ref[3] += jnp.sum(fx * x * x)
    acc_ref[4] += jnp.sum(fx * x * y)
    acc_ref[5] += jnp.sum(fy)
    acc_ref[6] += jnp.sum(fy * x)
    acc_ref[7] += jnp.sum(fy * y)
    acc_ref[8] += jnp.sum(fy * x * x)
    acc_ref[9] += jnp.sum(fy * x * y)

    @pl.when(r == 8)
    def _():
        nX = acc_ref[0]
        sxX, syX, sxxX, sxyX = acc_ref[1], acc_ref[2], acc_ref[3], acc_ref[4]
        nY = acc_ref[5]
        sxY, syY, sxxY, sxyY = acc_ref[6], acc_ref[7], acc_ref[8], acc_ref[9]
        slope_x = (sxyX - sxX * syX / nX) / (sxxX - sxX * sxX / nX)
        slope_y = (sxyY - sxY * syY / nY) / (sxxY - sxY * sxY / nY)
        t = jnp.abs((slope_y - slope_x) / (1.0 + slope_y * slope_x + 1e-05))
        tv = jnp.full((8, 128), t)
        hi = tv > 2.414213562373095
        mid = tv > 0.414213562373095
        yofs = jnp.where(hi, jnp.float32(1.5707963267948966),
                         jnp.where(mid, jnp.float32(0.7853981633974483), 0.0))
        z = jnp.where(hi, -1.0 / tv,
                      jnp.where(mid, (tv - 1.0) / (tv + 1.0), tv))
        z2 = z * z
        p = (((8.05374449538e-2 * z2 - 1.38776856032e-1) * z2
              + 1.99777106478e-1) * z2 - 3.33329491539e-1) * z2 * z + z
        ang = (yofs + p) * jnp.float32(57.29577951308232)
        cond = jnp.logical_and(si_ref[2] > 0, nX > 0.0)
        o_ref[...] = jnp.where(cond, ang, jnp.zeros((8, 128), jnp.float32))


def _tc_regression(sm_cm, meta_b, ck, cf, cnt):
    out = pl.pallas_call(
        _reg_body,
        grid=(9,),
        in_specs=[
            pl.BlockSpec(memory_space=pltpu.SMEM),
            pl.BlockSpec((_NUM_CLASSES, 128, 128), lambda r: (0, r, 0)),
            pl.BlockSpec((_NW, _CAP), lambda r: (0, 0)),
            pl.BlockSpec((_NW, _CAP), lambda r: (0, 0)),
            pl.BlockSpec((_NW, 128), lambda r: (0, 0)),
        ],
        out_specs=pl.BlockSpec((8, 128), lambda r: (0, 0)),
        out_shape=jax.ShapeDtypeStruct((8, 128), jnp.float32),
        scratch_shapes=[pltpu.SMEM((16,), jnp.float32),
                        pltpu.SMEM((8,), jnp.int32)],
    )(meta_b, sm_cm, ck.reshape(_NW, _CAP), cf.reshape(_NW, _CAP),
      cnt.reshape(_NW, 128))
    return out[0, 0]


def kernel(cls_score):
    sm_cm = _scores_mean_cm(cls_score)
    smf = sm_cm.reshape(_TOT)
    hist, gmax = _sc_hist1(smf)
    ck, cf, cnt, meta_b = _sc_compact(smf, gmax, hist)
    return _tc_regression(sm_cm, meta_b, ck, cf, cnt).reshape(())

# --- scband reference (transcript-rebuilt; emitter-appended) ---
"""Pipeline reference for scband-similar-category-angle-regression-31705448579529 (READ-ONLY COPY).

The authoritative reference and input builder live on the scoring server;
editing this copy changes nothing except your own understanding.
"""

import jax, jax.numpy as jnp
import numpy as np

NUM_CLASSES = 15
SCORES_THRESHOLD = 0.05
TOPK = 2000


def setup_inputs(seed: int = 0) -> dict:
    key = jax.random.key(seed)
    cls_score = jax.random.normal(key, (8, 15, 384, 384), dtype=jnp.float32)
    return {"cls_score": cls_score}


def _slope(x, y, m):
    # scipy.stats.linregress slope: cov(x, y) / var(x), over entries where m == 1
    n = m.sum()
    mx = (x * m).sum() / n
    my = (y * m).sum() / n
    dx = (x - mx) * m
    return (dx * (y - my)).sum() / (dx * dx).sum()


def _filte_scores(scores_mean, scores_threshold, topk):
    flat = scores_mean.reshape(-1)  # row-major flatten, matches torch boolean indexing
    valid_mask = flat > scores_threshold
    num_valid = valid_mask.sum()
    num_topk = jnp.minimum(topk, num_valid)
    neg = jnp.where(valid_mask, -flat, jnp.inf)
    order = jnp.argsort(neg, stable=True)  # descending sort of valid scores first
    topk_flat = order[:topk]
    pos_ok = jnp.arange(topk) < num_topk
    keep_idxs = topk_flat // scores_mean.shape[1]
    return keep_idxs, pos_ok, num_topk


def _forward(cls_score):
    B = cls_score.shape[0]
    x = jnp.transpose(cls_score, (0, 2, 3, 1)).reshape(B, -1, NUM_CLASSES)
    scores = jax.nn.sigmoid(x)
    scores_mean = scores.mean(axis=0)  # [N, num_classes]
    keep_idxs, pos_ok, num_topk = _filte_scores(scores_mean, SCORES_THRESHOLD, TOPK)
    n_rows = scores_mean.shape[0]
    row_keep = (
        jnp.zeros(n_rows + 1, dtype=bool)
        .at[jnp.where(pos_ok, keep_idxs, n_rows)]
        .set(True)[:n_rows]
    )
    unique_rows = jnp.nonzero(row_keep, size=TOPK, fill_value=0)[0]
    unique_count = row_keep.sum()
    u_ok = jnp.arange(TOPK) < unique_count
    sm = scores_mean[unique_rows]
    similar = sm[:, jnp.array([3, 5])]
    lab_is_x = similar[:, 0] > similar[:, 1]
    m_x = (u_ok & lab_is_x).astype(similar.dtype)
    m_y = (u_ok & ~lab_is_x).astype(similar.dtype)
    slope_x = _slope(similar[:, 0], similar[:, 1], m_x)
    slope_y = _slope(similar[:, 0], similar[:, 1], m_y)
    TINY = 1e-05
    angle = jnp.arctan(jnp.abs((slope_y - slope_x) / (1 + slope_y * slope_x + TINY)))
    sca = jnp.degrees(angle)
    has_x = (u_ok & lab_is_x).any()
    cond = (num_topk > 0) & has_x
    return jnp.where(cond, sca, 0.0).astype(jnp.float32)


def reference(cls_score):
    return _forward(cls_score)

if __name__ == "__main__":
    import jax
    _d = setup_inputs()
    print(jax.jit(kernel)(*tuple(_d.values())))

</pallas_src>

<mosaic_0001>
#map = affine_map<(d0, d1) -> (0)>
#map1 = affine_map<(d0, d1) -> (0, 0)>
module attributes {stable_mosaic.version = 14 : i64} {
  func.func @_sc_hist1(%arg0: i32, %arg1: i32, %arg2: memref<2211840xf32, #tpu.memory_space<hbm>>, %arg3: memref<2x2048xi32, #tpu.memory_space<hbm>>, %arg4: memref<138240xi32, #tpu.memory_space<hbm>>, %arg5: memref<69120xf32, #tpu.memory_space<vmem>>, %arg6: memref<2048xi32, #tpu.memory_space<vmem>>, %arg7: memref<4320xi32, #tpu.memory_space<vmem>>, %arg8: memref<16x2048xi32, #tpu.memory_space<vmem_shared>>, %arg9: memref<16x2048xi32, #tpu.memory_space<vmem>>) attributes {dimension_semantics = [#tpu.dimension_semantics<core_parallel>, #tpu.dimension_semantics<subcore_parallel>], iteration_bounds = array<i64: 2, 16>, scalar_prefetch = 0 : i64, scratch_operands = 5 : i64, tpu.core_type = #tpu.core_type<sc_vector_subcore>, window_params = [{transform_indices = #map}, {transform_indices = #map1}, {transform_indices = #map}]} {
    %mul3A = arith.constant 2 : i32
    %mul3A_0 = arith.muli %arg1, %mul3A : i32
    %add3A = arith.addi %mul3A_0, %arg0 : i32
    %mul3A_1 = arith.constant 69120 : i32
    %mul3A_2 = arith.muli %add3A, %mul3A_1 : i32
    "tpu.region"() ({
      %run_scoped3A = tpu.sem_alloc : memref<!tpu.dma_semaphore, #tpu.memory_space<semaphore_mem>>
      %dma_start3A = tpu.memref_slice %arg2[%mul3A_2] : memref<2211840xf32, #tpu.memory_space<hbm>> -> memref<69120xf32, #tpu.memory_space<hbm>>
      %dma_start3A_25 = tpu.memref_slice %arg2[%mul3A_2] : memref<2211840xf32, #tpu.memory_space<hbm>> -> memref<69120xf32, #tpu.memory_space<hbm>>
      tpu.enqueue_dma source(%dma_start3A_25 : memref<69120xf32, #tpu.memory_space<hbm>>) target(%arg5 : memref<69120xf32, #tpu.memory_space<vmem>>) target_semaphore(%run_scoped3A : memref<!tpu.dma_semaphore, #tpu.memory_space<semaphore_mem>>)
      %dma_wait3A = tpu.memref_slice %arg2[%mul3A_2] : memref<2211840xf32, #tpu.memory_space<hbm>> -> memref<69120xf32, #tpu.memory_space<hbm>>
      %dma_wait3A_26 = tpu.memref_slice %arg2[%mul3A_2] : memref<2211840xf32, #tpu.memory_space<hbm>> -> memref<69120xf32, #tpu.memory_space<hbm>>
      tpu.wait_dma2 semaphore(%run_scoped3A : memref<!tpu.dma_semaphore, #tpu.memory_space<semaphore_mem>>) src(%dma_wait3A_26 : memref<69120xf32, #tpu.memory_space<hbm>>) dst(%arg5 : memref<69120xf32, #tpu.memory_space<vmem>>)
      tpu.yield
    }) : () -> ()
    %broadcast_in_dim3A = arith.constant 0 : i32
    %broadcast_in_dim3A_3 = vector.broadcast %broadcast_in_dim3A : i32 to vector<16xi32>
    %scan3A = arith.constant 0 : i32
    %scan3A_4 = arith.constant 0 : i32
    %scan3A_5 = arith.constant 128 : i32
    %scan3A_6 = arith.addi %scan3A_4, %scan3A_5 : i32
    %scan3A_7 = arith.constant 1 : i32
    %scan3A_8 = scf.for %scan3A_25 = %scan3A_4 to %scan3A_6 step %scan3A_7 iter_args(%scan3A_26 = %scan3A) -> (i32)  : i32 {
      %mul3A_27 = arith.constant 16 : i32
      %mul3A_28 = arith.muli %scan3A_25, %mul3A_27 : i32
      %swap3A = arith.index_cast %mul3A_28 : i32 to index
      %swap3A_29 = tpu.vector_load %arg6[%swap3A] {strides = array<i32>} : memref<2048xi32, #tpu.memory_space<vmem>>, vector<16xi32>,
      tpu.vector_store %arg6[%swap3A], %broadcast_in_dim3A_3 {strides = array<i32>} : memref<2048xi32, #tpu.memory_space<vmem>>, vector<16xi32>,
      %scan3A_30 = arith.constant 0 : i32
      scf.yield %scan3A_30 : i32
    }
    %scan3A_9 = arith.constant 128 : i32
    %broadcast_in_dim3A_10 = arith.constant 1 : i32
    %broadcast_in_dim3A_11 = vector.broadcast %broadcast_in_dim3A_10 : i32 to vector<16xi32>
    %iota3A = tpu.iota {dimensions = array<i32: 0>} : vector<16xi32>
    %broadcast_in_dim3A_12 = arith.constant -2147483647 : i32
    %broadcast_in_dim3A_13 = vector.broadcast %broadcast_in_dim3A_12 : i32 to vector<16xi32>
    %scan3A_14 = arith.constant 0 : i32
    %scan3A_15 = arith.constant 0 : i32
    %scan3A_16 = arith.constant 270 : i32
    %scan3A_17 = arith.addi %scan3A_15, %scan3A_16 : i32
    %scan3A_18 = arith.constant 1 : i32
    %scan3A_19 = scf.for %scan3A_25 = %scan3A_15 to %scan3A_17 step %scan3A_18 iter_args(%scan3A_26 = %scan3A_14) -> (i32)  : i32 {
      %mul3A_27 = arith.constant 16 : i32
      %mul3A_28 = arith.muli %scan3A_25, %mul3A_27 : i32
      %add3A_29 = arith.constant 0 : i32
      %add3A_30 = arith.addi %mul3A_28, %add3A_29 : i32
      %mul3A_31 = arith.constant 16 : i32
      %mul3A_32 = arith.muli %add3A_30, %mul3A_31 : i32
      %get3A = arith.index_cast %mul3A_32 : i32 to index
      %get3A_33 = tpu.vector_load %arg5[%get3A] {strides = array<i32>} : memref<69120xf32, #tpu.memory_space<vmem>>, vector<16xf32>,
      %bitcast_convert_type3A = tpu.bitcast %get3A_33 : vector<16xf32> -> vector<16xi32>
      %gt3A = arith.constant 5.000000e-02 : f32
      %gt3A_34 = vector.broadcast %gt3A : f32 to vector<16xf32>
      %gt3A_35 = arith.cmpf ogt, %get3A_33, %gt3A_34 : vector<16xf32>
      %sub3A = arith.constant 1023410176 : i32
      %sub3A_36 = vector.broadcast %sub3A : i32 to vector<16xi32>
      %sub3A_37 = arith.subi %bitcast_convert_type3A, %sub3A_36 : vector<16xi32>
      %shift_right_logical3A = arith.constant 15 : i32
      %shift_right_logical3A_38 = vector.broadcast %shift_right_logical3A : i32 to vector<16xi32>
      %shift_right_logical3A_39 = arith.shrui %sub3A_37, %shift_right_logical3A_38 : vector<16xi32>
      %jit3A = arith.constant 0 : i32
      %broadcast_in_dim3A_40 = vector.broadcast %jit3A : i32 to vector<16xi32>
      %select_n3A = arith.select %gt3A_35, %shift_right_logical3A_39, %broadcast_in_dim3A_40 : vector<16xi1>, vector<16xi32>
      tpu.vector_store_idx %arg6[%select_n3A], %broadcast_in_dim3A_11 masked %gt3A_35 {add = true} : memref<2048xi32, #tpu.memory_space<vmem>>[vector<16xi32>], vector<16xi32>, vector<16xi1>
      %select_n3A_41 = arith.select %gt3A_35, %sub3A_37, %broadcast_in_dim3A_13 : vector<16xi1>, vector<16xi32>
      %max3A = arith.maxsi %broadcast_in_dim3A_13, %select_n3A_41 : vector<16xi32>
      %mul3A_42 = arith.constant 16 : i32
      %mul3A_43 = arith.muli %scan3A_25, %mul3A_42 : i32
      %add3A_44 = arith.constant 1 : i32
      %add3A_45 = arith.addi %mul3A_43, %add3A_44 : i32
      %mul3A_46 = arith.constant 16 : i32
      %mul3A_47 = arith.muli %add3A_45, %mul3A_46 : i32
      %get3A_48 = arith.index_cast %mul3A_47 : i32 to index
      %get3A_49 = tpu.vector_load %arg5[%get3A_48] {strides = array<i32>} : memref<69120xf32, #tpu.memory_space<vmem>>, vector<16xf32>,
      %bitcast_convert_type3A_50 = tpu.bitcast %get3A_49 : vector<16xf32> -> vector<16xi32>
      %gt3A_51 = arith.constant 5.000000e-02 : f32
      %gt3A_52 = vector.broadcast %gt3A_51 : f32 to vector<16xf32>
      %gt3A_53 = arith.cmpf ogt, %get3A_49, %gt3A_52 : vector<16xf32>
      %sub3A_54 = arith.constant 1023410176 : i32
      %sub3A_55 = vector.broadcast %sub3A_54 : i32 to vector<16xi32>
      %sub3A_56 = arith.subi %bitcast_convert_type3A_50, %sub3A_55 : vector<16xi32>
      %shift_right_logical3A_57 = arith.constant 15 : i32
      %shift_right_logical3A_58 = vector.broadcast %shift_right_logical3A_57 : i32 to vector<16xi32>
      %shift_right_logical3A_59 = arith.shrui %sub3A_56, %shift_right_logical3A_58 : vector<16xi32>
      %jit3A_60 = arith.constant 0 : i32
      %broadcast_in_dim3A_61 = vector.broadcast %jit3A_60 : i32 to vector<16xi32>
      %select_n3A_62 = arith.select %gt3A_53, %shift_right_logical3A_59, %broadcast_in_dim3A_61 : vector<16xi1>, vector<16xi32>
      tpu.vector_store_idx %arg6[%select_n3A_62], %broadcast_in_dim3A_11 masked %gt3A_53 {add = true} : memref<2048xi32, #tpu.memory_space<vmem>>[vector<16xi32>], vector<16xi32>, vector<16xi1>
      %select_n3A_63 = arith.select %gt3A_53, %sub3A_56, %broadcast_in_dim3A_13 : vector<16xi1>, vector<16xi32>
      %max3A_64 = arith.maxsi %max3A, %select_n3A_63 : vector<16xi32>
      %mul3A_65 = arith.constant 16 : i32
      %mul3A_66 = arith.muli %scan3A_25, %mul3A_65 : i32
      %add3A_67 = arith.constant 2 : i32
      %add3A_68 = arith.addi %mul3A_66, %add3A_67 : i32
      %mul3A_69 = arith.constant 16 : i32
      %mul3A_70 = arith.muli %add3A_68, %mul3A_69 : i32
      %get3A_71 = arith.index_cast %mul3A_70 : i32 to index
      %get3A_72 = tpu.vector_load %arg5[%get3A_71] {strides = array<i32>} : memref<69120xf32, #tpu.memory_space<vmem>>, vector<16xf32>,
      %bitcast_convert_type3A_73 = tpu.bitcast %get3A_72 : vector<16xf32> -> vector<16xi32>
      %gt3A_74 = arith.constant 5.000000e-02 : f32
      %gt3A_75 = vector.broadcast %gt3A_74 : f32 to vector<16xf32>
      %gt3A_76 = arith.cmpf ogt, %get3A_72, %gt3A_75 : vector<16xf32>
      %sub3A_77 = arith.constant 1023410176 : i32
      %sub3A_78 = vector.broadcast %sub3A_77 : i32 to vector<16xi32>
      %sub3A_79 = arith.subi %bitcast_convert_type3A_73, %sub3A_78 : vector<16xi32>
      %shift_right_logical3A_80 = arith.constant 15 : i32
      %shift_right_logical3A_81 = vector.broadcast %shift_right_logical3A_80 : i32 to vector<16xi32>
      %shift_right_logical3A_82 = arith.shrui %sub3A_79, %shift_right_logical3A_81 : vector<16xi32>
      %jit3A_83 = arith.constant 0 : i32
      %broadcast_in_dim3A_84 = vector.broadcast %jit3A_83 : i32 to vector<16xi32>
      %select_n3A_85 = arith.select %gt3A_76, %shift_right_logical3A_82, %broadcast_in_dim3A_84 : vector<16xi1>, vector<16xi32>
      tpu.vector_store_idx %arg6[%select_n3A_85], %broadcast_in_dim3A_11 masked %gt3A_76 {add = true} : memref<2048xi32, #tpu.memory_space<vmem>>[vector<16xi32>], vector<16xi32>, vector<16xi1>
      %select_n3A_86 = arith.select %gt3A_76, %sub3A_79, %broadcast_in_dim3A_13 : vector<16xi1>, vector<16xi32>
      %max3A_87 = arith.maxsi %max3A_64, %select_n3A_86 : vector<16xi32>
      %mul3A_88 = arith.constant 16 : i32
      %mul3A_89 = arith.muli %scan3A_25, %mul3A_88 : i32
      %add3A_90 = arith.constant 3 : i32
      %add3A_91 = arith.addi %mul3A_89, %add3A_90 : i32
      %mul3A_92 = arith.constant 16 : i32
      %mul3A_93 = arith.muli %add3A_91, %mul3A_92 : i32
      %get3A_94 = arith.index_cast %mul3A_93 : i32 to index
      %get3A_95 = tpu.vector_load %arg5[%get3A_94] {strides = array<i32>} : memref<69120xf32, #tpu.memory_space<vmem>>, vector<16xf32>,
      %bitcast_convert_type3A_96 = tpu.bitcast %get3A_95 : vector<16xf32> -> vector<16xi32>
      %gt3A_97 = arith.constant 5.000000e-02 : f32
      %gt3A_98 = vector.broadcast %gt3A_97 : f32 to vector<16xf32>
      %gt3A_99 = arith.cmpf ogt, %get3A_95, %gt3A_98 : vector<16xf32>
      %sub3A_100 = arith.constant 1023410176 : i32
      %sub3A_101 = vector.broadcast %sub3A_100 : i32 to vector<16xi32>
      %sub3A_102 = arith.subi %bitcast_convert_type3A_96, %sub3A_101 : vector<16xi32>
      %shift_right_logical3A_103 = arith.constant 15 : i32
      %shift_right_logical3A_104 = vector.broadcast %shift_right_logical3A_103 : i32 to vector<16xi32>
      %shift_right_logical3A_105 = arith.shrui %sub3A_102, %shift_right_logical3A_104 : vector<16xi32>
      %jit3A_106 = arith.constant 0 : i32
      %broadcast_in_dim3A_107 = vector.broadcast %jit3A_106 : i32 to vector<16xi32>
      %select_n3A_108 = arith.select %gt3A_99, %shift_right_logical3A_105, %broadcast_in_dim3A_107 : vector<16xi1>, vector<16xi32>
      tpu.vector_store_idx %arg6[%select_n3A_108], %broadcast_in_dim3A_11 masked %gt3A_99 {add = true} : memref<2048xi32, #tpu.memory_space<vmem>>[vector<16xi32>], vector<16xi32>, vector<16xi1>
      %select_n3A_109 = arith.select %gt3A_99, %sub3A_102, %broadcast_in_dim3A_13 : vector<16xi1>, vector<16xi32>
      %max3A_110 = arith.maxsi %max3A_87, %select_n3A_109 : vector<16xi32>
      %mul3A_111 = arith.constant 16 : i32
      %mul3A_112 = arith.muli %scan3A_25, %mul3A_111 : i32
      %add3A_113 = arith.constant 4 : i32
      %add3A_114 = arith.addi %mul3A_112, %add3A_113 : i32
      %mul3A_115 = arith.constant 16 : i32
      %mul3A_116 = arith.muli %add3A_114, %mul3A_115 : i32
      %get3A_117 = arith.index_cast %mul3A_116 : i32 to index
      %get3A_118 = tpu.vector_load %arg5[%get3A_117] {strides = array<i32>} : memref<69120xf32, #tpu.memory_space<vmem>>, vector<16xf32>,
      %bitcast_convert_type3A_119 = tpu.bitcast %get3A_118 : vector<16xf32> -> vector<16xi32>
      %gt3A_120 = arith.constant 5.000000e-02 : f32
      %gt3A_121 = vector.broadcast %gt3A_120 : f32 to vector<16xf32>
      %gt3A_122 = arith.cmpf ogt, %get3A_118, %gt3A_121 : vector<16xf32>
      %sub3A_123 = arith.constant 1023410176 : i32
      %sub3A_124 = vector.broadcast %sub3A_123 : i32 to vector<16xi32>
      %sub3A_125 = arith.subi %bitcast_convert_type3A_119, %sub3A_124 : vector<16xi32>
      %shift_right_logical3A_126 = arith.constant 15 : i32
      %shift_right_logical3A_127 = vector.broadcast %shift_right_logical3A_126 : i32 to vector<16xi32>
      %shift_right_logical3A_128 = arith.shrui %sub3A_125, %shift_right_logical3A_127 : vector<16xi32>
      %jit3A_129 = arith.constant 0 : i32
      %broadcast_in_dim3A_130 = vector.broadcast %jit3A_129 : i32 to vector<16xi32>
      %select_n3A_131 = arith.select %gt3A_122, %shift_right_logical3A_128, %broadcast_in_dim3A_130 : vector<16xi1>, vector<16xi32>
      tpu.vector_store_idx %arg6[%select_n3A_131], %broadcast_in_dim3A_11 masked %gt3A_122 {add = true} : memref<2048xi32, #tpu.memory_space<vmem>>[vector<16xi32>], vector<16xi32>, vector<16xi1>
      %select_n3A_132 = arith.select %gt3A_122, %sub3A_125, %broadcast_in_dim3A_13 : vector<16xi1>, vector<16xi32>
      %max3A_133 = arith.maxsi %max3A_110, %select_n3A_132 : vector<16xi32>
      %mul3A_134 = arith.constant 16 : i32
      %mul3A_135 = arith.muli %scan3A_25, %mul3A_134 : i32
      %add3A_136 = arith.constant 5 : i32
      %add3A_137 = arith.addi %mul3A_135, %add3A_136 : i32
      %mul3A_138 = arith.constant 16 : i32
      %mul3A_139 = arith.muli %add3A_137, %mul3A_138 : i32
      %get3A_140 = arith.index_cast %mul3A_139 : i32 to index
      %get3A_141 = tpu.vector_load %arg5[%get3A_140] {strides = array<i32>} : memref<69120xf32, #tpu.memory_space<vmem>>, vector<16xf32>,
      %bitcast_convert_type3A_142 = tpu.bitcast %get3A_141 : vector<16xf32> -> vector<16xi32>
      %gt3A_143 = arith.constant 5.000000e-02 : f32
      %gt3A_144 = vector.broadcast %gt3A_143 : f32 to vector<16xf32>
      %gt3A_145 = arith.cmpf ogt, %get3A_141, %gt3A_144 : vector<16xf32>
      %sub3A_146 = arith.constant 1023410176 : i32
      %sub3A_147 = vector.broadcast %sub3A_146 : i32 to vector<16xi32>
      %sub3A_148 = arith.subi %bitcast_convert_type3A_142, %sub3A_147 : vector<16xi32>
      %shift_right_logical3A_149 = arith.constant 15 : i32
      %shift_right_logical3A_150 = vector.broadcast %shift_right_logical3A_149 : i32 to vector<16xi32>
      %shift_right_logical3A_151 = arith.shrui %sub3A_148, %shift_right_logical3A_150 : vector<16xi32>
      %jit3A_152 = arith.constant 0 : i32
      %broadcast_in_dim3A_153 = vector.broadcast %jit3A_152 : i32 to vector<16xi32>
      %select_n3A_154 = arith.select %gt3A_145, %shift_right_logical3A_151, %broadcast_in_dim3A_153 : vector<16xi1>, vector<16xi32>
      tpu.vector_store_idx %arg6[%select_n3A_154], %broadcast_in_dim3A_11 masked %gt3A_145 {add = true} : memref<2048xi32, #tpu.memory_space<vmem>>[vector<16xi32>], vector<16xi32>, vector<16xi1>
      %select_n3A_155 = arith.select %gt3A_145, %sub3A_148, %broadcast_in_dim3A_13 : vector<16xi1>, vector<16xi32>
      %max3A_156 = arith.maxsi %max3A_133, %select_n3A_155 : vector<16xi32>
      %mul3A_157 = arith.constant 16 : i32
      %mul3A_158 = arith.muli %scan3A_25, %mul3A_157 : i32
      %add3A_159 = arith.constant 6 : i32
      %add3A_160 = arith.addi %mul3A_158, %add3A_159 : i32
      %mul3A_161 = arith.constant 16 : i32
      %mul3A_162 = arith.muli %add3A_160, %mul3A_161 : i32
      %get3A_163 = arith.index_cast %mul3A_162 : i32 to index
      %get3A_164 = tpu.vector_load %arg5[%get3A_163] {strides = array<i32>} : memref<69120xf32, #tpu.memory_space<vmem>>, vector<16xf32>,
      %bitcast_convert_type3A_165 = tpu.bitcast %get3A_164 : vector<16xf32> -> vector<16xi32>
      %gt3A_166 = arith.constant 5.000000e-02 : f32
      %gt3A_167 = vector.broadcast %gt3A_166 : f32 to vector<16xf32>
      %gt3A_168 = arith.cmpf ogt, %get3A_164, %gt3A_167 : vector<16xf32>
      %sub3A_169 = arith.constant 1023410176 : i32
      %sub3A_170 = vector.broadcast %sub3A_169 : i32 to vector<16xi32>
      %sub3A_171 = arith.subi %bitcast_convert_type3A_165, %sub3A_170 : vector<16xi32>
      %shift_right_logical3A_172 = arith.constant 15 : i32
      %shift_right_logical3A_173 = vector.broadcast %shift_right_logical3A_172 : i32 to vector<16xi32>
      %shift_right_logical3A_174 = arith.shrui %sub3A_171, %shift_right_logical3A_173 : vector<16xi32>
      %jit3A_175 = arith.constant 0 : i32
      %broadcast_in_dim3A_176 = vector.broadcast %jit3A_175 : i32 to vector<16xi32>
      %select_n3A_177 = arith.select %gt3A_168, %shift_right_logical3A_174, %broadcast_in_dim3A_176 : vector<16xi1>, vector<16xi32>
      tpu.vector_store_idx %arg6[%select_n3A_177], %broadcast_in_dim3A_11 masked %gt3A_168 {add = true} : memref<2048xi32, #tpu.memory_space<vmem>>[vector<16xi32>], vector<16xi32>, vector<16xi1>
      %select_n3A_178 = arith.select %gt3A_168, %sub3A_171, %broadcast_in_dim3A_13 : vector<16xi1>, vector<16xi32>
      %max3A_179 = arith.maxsi %max3A_156, %select_n3A_178 : vector<16xi32>
      %mul3A_180 = arith.constant 16 : i32
      %mul3A_181 = arith.muli %scan3A_25, %mul3A_180 : i32
      %add3A_182 = arith.constant 7 : i32
      %add3A_183 = arith.addi %mul3A_181, %add3A_182 : i32
      %mul3A_184 = arith.constant 16 : i32
      %mul3A_185 = arith.muli %add3A_183, %mul3A_184 : i32
      %get3A_186 = arith.index_cast %mul3A_185 : i32 to index
      %get3A_187 = tpu.vector_load %arg5[%get3A_186] {strides = array<i32>} : memref<69120xf32, #tpu.memory_space<vmem>>, vector<16xf32>,
      %bitcast_convert_type3A_188 = tpu.bitcast %get3A_187 : vector<16xf32> -> vector<16xi32>
      %gt3A_189 = arith.constant 5.000000e-02 : f32
      %gt3A_190 = vector.broadcast %gt3A_189 : f32 to vector<16xf32>
      %gt3A_191 = arith.cmpf ogt, %get3A_187, %gt3A_190 : vector<16xf32>
      %sub3A_192 = arith.constant 1023410176 : i32
      %sub3A_193 = vector.broadcast %sub3A_192 : i32 to vector<16xi32>
      %sub3A_194 = arith.subi %bitcast_convert_type3A_188, %sub3A_193 : vector<16xi32>
      %shift_right_logical3A_195 = arith.constant 15 : i32
      %shift_right_logical3A_196 = vector.broadcast %shift_right_logical3A_195 : i32 to vector<16xi32>
      %shift_right_logical3A_197 = arith.shrui %sub3A_194, %shift_right_logical3A_196 : vector<16xi32>
      %jit3A_198 = arith.constant 0 : i32
      %broadcast_in_dim3A_199 = vector.broadcast %jit3A_198 : i32 to vector<16xi32>
      %select_n3A_200 = arith.select %gt3A_191, %shift_right_logical3A_197, %broadcast_in_dim3A_199 : vector<16xi1>, vector<16xi32>
      tpu.vector_store_idx %arg6[%select_n3A_200], %broadcast_in_dim3A_11 masked %gt3A_191 {add = true} : memref<2048xi32, #tpu.memory_space<vmem>>[vector<16xi32>], vector<16xi32>, vector<16xi1>
      %select_n3A_201 = arith.select %gt3A_191, %sub3A_194, %broadcast_in_dim3A_13 : vector<16xi1>, vector<16xi32>
      %max3A_202 = arith.maxsi %max3A_179, %select_n3A_201 : vector<16xi32>
      %mul3A_203 = arith.constant 16 : i32
      %mul3A_204 = arith.muli %scan3A_25, %mul3A_203 : i32
      %add3A_205 = arith.constant 8 : i32
      %add3A_206 = arith.addi %mul3A_204, %add3A_205 : i32
      %mul3A_207 = arith.constant 16 : i32
      %mul3A_208 = arith.muli %add3A_206, %mul3A_207 : i32
      %get3A_209 = arith.index_cast %mul3A_208 : i32 to index
      %get3A_210 = tpu.vector_load %arg5[%get3A_209] {strides = array<i32>} : memref<69120xf32, #tpu.memory_space<vmem>>, vector<16xf32>,
      %bitcast_convert_type3A_211 = tpu.bitcast %get3A_210 : vector<16xf32> -> vector<16xi32>
      %gt3A_212 = arith.constant 5.000000e-02 : f32
      %gt3A_213 = vector.broadcast %gt3A_212 : f32 to vector<16xf32>
      %gt3A_214 = arith.cmpf ogt, %get3A_210, %gt3A_213 : vector<16xf32>
      %sub3A_215 = arith.constant 1023410176 : i32
      %sub3A_216 = vector.broadcast %sub3A_215 : i32 to vector<16xi32>
      %sub3A_217 = arith.subi %bitcast_convert_type3A_211, %sub3A_216 : vector<16xi32>
      %shift_right_logical3A_218 = arith.constant 15 : i32
      %shift_right_logical3A_219 = vector.broadcast %shift_right_logical3A_218 : i32 to vector<16xi32>
      %shift_right_logical3A_220 = arith.shrui %sub3A_217, %shift_right_logical3A_219 : vector<16xi32>
      %jit3A_221 = arith.constant 0 : i32
      %broadcast_in_dim3A_222 = vector.broadcast %jit3A_221 : i32 to vector<16xi32>
      %select_n3A_223 = arith.select %gt3A_214, %shift_right_logical3A_220, %broadcast_in_dim3A_222 : vector<16xi1>, vector<16xi32>
      tpu.vector_store_idx %arg6[%select_n3A_223], %broadcast_in_dim3A_11 masked %gt3A_214 {add = true} : memref<2048xi32, #tpu.memory_space<vmem>>[vector<16xi32>], vector<16xi32>, vector<16xi1>
      %select_n3A_224 = arith.select %gt3A_214, %sub3A_217, %broadcast_in_dim3A_13 : vector<16xi1>, vector<16xi32>
      %max3A_225 = arith.maxsi %max3A_202, %select_n3A_224 : vector<16xi32>
      %mul3A_226 = arith.constant 16 : i32
      %mul3A_227 = arith.muli %scan3A_25, %mul3A_226 : i32
      %add3A_228 = arith.constant 9 : i32
      %add3A_229 = arith.addi %mul3A_227, %add3A_228 : i32
      %mul3A_230 = arith.constant 16 : i32
      %mul3A_231 = arith.muli %add3A_229, %mul3A_230 : i32
      %get3A_232 = arith.index_cast %mul3A_231 : i32 to index
      %get3A_233 = tpu.vector_load %arg5[%get3A_232] {strides = array<i32>} : memref<69120xf32, #tpu.memory_space<vmem>>, vector<16xf32>,
      %bitcast_convert_type3A_234 = tpu.bitcast %get3A_233 : vector<16xf32> -> vector<16xi32>
      %gt3A_235 = arith.constant 5.000000e-02 : f32
      %gt3A_236 = vector.broadcast %gt3A_235 : f32 to vector<16xf32>
      %gt3A_237 = arith.cmpf ogt, %get3A_233, %gt3A_236 : vector<16xf32>
      %sub3A_238 = arith.constant 1023410176 : i32
      %sub3A_239 = vector.broadcast %sub3A_238 : i32 to vector<16xi32>
      %sub3A_240 = arith.subi %bitcast_convert_type3A_234, %sub3A_239 : vector<16xi32>
      %shift_right_logical3A_241 = arith.constant 15 : i32
      %shift_right_logical3A_242 = vector.broadcast %shift_right_logical3A_241 : i32 to vector<16xi32>
      %shift_right_logical3A_243 = arith.shrui %sub3A_240, %shift_right_logical3A_242 : vector<16xi32>
      %jit3A_244 = arith.constant 0 : i32
      %broadcast_in_dim3A_245 = vector.broadcast %jit3A_244 : i32 to vector<16xi32>
      %select_n3A_246 = arith.select %gt3A_237, %shift_right_logical3A_243, %broadcast_in_dim3A_245 : vector<16xi1>, vector<16xi32>
      tpu.vector_store_idx %arg6[%select_n3A_246], %broadcast_in_dim3A_11 masked %gt3A_237 {add = true} : memref<2048xi32, #tpu.memory_space<vmem>>[vector<16xi32>], vector<16xi32>, vector<16xi1>
      %select_n3A_247 = arith.select %gt3A_237, %sub3A_240, %broadcast_in_dim3A_13 : vector<16xi1>, vector<16xi32>
      %max3A_248 = arith.maxsi %max3A_225, %select_n3A_247 : vector<16xi32>
      %mul3A_249 = arith.constant 16 : i32
      %mul3A_250 = arith.muli %scan3A_25, %mul3A_249 : i32
      %add3A_251 = arith.constant 10 : i32
      %add3A_252 = arith.addi %mul3A_250, %add3A_251 : i32
      %mul3A_253 = arith.constant 16 : i32
      %mul3A_254 = arith.muli %add3A_252, %mul3A_253 : i32
      %get3A_255 = arith.index_cast %mul3A_254 : i32 to index
      %get3A_256 = tpu.vector_load %arg5[%get3A_255] {strides = array<i32>} : memref<69120xf32, #tpu.memory_space<vmem>>, vector<16xf32>,
      %bitcast_convert_type3A_257 = tpu.bitcast %get3A_256 : vector<16xf32> -> vector<16xi32>
      %gt3A_258 = arith.constant 5.000000e-02 : f32
      %gt3A_259 = vector.broadcast %gt3A_258 : f32 to vector<16xf32>
      %gt3A_260 = arith.cmpf ogt, %get3A_256, %gt3A_259 : vector<16xf32>
      %sub3A_261 = arith.constant 1023410176 : i32
      %sub3A_262 = vector.broadcast %sub3A_261 : i32 to vector<16xi32>
      %sub3A_263 = arith.subi %bitcast_convert_type3A_257, %sub3A_262 : vector<16xi32>
      %shift_right_logical3A_264 = arith.constant 15 : i32
      %shift_right_logical3A_265 = vector.broadcast %shift_right_logical3A_264 : i32 to vector<16xi32>
      %shift_right_logical3A_266 = arith.shrui %sub3A_263, %shift_right_logical3A_265 : vector<16xi32>
      %jit3A_267 = arith.constant 0 : i32
      %broadcast_in_dim3A_268 = vector.broadcast %jit3A_267 : i32 to vector<16xi32>
      %select_n3A_269 = arith.select %gt3A_260, %shift_right_logical3A_266, %broadcast_in_dim3A_268 : vector<16xi1>, vector<16xi32>
      tpu.vector_store_idx %arg6[%select_n3A_269], %broadcast_in_dim3A_11 masked %gt3A_260 {add = true} : memref<2048xi32, #tpu.memory_space<vmem>>[vector<16xi32>], vector<16xi32>, vector<16xi1>
      %select_n3A_270 = arith.select %gt3A_260, %sub3A_263, %broadcast_in_dim3A_13 : vector<16xi1>, vector<16xi32>
      %max3A_271 = arith.maxsi %max3A_248, %select_n3A_270 : vector<16xi32>
      %mul3A_272 = arith.constant 16 : i32
      %mul3A_273 = arith.muli %scan3A_25, %mul3A_272 : i32
      %add3A_274 = arith.constant 11 : i32
      %add3A_275 = arith.addi %mul3A_273, %add3A_274 : i32
      %mul3A_276 = arith.constant 16 : i32
      %mul3A_277 = arith.muli %add3A_275, %mul3A_276 : i32
      %get3A_278 = arith.index_cast %mul3A_277 : i32 to index
      %get3A_279 = tpu.vector_load %arg5[%get3A_278] {strides = array<i32>} : memref<69120xf32, #tpu.memory_space<vmem>>, vector<16xf32>,
      %bitcast_convert_type3A_280 = tpu.bitcast %get3A_279 : vector<16xf32> -> vector<16xi32>
      %gt3A_281 = arith.constant 5.000000e-02 : f32
      %gt3A_282 = vector.broadcast %gt3A_281 : f32 to vector<16xf32>
      %gt3A_283 = arith.cmpf ogt, %get3A_279, %gt3A_282 : vector<16xf32>
      %sub3A_284 = arith.constant 1023410176 : i32
      %sub3A_285 = vector.broadcast %sub3A_284 : i32 to vector<16xi32>
      %sub3A_286 = arith.subi %bitcast_convert_type3A_280, %sub3A_285 : vector<16xi32>
      %shift_right_logical3A_287 = arith.constant 15 : i32
      %shift_right_logical3A_288 = vector.broadcast %shift_right_logical3A_287 : i32 to vector<16xi32>
      %shift_right_logical3A_289 = arith.shrui %sub3A_286, %shift_right_logical3A_288 : vector<16xi32>
      %jit3A_290 = arith.constant 0 : i32
      %broadcast_in_dim3A_291 = vector.broadcast %jit3A_290 : i32 to vector<16xi32>
      %select_n3A_292 = arith.select %gt3A_283, %shift_right_logical3A_289, %broadcast_in_dim3A_291 : vector<16xi1>, vector<16xi32>
      tpu.vector_store_idx %arg6[%select_n3A_292], %broadcast_in_dim3A_11 masked %gt3A_283 {add = true} : memref<2048xi32, #tpu.memory_space<vmem>>[vector<16xi32>], vector<16xi32>, vector<16xi1>
      %select_n3A_293 = arith.select %gt3A_283, %sub3A_286, %broadcast_in_dim3A_13 : vector<16xi1>, vector<16xi32>
      %max3A_294 = arith.maxsi %max3A_271, %select_n3A_293 : vector<16xi32>
      %mul3A_295 = arith.constant 16 : i32
      %mul3A_296 = arith.muli %scan3A_25, %mul3A_295 : i32
      %add3A_297 = arith.constant 12 : i32
      %add3A_298 = arith.addi %mul3A_296, %add3A_297 : i32
      %mul3A_299 = arith.constant 16 : i32
      %mul3A_300 = arith.muli %add3A_298, %mul3A_299 : i32
      %get3A_301 = arith.index_cast %mul3A_300 : i32 to index
      %get3A_302 = tpu.vector_load %arg5[%get3A_301] {strides = array<i32>} : memref<69120xf32, #tpu.memory_space<vmem>>, vector<16xf32>,
      %bitcast_convert_type3A_303 = tpu.bitcast %get3A_302 : vector<16xf32> -> vector<16xi32>
      %gt3A_304 = arith.constant 5.000000e-02 : f32
      %gt3A_305 = vector.broadcast %gt3A_304 : f32 to vector<16xf32>
      %gt3A_306 = arith.cmpf ogt, %get3A_302, %gt3A_305 : vector<16xf32>
      %sub3A_307 = arith.constant 1023410176 : i32
      %sub3A_308 = vector.broadcast %sub3A_307 : i32 to vector<16xi32>
      %sub3A_309 = arith.subi %bitcast_convert_type3A_303, %sub3A_308 : vector<16xi32>
      %shift_right_logical3A_310 = arith.constant 15 : i32
      %shift_right_logical3A_311 = vector.broadcast %shift_right_logical3A_310 : i32 to vector<16xi32>
      %shift_right_logical3A_312 = arith.shrui %sub3A_309, %shift_right_logical3A_311 : vector<16xi32>
      %jit3A_313 = arith.constant 0 : i32
      %broadcast_in_dim3A_314 = vector.broadcast %jit3A_313 : i32 to vector<16xi32>
      %select_n3A_315 = arith.select %gt3A_306, %shift_right_logical3A_312, %broadcast_in_dim3A_314 : vector<16xi1>, vector<16xi32>
      tpu.vector_store_idx %arg6[%select_n3A_315], %broadcast_in_dim3A_11 masked %gt3A_306 {add = true} : memref<2048xi32, #tpu.memory_space<vmem>>[vector<16xi32>], vector<16xi32>, vector<16xi1>
      %select_n3A_316 = arith.select %gt3A_306, %sub3A_309, %broadcast_in_dim3A_13 : vector<16xi1>, vector<16xi32>
      %max3A_317 = arith.maxsi %max3A_294, %select_n3A_316 : vector<16xi32>
      %mul3A_318 = arith.constant 16 : i32
      %mul3A_319 = arith.muli %scan3A_25, %mul3A_318 : i32
      %add3A_320 = arith.constant 13 : i32
      %add3A_321 = arith.addi %mul3A_319, %add3A_320 : i32
      %mul3A_322 = arith.constant 16 : i32
      %mul3A_323 = arith.muli %add3A_321, %mul3A_322 : i32
      %get3A_324 = arith.index_cast %mul3A_323 : i32 to index
      %get3A_325 = tpu.vector_load %arg5[%get3A_324] {strides = array<i32>} : memref<69120xf32, #tpu.memory_space<vmem>>, vector<16xf32>,
      %bitcast_convert_type3A_326 = tpu.bitcast %get3A_325 : vector<16xf32> -> vector<16xi32>
      %gt3A_327 = arith.constant 5.000000e-02 : f32
      %gt3A_328 = vector.broadcast %gt3A_327 : f32 to vector<16xf32>
      %gt3A_329 = arith.cmpf ogt, %get3A_325, %gt3A_328 : vector<16xf32>
      %sub3A_330 = arith.constant 1023410176 : i32
      %sub3A_331 = vector.broadcast %sub3A_330 : i32 to vector<16xi32>
      %sub3A_332 = arith.subi %bitcast_convert_type3A_326, %sub3A_331 : vector<16xi32>
      %shift_right_logical3A_333 = arith.constant 15 : i32
      %shift_right_logical3A_334 = vector.broadcast %shift_right_logical3A_333 : i32 to vector<16xi32>
      %shift_right_logical3A_335 = arith.shrui %sub3A_332, %shift_right_logical3A_334 : vector<16xi32>
      %jit3A_336 = arith.constant 0 : i32
      %broadcast_in_dim3A_337 = vector.broadcast %jit3A_336 : i32 to vector<16xi32>
      %select_n3A_338 = arith.select %gt3A_329, %shift_right_logical3A_335, %broadcast_in_dim3A_337 : vector<16xi1>, vector<16xi32>
      tpu.vector_store_idx %arg6[%select_n3A_338], %broadcast_in_dim3A_11 masked %gt3A_329 {add = true} : memref<2048xi32, #tpu.memory_space<vmem>>[vector<16xi32>], vector<16xi32>, vector<16xi1>
      %select_n3A_339 = arith.select %gt3A_329, %sub3A_332, %broadcast_in_dim3A_13 : vector<16xi1>, vector<16xi32>
      %max3A_340 = arith.maxsi %max3A_317, %select_n3A_339 : vector<16xi32>
      %mul3A_341 = arith.constant 16 : i32
      %mul3A_342 = arith.muli %scan3A_25, %mul3A_341 : i32
      %add3A_343 = arith.constant 14 : i32
      %add3A_344 = arith.addi %mul3A_342, %add3A_343 : i32
      %mul3A_345 = arith.constant 16 : i32
      %mul3A_346 = arith.muli %add3A_344, %mul3A_345 : i32
      %get3A_347 = arith.index_cast %mul3A_346 : i32 to index
      %get3A_348 = tpu.vector_load %arg5[%get3A_347] {strides = array<i32>} : memref<69120xf32, #tpu.memory_space<vmem>>, vector<16xf32>,
      %bitcast_convert_type3A_349 = tpu.bitcast %get3A_348 : vector<16xf32> -> vector<16xi32>
      %gt3A_350 = arith.constant 5.000000e-02 : f32
      %gt3A_351 = vector.broadcast %gt3A_350 : f32 to vector<16xf32>
      %gt3A_352 = arith.cmpf ogt, %get3A_348, %gt3A_351 : vector<16xf32>
      %sub3A_353 = arith.constant 1023410176 : i32
      %sub3A_354 = vector.broadcast %sub3A_353 : i32 to vector<16xi32>
      %sub3A_355 = arith.subi %bitcast_convert_type3A_349, %sub3A_354 : vector<16xi32>
      %shift_right_logical3A_356 = arith.constant 15 : i32
      %shift_right_logical3A_357 = vector.broadcast %shift_right_logical3A_356 : i32 to vector<16xi32>
      %shift_right_logical3A_358 = arith.shrui %sub3A_355, %shift_right_logical3A_357 : vector<16xi32>
      %jit3A_359 = arith.constant 0 : i32
      %broadcast_in_dim3A_360 = vector.broadcast %jit3A_359 : i32 to vector<16xi32>
      %select_n3A_361 = arith.select %gt3A_352, %shift_right_logical3A_358, %broadcast_in_dim3A_360 : vector<16xi1>, vector<16xi32>
      tpu.vector_store_idx %arg6[%select_n3A_361], %broadcast_in_dim3A_11 masked %gt3A_352 {add = true} : memref<2048xi32, #tpu.memory_space<vmem>>[vector<16xi32>], vector<16xi32>, vector<16xi1>
      %select_n3A_362 = arith.select %gt3A_352, %sub3A_355, %broadcast_in_dim3A_13 : vector<16xi1>, vector<16xi32>
      %max3A_363 = arith.maxsi %max3A_340, %select_n3A_362 : vector<16xi32>
      %mul3A_364 = arith.constant 16 : i32
      %mul3A_365 = arith.muli %scan3A_25, %mul3A_364 : i32
      %add3A_366 = arith.constant 15 : i32
      %add3A_367 = arith.addi %mul3A_365, %add3A_366 : i32
      %mul3A_368 = arith.constant 16 : i32
      %mul3A_369 = arith.muli %add3A_367, %mul3A_368 : i32
      %get3A_370 = arith.index_cast %mul3A_369 : i32 to index
      %get3A_371 = tpu.vector_load %arg5[%get3A_370] {strides = array<i32>} : memref<69120xf32, #tpu.memory_space<vmem>>, vector<16xf32>,
      %bitcast_convert_type3A_372 = tpu.bitcast %get3A_371 : vector<16xf32> -> vector<16xi32>
      %gt3A_373 = arith.constant 5.000000e-02 : f32
      %gt3A_374 = vector.broadcast %gt3A_373 : f32 to vector<16xf32>
      %gt3A_375 = arith.cmpf ogt, %get3A_371, %gt3A_374 : vector<16xf32>
      %sub3A_376 = arith.constant 1023410176 : i32
      %sub3A_377 = vector.broadcast %sub3A_376 : i32 to vector<16xi32>
      %sub3A_378 = arith.subi %bitcast_convert_type3A_372, %sub3A_377 : vector<16xi32>
      %shift_right_logical3A_379 = arith.constant 15 : i32
      %shift_right_logical3A_380 = vector.broadcast %shift_right_logical3A_379 : i32 to vector<16xi32>
      %shift_right_logical3A_381 = arith.shrui %sub3A_378, %shift_right_logical3A_380 : vector<16xi32>
      %jit3A_382 = arith.constant 0 : i32
      %broadcast_in_dim3A_383 = vector.broadcast %jit3A_382 : i32 to vector<16xi32>
      %select_n3A_384 = arith.select %gt3A_375, %shift_right_logical3A_381, %broadcast_in_dim3A_383 : vector<16xi1>, vector<16xi32>
      tpu.vector_store_idx %arg6[%select_n3A_384], %broadcast_in_dim3A_11 masked %gt3A_375 {add = true} : memref<2048xi32, #tpu.memory_space<vmem>>[vector<16xi32>], vector<16xi32>, vector<16xi1>
      %select_n3A_385 = arith.select %gt3A_375, %sub3A_378, %broadcast_in_dim3A_13 : vector<16xi1>, vector<16xi32>
      %max3A_386 = arith.maxsi %max3A_363, %select_n3A_385 : vector<16xi32>
      %mul3A_387 = arith.constant 16 : i32
      %mul3A_388 = arith.muli %scan3A_25, %mul3A_387 : i32
      %swap3A = arith.index_cast %mul3A_388 : i32 to index
      %swap3A_389 = tpu.vector_load %arg7[%swap3A] {strides = array<i32>} : memref<4320xi32, #tpu.memory_space<vmem>>, vector<16xi32>,
      tpu.vector_store %arg7[%swap3A], %max3A_386 {strides = array<i32>} : memref<4320xi32, #tpu.memory_space<vmem>>, vector<16xi32>,
      %scan3A_390 = arith.constant 0 : i32
      scf.yield %scan3A_390 : i32
    }
    %scan3A_20 = arith.constant 270 : i32
    %mul3A_21 = arith.constant 4320 : i32
    %mul3A_22 = arith.muli %add3A, %mul3A_21 : i32
    "tpu.region"() ({
      %run_scoped3A = tpu.sem_alloc : memref<!tpu.dma_semaphore, #tpu.memory_space<semaphore_mem>>
      %dma_start3A = tpu.memref_slice %arg4[%mul3A_22] : memref<138240xi32, #tpu.memory_space<hbm>> -> memref<4320xi32, #tpu.memory_space<hbm>>
      %dma_start3A_25 = tpu.memref_slice %arg4[%mul3A_22] : memref<138240xi32, #tpu.memory_space<hbm>> -> memref<4320xi32, #tpu.memory_space<hbm>>
      tpu.enqueue_dma source(%arg7 : memref<4320xi32, #tpu.memory_space<vmem>>) target(%dma_start3A_25 : memref<4320xi32, #tpu.memory_space<hbm>>) target_semaphore(%run_scoped3A : memref<!tpu.dma_semaphore, #tpu.memory_space<semaphore_mem>>)
      %dma_wait3A = tpu.memref_slice %arg4[%mul3A_22] : memref<138240xi32, #tpu.memory_space<hbm>> -> memref<4320xi32, #tpu.memory_space<hbm>>
      %dma_wait3A_26 = tpu.memref_slice %arg4[%mul3A_22] : memref<138240xi32, #tpu.memory_space<hbm>> -> memref<4320xi32, #tpu.memory_space<hbm>>
      tpu.wait_dma2 semaphore(%run_scoped3A : memref<!tpu.dma_semaphore, #tpu.memory_space<semaphore_mem>>) src(%arg7 : memref<4320xi32, #tpu.memory_space<vmem>>) dst(%dma_wait3A_26 : memref<4320xi32, #tpu.memory_space<hbm>>)
      tpu.yield
    }) : () -> ()
    "tpu.region"() ({
      %run_scoped3A = tpu.sem_alloc : memref<!tpu.dma_semaphore, #tpu.memory_space<semaphore_mem>>
      %dma_start3A = arith.constant 0 : i32
      %dma_start3A_25 = tpu.memref_slice %arg8[%arg1, %dma_start3A] : memref<16x2048xi32, #tpu.memory_space<vmem_shared>> -> memref<1x2048xi32, #tpu.memory_space<vmem_shared>>
      %dma_start3A_26 = tpu.memref_squeeze %dma_start3A_25 : memref<1x2048xi32, #tpu.memory_space<vmem_shared>> -> memref<2048xi32, #tpu.memory_space<vmem_shared>>
      %dma_start3A_27 = arith.constant 0 : i32
      %dma_start3A_28 = tpu.memref_slice %arg8[%arg1, %dma_start3A_27] : memref<16x2048xi32, #tpu.memory_space<vmem_shared>> -> memref<1x2048xi32, #tpu.memory_space<vmem_shared>>
      %dma_start3A_29 = tpu.memref_squeeze %dma_start3A_28 : memref<1x2048xi32, #tpu.memory_space<vmem_shared>> -> memref<2048xi32, #tpu.memory_space<vmem_shared>>
      tpu.enqueue_dma source(%arg6 : memref<2048xi32, #tpu.memory_space<vmem>>) target(%dma_start3A_29 : memref<2048xi32, #tpu.memory_space<vmem_shared>>) target_semaphore(%run_scoped3A : memref<!tpu.dma_semaphore, #tpu.memory_space<semaphore_mem>>)
      %dma_wait3A = arith.constant 0 : i32
      %dma_wait3A_30 = tpu.memref_slice %arg8[%arg1, %dma_wait3A] : memref<16x2048xi32, #tpu.memory_space<vmem_shared>> -> memref<1x2048xi32, #tpu.memory_space<vmem_shared>>
      %dma_wait3A_31 = tpu.memref_squeeze %dma_wait3A_30 : memref<1x2048xi32, #tpu.memory_space<vmem_shared>> -> memref<2048xi32, #tpu.memory_space<vmem_shared>>
      %dma_wait3A_32 = arith.constant 0 : i32
      %dma_wait3A_33 = tpu.memref_slice %arg8[%arg1, %dma_wait3A_32] : memref<16x2048xi32, #tpu.memory_space<vmem_shared>> -> memref<1x2048xi32, #tpu.memory_space<vmem_shared>>
      %dma_wait3A_34 = tpu.memref_squeeze %dma_wait3A_33 : memref<1x2048xi32, #tpu.memory_space<vmem_shared>> -> memref<2048xi32, #tpu.memory_space<vmem_shared>>
      tpu.wait_dma2 semaphore(%run_scoped3A : memref<!tpu.dma_semaphore, #tpu.memory_space<semaphore_mem>>) src(%arg6 : memref<2048xi32, #tpu.memory_space<vmem>>) dst(%dma_wait3A_34 : memref<2048xi32, #tpu.memory_space<vmem_shared>>)
      tpu.yield
    }) : () -> ()
    %barrier3A = arith.constant 0 : index
    tpu.barrier barrier_id(%barrier3A)
    %eq3A = arith.constant 0 : i32
    %eq3A_23 = arith.cmpi eq, %arg1, %eq3A : i32
    %convert_element_type3A = arith.extui %eq3A_23 : i1 to i32
    %cond3A = arith.constant 0 : i32
    %cond3A_24 = arith.cmpi ne, %convert_element_type3A, %cond3A : i32
    scf.if %cond3A_24 {
      "tpu.region"() ({
        %run_scoped3A = tpu.sem_alloc : memref<!tpu.dma_semaphore, #tpu.memory_space<semaphore_mem>>
        tpu.enqueue_dma source(%arg8 : memref<16x2048xi32, #tpu.memory_space<vmem_shared>>) target(%arg9 : memref<16x2048xi32, #tpu.memory_space<vmem>>) target_semaphore(%run_scoped3A : memref<!tpu.dma_semaphore, #tpu.memory_space<semaphore_mem>>)
        tpu.wait_dma2 semaphore(%run_scoped3A : memref<!tpu.dma_semaphore, #tpu.memory_space<semaphore_mem>>) src(%arg8 : memref<16x2048xi32, #tpu.memory_space<vmem_shared>>) dst(%arg9 : memref<16x2048xi32, #tpu.memory_space<vmem>>)
        tpu.yield
      }) : () -> ()
      %scan3A_25 = arith.constant 0 : i32
      %scan3A_26 = arith.constant 0 : i32
      %scan3A_27 = arith.constant 128 : i32
      %scan3A_28 = arith.addi %scan3A_26, %scan3A_27 : i32
      %scan3A_29 = arith.constant 1 : i32
      %scan3A_30 = scf.for %scan3A_32 = %scan3A_26 to %scan3A_28 step %scan3A_29 iter_args(%scan3A_33 = %scan3A_25) -> (i32)  : i32 {
        %mul3A_34 = arith.constant 16 : i32
        %mul3A_35 = arith.muli %scan3A_32, %mul3A_34 : i32
        %get3A = arith.constant 0 : i32
        %get3A_36 = arith.index_cast %get3A : i32 to index
        %get3A_37 = arith.index_cast %mul3A_35 : i32 to index
        %get3A_38 = tpu.vector_load %arg9[%get3A_36, %get3A_37] {strides = array<i32>} : memref<16x2048xi32, #tpu.memory_space<vmem>>, vector<16xi32>,
        %mul3A_39 = arith.constant 16 : i32
        %mul3A_40 = arith.muli %scan3A_32, %mul3A_39 : i32
        %get3A_41 = arith.constant 1 : i32
        %get3A_42 = arith.index_cast %get3A_41 : i32 to index
        %get3A_43 = arith.index_cast %mul3A_40 : i32 to index
        %get3A_44 = tpu.vector_load %arg9[%get3A_42, %get3A_43] {strides = array<i32>} : memref<16x2048xi32, #tpu.memory_space<vmem>>, vector<16xi32>,
        %add3A_45 = arith.addi %get3A_38, %get3A_44 : vector<16xi32>
        %mul3A_46 = arith.constant 16 : i32
        %mul3A_47 = arith.muli %scan3A_32, %mul3A_46 : i32
        %get3A_48 = arith.constant 2 : i32
        %get3A_49 = arith.index_cast %get3A_48 : i32 to index
        %get3A_50 = arith.index_cast %mul3A_47 : i32 to index
        %get3A_51 = tpu.vector_load %arg9[%get3A_49, %get3A_50] {strides = array<i32>} : memref<16x2048xi32, #tpu.memory_space<vmem>>, vector<16xi32>,
        %add3A_52 = arith.addi %add3A_45, %get3A_51 : vector<16xi32>
        %mul3A_53 = arith.constant 16 : i32
        %mul3A_54 = arith.muli %scan3A_32, %mul3A_53 : i32
        %get3A_55 = arith.constant 3 : i32
        %get3A_56 = arith.index_cast %get3A_55 : i32 to index
        %get3A_57 = arith.index_cast %mul3A_54 : i32 to index
        %get3A_58 = tpu.vector_load %arg9[%get3A_56, %get3A_57] {strides = array<i32>} : memref<16x2048xi32, #tpu.memory_space<vmem>>, vector<16xi32>,
        %add3A_59 = arith.addi %add3A_52, %get3A_58 : vector<16xi32>
        %mul3A_60 = arith.constant 16 : i32
        %mul3A_61 = arith.muli %scan3A_32, %mul3A_60 : i32
        %get3A_62 = arith.constant 4 : i32
        %get3A_63 = arith.index_cast %get3A_62 : i32 to index
        %get3A_64 = arith.index_cast %mul3A_61 : i32 to index
        %get3A_65 = tpu.vector_load %arg9[%get3A_63, %get3A_64] {strides = array<i32>} : memref<16x2048xi32, #tpu.memory_space<vmem>>, vector<16xi32>,
        %add3A_66 = arith.addi %add3A_59, %get3A_65 : vector<16xi32>
        %mul3A_67 = arith.constant 16 : i32
        %mul3A_68 = arith.muli %scan3A_32, %mul3A_67 : i32
        %get3A_69 = arith.constant 5 : i32
        %get3A_70 = arith.index_cast %get3A_69 : i32 to index
        %get3A_71 = arith.index_cast %mul3A_68 : i32 to index
        %get3A_72 = tpu.vector_load %arg9[%get3A_70, %get3A_71] {strides = array<i32>} : memref<16x2048xi32, #tpu.memory_space<vmem>>, vector<16xi32>,
        %add3A_73 = arith.addi %add3A_66, %get3A_72 : vector<16xi32>
        %mul3A_74 = arith.constant 16 : i32
        %mul3A_75 = arith.muli %scan3A_32, %mul3A_74 : i32
        %get3A_76 = arith.constant 6 : i32
        %get3A_77 = arith.index_cast %get3A_76 : i32 to index
        %get3A_78 = arith.index_cast %mul3A_75 : i32 to index
        %get3A_79 = tpu.vector_load %arg9[%get3A_77, %get3A_78] {strides = array<i32>} : memref<16x2048xi32, #tpu.memory_space<vmem>>, vector<16xi32>,
        %add3A_80 = arith.addi %add3A_73, %get3A_79 : vector<16xi32>
        %mul3A_81 = arith.constant 16 : i32
        %mul3A_82 = arith.muli %scan3A_32, %mul3A_81 : i32
        %get3A_83 = arith.constant 7 : i32
        %get3A_84 = arith.index_cast %get3A_83 : i32 to index
        %get3A_85 = arith.index_cast %mul3A_82 : i32 to index
        %get3A_86 = tpu.vector_load %arg9[%get3A_84, %get3A_85] {strides = array<i32>} : memref<16x2048xi32, #tpu.memory_space<vmem>>, vector<16xi32>,
        %add3A_87 = arith.addi %add3A_80, %get3A_86 : vector<16xi32>
        %mul3A_88 = arith.constant 16 : i32
        %mul3A_89 = arith.muli %scan3A_32, %mul3A_88 : i32
        %get3A_90 = arith.constant 8 : i32
        %get3A_91 = arith.index_cast %get3A_90 : i32 to index
        %get3A_92 = arith.index_cast %mul3A_89 : i32 to index
        %get3A_93 = tpu.vector_load %arg9[%get3A_91, %get3A_92] {strides = array<i32>} : memref<16x2048xi32, #tpu.memory_space<vmem>>, vector<16xi32>,
        %add3A_94 = arith.addi %add3A_87, %get3A_93 : vector<16xi32>
        %mul3A_95 = arith.constant 16 : i32
        %mul3A_96 = arith.muli %scan3A_32, %mul3A_95 : i32
        %get3A_97 = arith.constant 9 : i32
        %get3A_98 = arith.index_cast %get3A_97 : i32 to index
        %get3A_99 = arith.index_cast %mul3A_96 : i32 to index
        %get3A_100 = tpu.vector_load %arg9[%get3A_98, %get3A_99] {strides = array<i32>} : memref<16x2048xi32, #tpu.memory_space<vmem>>, vector<16xi32>,
        %add3A_101 = arith.addi %add3A_94, %get3A_100 : vector<16xi32>
        %mul3A_102 = arith.constant 16 : i32
        %mul3A_103 = arith.muli %scan3A_32, %mul3A_102 : i32
        %get3A_104 = arith.constant 10 : i32
        %get3A_105 = arith.index_cast %get3A_104 : i32 to index
        %get3A_106 = arith.index_cast %mul3A_103 : i32 to index
        %get3A_107 = tpu.vector_load %arg9[%get3A_105, %get3A_106] {strides = array<i32>} : memref<16x2048xi32, #tpu.memory_space<vmem>>, vector<16xi32>,
        %add3A_108 = arith.addi %add3A_101, %get3A_107 : vector<16xi32>
        %mul3A_109 = arith.constant 16 : i32
        %mul3A_110 = arith.muli %scan3A_32, %mul3A_109 : i32
        %get3A_111 = arith.constant 11 : i32
        %get3A_112 = arith.index_cast %get3A_111 : i32 to index
        %get3A_113 = arith.index_cast %mul3A_110 : i32 to index
        %get3A_114 = tpu.vector_load %arg9[%get3A_112, %get3A_113] {strides = array<i32>} : memref<16x2048xi32, #tpu.memory_space<vmem>>, vector<16xi32>,
        %add3A_115 = arith.addi %add3A_108, %get3A_114 : vector<16xi32>
        %mul3A_116 = arith.constant 16 : i32
        %mul3A_117 = arith.muli %scan3A_32, %mul3A_116 : i32
        %get3A_118 = arith.constant 12 : i32
        %get3A_119 = arith.index_cast %get3A_118 : i32 to index
        %get3A_120 = arith.index_cast %mul3A_117 : i32 to index
        %get3A_121 = tpu.vector_load %arg9[%get3A_119, %get3A_120] {strides = array<i32>} : memref<16x2048xi32, #tpu.memory_space<vmem>>, vector<16xi32>,
        %add3A_122 = arith.addi %add3A_115, %get3A_121 : vector<16xi32>
        %mul3A_123 = arith.constant 16 : i32
        %mul3A_124 = arith.muli %scan3A_32, %mul3A_123 : i32
        %get3A_125 = arith.constant 13 : i32
        %get3A_126 = arith.index_cast %get3A_125 : i32 to index
        %get3A_127 = arith.index_cast %mul3A_124 : i32 to index
        %get3A_128 = tpu.vector_load %arg9[%get3A_126, %get3A_127] {strides = array<i32>} : memref<16x2048xi32, #tpu.memory_space<vmem>>, vector<16xi32>,
        %add3A_129 = arith.addi %add3A_122, %get3A_128 : vector<16xi32>
        %mul3A_130 = arith.constant 16 : i32
        %mul3A_131 = arith.muli %scan3A_32, %mul3A_130 : i32
        %get3A_132 = arith.constant 14 : i32
        %get3A_133 = arith.index_cast %get3A_132 : i32 to index
        %get3A_134 = arith.index_cast %mul3A_131 : i32 to index
        %get3A_135 = tpu.vector_load %arg9[%get3A_133, %get3A_134] {strides = array<i32>} : memref<16x2048xi32, #tpu.memory_space<vmem>>, vector<16xi32>,
        %add3A_136 = arith.addi %add3A_129, %get3A_135 : vector<16xi32>
        %mul3A_137 = arith.constant 16 : i32
        %mul3A_138 = arith.muli %scan3A_32, %mul3A_137 : i32
        %get3A_139 = arith.constant 15 : i32
        %get3A_140 = arith.index_cast %get3A_139 : i32 to index
        %get3A_141 = arith.index_cast %mul3A_138 : i32 to index
        %get3A_142 = tpu.vector_load %arg9[%get3A_140, %get3A_141] {strides = array<i32>} : memref<16x2048xi32, #tpu.memory_space<vmem>>, vector<16xi32>,
        %add3A_143 = arith.addi %add3A_136, %get3A_142 : vector<16xi32>
        %mul3A_144 = arith.constant 16 : i32
        %mul3A_145 = arith.muli %scan3A_32, %mul3A_144 : i32
        %swap3A = arith.index_cast %mul3A_145 : i32 to index
        %swap3A_146 = tpu.vector_load %arg6[%swap3A] {strides = array<i32>} : memref<2048xi32, #tpu.memory_space<vmem>>, vector<16xi32>,
        tpu.vector_store %arg6[%swap3A], %add3A_143 {strides = array<i32>} : memref<2048xi32, #tpu.memory_space<vmem>>, vector<16xi32>,
        %scan3A_147 = arith.constant 0 : i32
        scf.yield %scan3A_147 : i32
      }
      %scan3A_31 = arith.constant 128 : i32
      "tpu.region"() ({
        %run_scoped3A = tpu.sem_alloc : memref<!tpu.dma_semaphore, #tpu.memory_space<semaphore_mem>>
        %dma_start3A = arith.constant 0 : i32
        %dma_start3A_32 = tpu.memref_slice %arg3[%arg0, %dma_start3A] : memref<2x2048xi32, #tpu.memory_space<hbm>> -> memref<1x2048xi32, #tpu.memory_space<hbm>>
        %dma_start3A_33 = tpu.memref_squeeze %dma_start3A_32 : memref<1x2048xi32, #tpu.memory_space<hbm>> -> memref<2048xi32, #tpu.memory_space<hbm>>
        %dma_start3A_34 = arith.constant 0 : i32
        %dma_start3A_35 = tpu.memref_slice %arg3[%arg0, %dma_start3A_34] : memref<2x2048xi32, #tpu.memory_space<hbm>> -> memref<1x2048xi32, #tpu.memory_space<hbm>>
        %dma_start3A_36 = tpu.memref_squeeze %dma_start3A_35 : memref<1x2048xi32, #tpu.memory_space<hbm>> -> memref<2048xi32, #tpu.memory_space<hbm>>
        tpu.enqueue_dma source(%arg6 : memref<2048xi32, #tpu.memory_space<vmem>>) target(%dma_start3A_36 : memref<2048xi32, #tpu.memory_space<hbm>>) target_semaphore(%run_scoped3A : memref<!tpu.dma_semaphore, #tpu.memory_space<semaphore_mem>>)
        %dma_wait3A = arith.constant 0 : i32
        %dma_wait3A_37 = tpu.memref_slice %arg3[%arg0, %dma_wait3A] : memref<2x2048xi32, #tpu.memory_space<hbm>> -> memref<1x2048xi32, #tpu.memory_space<hbm>>
        %dma_wait3A_38 = tpu.memref_squeeze %dma_wait3A_37 : memref<1x2048xi32, #tpu.memory_space<hbm>> -> memref<2048xi32, #tpu.memory_space<hbm>>
        %dma_wait3A_39 = arith.constant 0 : i32
        %dma_wait3A_40 = tpu.memref_slice %arg3[%arg0, %dma_wait3A_39] : memref<2x2048xi32, #tpu.memory_space<hbm>> -> memref<1x2048xi32, #tpu.memory_space<hbm>>
        %dma_wait3A_41 = tpu.memref_squeeze %dma_wait3A_40 : memref<1x2048xi32, #tpu.memory_space<hbm>> -> memref<2048xi32, #tpu.memory_space<hbm>>
        tpu.wait_dma2 semaphore(%run_scoped3A : memref<!tpu.dma_semaphore, #tpu.memory_space<semaphore_mem>>) src(%arg6 : memref<2048xi32, #tpu.memory_space<vmem>>) dst(%dma_wait3A_41 : memref<2048xi32, #tpu.memory_space<hbm>>)
        tpu.yield
      }) : () -> ()
    } else {
    }
    return
  }
}

#map = affine_map<(d0, d1) -> (0)>
#map1 = affine_map<(d0, d1) -> (0, 0)>
module attributes {stable_mosaic.version = 14 : i64} {
  func.func @_sc_compact(%arg0: i32, %arg1: i32, %arg2: memref<2211840xf32, #tpu.memory_space<hbm>>, %arg3: memref<138240xi32, #tpu.memory_space<hbm>>, %arg4: memref<2x2048xi32, #tpu.memory_space<hbm>>, %arg5: memref<32768xi32, #tpu.memory_space<hbm>>, %arg6: memref<32768xi32, #tpu.memory_space<hbm>>, %arg7: memref<4096xi32, #tpu.memory_space<hbm>>, %arg8: memref<16xi32, #tpu.memory_space<hbm>>, %arg9: memref<69120xf32, #tpu.memory_space<vmem>>, %arg10: memref<2x2048xi32, #tpu.memory_space<vmem>>, %arg11: memref<2048xi32, #tpu.memory_space<vmem>>, %arg12: memref<4320xi32, #tpu.memory_space<vmem>>, %arg13: memref<1024xi32, #tpu.memory_space<vmem>>, %arg14: memref<1024xi32, #tpu.memory_space<vmem>>, %arg15: memref<128xi32, #tpu.memory_space<vmem>>, %arg16: memref<16xi32, #tpu.memory_space<vmem>>, %arg17: memref<4xi32, #tpu.memory_space<smem>>) attributes {dimension_semantics = [#tpu.dimension_semantics<core_parallel>, #tpu.dimension_semantics<subcore_parallel>], iteration_bounds = array<i64: 2, 16>, scalar_prefetch = 0 : i64, scratch_operands = 9 : i64, tpu.core_type = #tpu.core_type<sc_vector_subcore>, window_params = [{transform_indices = #map}, {transform_indices = #map}, {transform_indices = #map1}, {transform_indices = #map}, {transform_indices = #map}, {transform_indices = #map}, {transform_indices = #map}]} {
    %mul3A = arith.constant 2 : i32
    %mul3A_0 = arith.muli %arg1, %mul3A : i32
    %add3A = arith.addi %mul3A_0, %arg0 : i32
    %mul3A_1 = arith.constant 69120 : i32
    %mul3A_2 = arith.muli %add3A, %mul3A_1 : i32
    "tpu.region"() ({
      %run_scoped3A = tpu.sem_alloc : memref<!tpu.dma_semaphore, #tpu.memory_space<semaphore_mem>>
      %dma_start3A = tpu.memref_slice %arg2[%mul3A_2] : memref<2211840xf32, #tpu.memory_space<hbm>> -> memref<69120xf32, #tpu.memory_space<hbm>>
      %dma_start3A_49 = tpu.memref_slice %arg2[%mul3A_2] : memref<2211840xf32, #tpu.memory_space<hbm>> -> memref<69120xf32, #tpu.memory_space<hbm>>
      tpu.enqueue_dma source(%dma_start3A_49 : memref<69120xf32, #tpu.memory_space<hbm>>) target(%arg9 : memref<69120xf32, #tpu.memory_space<vmem>>) target_semaphore(%run_scoped3A : memref<!tpu.dma_semaphore, #tpu.memory_space<semaphore_mem>>)
      %dma_wait3A = tpu.memref_slice %arg2[%mul3A_2] : memref<2211840xf32, #tpu.memory_space<hbm>> -> memref<69120xf32, #tpu.memory_space<hbm>>
      %dma_wait3A_50 = tpu.memref_slice %arg2[%mul3A_2] : memref<2211840xf32, #tpu.memory_space<hbm>> -> memref<69120xf32, #tpu.memory_space<hbm>>
      tpu.wait_dma2 semaphore(%run_scoped3A : memref<!tpu.dma_semaphore, #tpu.memory_space<semaphore_mem>>) src(%dma_wait3A_50 : memref<69120xf32, #tpu.memory_space<hbm>>) dst(%arg9 : memref<69120xf32, #tpu.memory_space<vmem>>)
      tpu.yield
    }) : () -> ()
    %mul3A_3 = arith.constant 4320 : i32
    %mul3A_4 = arith.muli %add3A, %mul3A_3 : i32
    "tpu.region"() ({
      %run_scoped3A = tpu.sem_alloc : memref<!tpu.dma_semaphore, #tpu.memory_space<semaphore_mem>>
      %dma_start3A = tpu.memref_slice %arg3[%mul3A_4] : memref<138240xi32, #tpu.memory_space<hbm>> -> memref<4320xi32, #tpu.memory_space<hbm>>
      %dma_start3A_49 = tpu.memref_slice %arg3[%mul3A_4] : memref<138240xi32, #tpu.memory_space<hbm>> -> memref<4320xi32, #tpu.memory_space<hbm>>
      tpu.enqueue_dma source(%dma_start3A_49 : memref<4320xi32, #tpu.memory_space<hbm>>) target(%arg12 : memref<4320xi32, #tpu.memory_space<vmem>>) target_semaphore(%run_scoped3A : memref<!tpu.dma_semaphore, #tpu.memory_space<semaphore_mem>>)
      %dma_wait3A = tpu.memref_slice %arg3[%mul3A_4] : memref<138240xi32, #tpu.memory_space<hbm>> -> memref<4320xi32, #tpu.memory_space<hbm>>
      %dma_wait3A_50 = tpu.memref_slice %arg3[%mul3A_4] : memref<138240xi32, #tpu.memory_space<hbm>> -> memref<4320xi32, #tpu.memory_space<hbm>>
      tpu.wait_dma2 semaphore(%run_scoped3A : memref<!tpu.dma_semaphore, #tpu.memory_space<semaphore_mem>>) src(%dma_wait3A_50 : memref<4320xi32, #tpu.memory_space<hbm>>) dst(%arg12 : memref<4320xi32, #tpu.memory_space<vmem>>)
      tpu.yield
    }) : () -> ()
    "tpu.region"() ({
      %run_scoped3A = tpu.sem_alloc : memref<!tpu.dma_semaphore, #tpu.memory_space<semaphore_mem>>
      tpu.enqueue_dma source(%arg4 : memref<2x2048xi32, #tpu.memory_space<hbm>>) target(%arg10 : memref<2x2048xi32, #tpu.memory_space<vmem>>) target_semaphore(%run_scoped3A : memref<!tpu.dma_semaphore, #tpu.memory_space<semaphore_mem>>)
      tpu.wait_dma2 semaphore(%run_scoped3A : memref<!tpu.dma_semaphore, #tpu.memory_space<semaphore_mem>>) src(%arg4 : memref<2x2048xi32, #tpu.memory_space<hbm>>) dst(%arg10 : memref<2x2048xi32, #tpu.memory_space<vmem>>)
      tpu.yield
    }) : () -> ()
    %scan3A = arith.constant 0 : i32
    %scan3A_5 = arith.constant 0 : i32
    %scan3A_6 = arith.constant 128 : i32
    %scan3A_7 = arith.addi %scan3A_5, %scan3A_6 : i32
    %scan3A_8 = arith.constant 1 : i32
    %scan3A_9 = scf.for %scan3A_49 = %scan3A_5 to %scan3A_7 step %scan3A_8 iter_args(%scan3A_50 = %scan3A) -> (i32)  : i32 {
      %mul3A_51 = arith.constant 16 : i32
      %mul3A_52 = arith.muli %scan3A_49, %mul3A_51 : i32
      %get3A_53 = arith.constant 0 : i32
      %get3A_54 = arith.index_cast %get3A_53 : i32 to index
      %get3A_55 = arith.index_cast %mul3A_52 : i32 to index
      %get3A_56 = tpu.vector_load %arg10[%get3A_54, %get3A_55] {strides = array<i32>} : memref<2x2048xi32, #tpu.memory_space<vmem>>, vector<16xi32>,
      %mul3A_57 = arith.constant 16 : i32
      %mul3A_58 = arith.muli %scan3A_49, %mul3A_57 : i32
      %get3A_59 = arith.constant 1 : i32
      %get3A_60 = arith.index_cast %get3A_59 : i32 to index
      %get3A_61 = arith.index_cast %mul3A_58 : i32 to index
      %get3A_62 = tpu.vector_load %arg10[%get3A_60, %get3A_61] {strides = array<i32>} : memref<2x2048xi32, #tpu.memory_space<vmem>>, vector<16xi32>,
      %add3A_63 = arith.addi %get3A_56, %get3A_62 : vector<16xi32>
      %mul3A_64 = arith.constant 16 : i32
      %mul3A_65 = arith.muli %scan3A_49, %mul3A_64 : i32
      %swap3A_66 = arith.index_cast %mul3A_65 : i32 to index
      %swap3A_67 = tpu.vector_load %arg11[%swap3A_66] {strides = array<i32>} : memref<2048xi32, #tpu.memory_space<vmem>>, vector<16xi32>,
      tpu.vector_store %arg11[%swap3A_66], %add3A_63 {strides = array<i32>} : memref<2048xi32, #tpu.memory_space<vmem>>, vector<16xi32>,
      %scan3A_68 = arith.constant 0 : i32
      scf.yield %scan3A_68 : i32
    }
    %scan3A_10 = arith.constant 128 : i32
    %iota3A = tpu.iota {dimensions = array<i32: 0>} : vector<16xi32>
    %while3A = arith.constant 2000 : i32
    %while3A_11 = arith.constant -2147483647 : i32
    %while3A_12 = arith.constant false
    %while3A_13 = arith.constant 0 : i32
    %while3A_14 = arith.constant -1 : i32
    %while3A_15 = arith.constant 0 : i32
    %while3A_16 = arith.constant 0 : i32
    %while3A_17:5 = scf.while (%while3A_49 = %while3A_12, %while3A_50 = %while3A_13, %while3A_51 = %while3A_14, %while3A_52 = %while3A_15, %while3A_53 = %while3A_16) : (i1, i32, i32, i32, i32) -> (i1, i32, i32, i32, i32) {
      %not3A = arith.constant true
      %not3A_54 = arith.xori %while3A_49, %not3A : i1
      %lt3A = arith.constant 128 : i32
      %lt3A_55 = arith.cmpi slt, %while3A_50, %lt3A : i32
      %and3A = arith.andi %not3A_54, %lt3A_55 : i1
      scf.condition(%and3A) %while3A_49, %while3A_50, %while3A_51, %while3A_52, %while3A_53 : i1, i32, i32, i32, i32
    } do {
    ^bb0(%while3A_49: i1, %while3A_50: i32, %while3A_51: i32, %while3A_52: i32, %while3A_53: i32):
      %sub3A = arith.constant 127 : i32
      %sub3A_54 = arith.subi %sub3A, %while3A_50 : i32
      %mul3A_55 = arith.constant 16 : i32
      %mul3A_56 = arith.muli %sub3A_54, %mul3A_55 : i32
      %get3A_57 = arith.index_cast %mul3A_56 : i32 to index
      %get3A_58 = tpu.vector_load %arg11[%get3A_57] {strides = array<i32>} : memref<2048xi32, #tpu.memory_space<vmem>>, vector<16xi32>,
      %broadcast_in_dim3A = arith.constant true
      %broadcast_in_dim3A_59 = vector.broadcast %broadcast_in_dim3A : i1 to vector<16xi1>
      %masked_cumsum3A = tpu.scan <sum>, %get3A_58 masked %broadcast_in_dim3A_59 : vector<16xi32>, vector<16xi1> -> vector<16xi32>
      %reduce_max3A = arith.constant true
      %reduce_max3A_60 = vector.broadcast %reduce_max3A : i1 to vector<16xi1>
      %reduce_max3A_61 = arith.constant -2147483648 : i32
      %reduce_max3A_62 = vector.broadcast %reduce_max3A_61 : i32 to vector<16xi32>
      %reduce_max3A_63 = arith.xori %masked_cumsum3A, %reduce_max3A_62 : vector<16xi32>
      %reduce_max3A_64 = tpu.scan <max>, %reduce_max3A_63 masked %reduce_max3A_60 : vector<16xi32>, vector<16xi1> -> vector<16xi32>
      %reduce_max3A_65 = arith.xori %reduce_max3A_64, %reduce_max3A_62 : vector<16xi32>
      %reduce_max3A_66 = vector.extract %reduce_max3A_65[15] : i32 from vector<16xi32>
      %add3A_67 = arith.addi %while3A_53, %reduce_max3A_66 : i32
      %sub3A_68 = arith.subi %masked_cumsum3A, %get3A_58 : vector<16xi32>
      %sub3A_69 = vector.broadcast %add3A_67 : i32 to vector<16xi32>
      %sub3A_70 = arith.subi %sub3A_69, %sub3A_68 : vector<16xi32>
      %ge3A = vector.broadcast %while3A : i32 to vector<16xi32>
      %ge3A_71 = arith.cmpi sge, %sub3A_70, %ge3A : vector<16xi32>
      %add3A_72 = arith.addi %while3A_53, %reduce_max3A_66 : i32
      %ge3A_73 = arith.cmpi sge, %add3A_72, %while3A : i32
      %jit3A_74 = arith.constant -1 : i32
      %broadcast_in_dim3A_75 = vector.broadcast %jit3A_74 : i32 to vector<16xi32>
      %select_n3A_76 = arith.select %ge3A_71, %iota3A, %broadcast_in_dim3A_75 : vector<16xi1>, vector<16xi32>
      %reduce_max3A_77 = arith.constant true
      %reduce_max3A_78 = vector.broadcast %reduce_max3A_77 : i1 to vector<16xi1>
      %reduce_max3A_79 = arith.constant -2147483648 : i32
      %reduce_max3A_80 = vector.broadcast %reduce_max3A_79 : i32 to vector<16xi32>
      %reduce_max3A_81 = arith.xori %select_n3A_76, %reduce_max3A_80 : vector<16xi32>
      %reduce_max3A_82 = tpu.scan <max>, %reduce_max3A_81 masked %reduce_max3A_78 : vector<16xi32>, vector<16xi1> -> vector<16xi32>
      %reduce_max3A_83 = arith.xori %reduce_max3A_82, %reduce_max3A_80 : vector<16xi32>
      %reduce_max3A_84 = vector.extract %reduce_max3A_83[15] : i32 from vector<16xi32>
      %eq3A_85 = vector.broadcast %reduce_max3A_84 : i32 to vector<16xi32>
      %eq3A_86 = arith.cmpi eq, %iota3A, %eq3A_85 : vector<16xi32>
      %broadcast_in_dim3A_87 = vector.broadcast %while3A_11 : i32 to vector<16xi32>
      %select_n3A_88 = arith.select %eq3A_86, %masked_cumsum3A, %broadcast_in_dim3A_87 : vector<16xi1>, vector<16xi32>
      %reduce_max3A_89 = arith.constant true
      %reduce_max3A_90 = vector.broadcast %reduce_max3A_89 : i1 to vector<16xi1>
      %reduce_max3A_91 = arith.constant -2147483648 : i32
      %reduce_max3A_92 = vector.broadcast %reduce_max3A_91 : i32 to vector<16xi32>
      %reduce_max3A_93 = arith.xori %select_n3A_88, %reduce_max3A_92 : vector<16xi32>
      %reduce_max3A_94 = tpu.scan <max>, %reduce_max3A_93 masked %reduce_max3A_90 : vector<16xi32>, vector<16xi1> -> vector<16xi32>
      %reduce_max3A_95 = arith.xori %reduce_max3A_94, %reduce_max3A_92 : vector<16xi32>
      %reduce_max3A_96 = vector.extract %reduce_max3A_95[15] : i32 from vector<16xi32>
      %mul3A_97 = arith.constant 16 : i32
      %mul3A_98 = arith.muli %sub3A_54, %mul3A_97 : i32
      %add3A_99 = arith.addi %mul3A_98, %reduce_max3A_84 : i32
      %add3A_100 = arith.addi %while3A_53, %reduce_max3A_66 : i32
      %sub3A_101 = arith.subi %add3A_100, %reduce_max3A_96 : i32
      %add3A_102 = arith.constant 1 : i32
      %add3A_103 = arith.addi %while3A_50, %add3A_102 : i32
      %select_n3A_104 = arith.select %ge3A_73, %add3A_99, %while3A_51 : i32
      %select_n3A_105 = arith.select %ge3A_73, %sub3A_101, %while3A_52 : i32
      %add3A_106 = arith.addi %while3A_53, %reduce_max3A_66 : i32
      scf.yield %ge3A_73, %add3A_103, %select_n3A_104, %select_n3A_105, %add3A_106 : i1, i32, i32, i32, i32
    }
    %jit3A = arith.constant -1 : i32
    %select_n3A = arith.select %while3A_17#0, %while3A_17#2, %jit3A : i32
    %mul3A_18 = arith.constant 32768 : i32
    %mul3A_19 = arith.muli %select_n3A, %mul3A_18 : i32
    %iota3A_20 = tpu.iota {dimensions = array<i32: 0>} : vector<16xi32>
    %swap3A = arith.constant 0 : i32
    %swap3A_21 = arith.constant 0 : i32
    %swap3A_22 = arith.index_cast %swap3A_21 : i32 to index
    %swap3A_23 = memref.load %arg17[%swap3A_22] : memref<4xi32, #tpu.memory_space<smem>>
    memref.store %swap3A, %arg17[%swap3A_22] : memref<4xi32, #tpu.memory_space<smem>>
    %scan3A_24 = arith.constant 0 : i32
    %scan3A_25 = arith.constant 0 : i32
    %scan3A_26 = arith.constant 270 : i32
    %scan3A_27 = arith.addi %scan3A_25, %scan3A_26 : i32
    %scan3A_28 = arith.constant 1 : i32
    %scan3A_29 = scf.for %scan3A_49 = %scan3A_25 to %scan3A_27 step %scan3A_28 iter_args(%scan3A_50 = %scan3A_24) -> (i32)  : i32 {
      %mul3A_51 = arith.constant 16 : i32
      %mul3A_52 = arith.muli %scan3A_49, %mul3A_51 : i32
      %get3A_53 = arith.index_cast %mul3A_52 : i32 to index
      %get3A_54 = tpu.vector_load %arg12[%get3A_53] {strides = array<i32>} : memref<4320xi32, #tpu.memory_space<vmem>>, vector<16xi32>,
      %ge3A = vector.broadcast %mul3A_19 : i32 to vector<16xi32>
      %ge3A_55 = arith.cmpi sge, %get3A_54, %ge3A : vector<16xi32>
      %reduce_or3A = arith.constant 1.000000e+00 : f32
      %reduce_or3A_56 = arith.constant 0.000000e+00 : f32
      %reduce_or3A_57 = vector.broadcast %reduce_or3A : f32 to vector<16xf32>
      %reduce_or3A_58 = vector.broadcast %reduce_or3A_56 : f32 to vector<16xf32>
      %reduce_or3A_59 = arith.select %ge3A_55, %reduce_or3A_57, %reduce_or3A_58 : vector<16xi1>, vector<16xf32>
      %reduce_or3A_60 = arith.constant true
      %reduce_or3A_61 = vector.broadcast %reduce_or3A_60 : i1 to vector<16xi1>
      %reduce_or3A_62 = tpu.scan <max>, %reduce_or3A_59 masked %reduce_or3A_61 : vector<16xf32>, vector<16xi1> -> vector<16xf32>
      %reduce_or3A_63 = vector.extract %reduce_or3A_62[15] : f32 from vector<16xf32>
      %reduce_or3A_64 = arith.constant 0.000000e+00 : f32
      %reduce_or3A_65 = arith.cmpf ogt, %reduce_or3A_63, %reduce_or3A_64 : f32
      %convert_element_type3A_66 = arith.extui %reduce_or3A_65 : i1 to i32
      %cond3A_67 = arith.constant 0 : i32
      %cond3A_68 = arith.cmpi ne, %convert_element_type3A_66, %cond3A_67 : i32
      scf.if %cond3A_68 {
        %convert_element_type3A_70 = arith.extui %ge3A_55 : vector<16xi1> to vector<16xi32>
        %get3A_71 = arith.constant 0 : i32
        %get3A_72 = arith.index_cast %get3A_71 : i32 to index
        %get3A_73 = memref.load %arg17[%get3A_72] : memref<4xi32, #tpu.memory_space<smem>>
        %while3A_74:2 = scf.while (%while3A_78 = %convert_element_type3A_70, %while3A_79 = %get3A_73) : (vector<16xi32>, i32) -> (vector<16xi32>, i32) {
          %gt3A = arith.constant 0 : i32
          %gt3A_80 = vector.broadcast %gt3A : i32 to vector<16xi32>
          %gt3A_81 = arith.cmpi sgt, %while3A_78, %gt3A_80 : vector<16xi32>
          %reduce_or3A_82 = arith.constant 1.000000e+00 : f32
          %reduce_or3A_83 = arith.constant 0.000000e+00 : f32
          %reduce_or3A_84 = vector.broadcast %reduce_or3A_82 : f32 to vector<16xf32>
          %reduce_or3A_85 = vector.broadcast %reduce_or3A_83 : f32 to vector<16xf32>
          %reduce_or3A_86 = arith.select %gt3A_81, %reduce_or3A_84, %reduce_or3A_85 : vector<16xi1>, vector<16xf32>
          %reduce_or3A_87 = arith.constant true
          %reduce_or3A_88 = vector.broadcast %reduce_or3A_87 : i1 to vector<16xi1>
          %reduce_or3A_89 = tpu.scan <max>, %reduce_or3A_86 masked %reduce_or3A_88 : vector<16xf32>, vector<16xi1> -> vector<16xf32>
          %reduce_or3A_90 = vector.extract %reduce_or3A_89[15] : f32 from vector<16xf32>
          %reduce_or3A_91 = arith.constant 0.000000e+00 : f32
          %reduce_or3A_92 = arith.cmpf ogt, %reduce_or3A_90, %reduce_or3A_91 : f32
          scf.condition(%reduce_or3A_92) %while3A_78, %while3A_79 : vector<16xi32>, i32
        } do {
        ^bb0(%while3A_78: vector<16xi32>, %while3A_79: i32):
          %gt3A = arith.constant 0 : i32
          %gt3A_80 = vector.broadcast %gt3A : i32 to vector<16xi32>
          %gt3A_81 = arith.cmpi sgt, %while3A_78, %gt3A_80 : vector<16xi32>
          %all_reduce_ffs3A = tpu.all_reduce %gt3A_81 {dim = 0 : i64, kind = #tpu.reduction_kind<find_first_set>} : vector<16xi1> -> vector<16xi32>
          %slice3A = vector.extract_strided_slice %all_reduce_ffs3A {offsets = [0], sizes = [1], strides = [1]} : vector<16xi32> to vector<1xi32>
          %squeeze3A = vector.extract %slice3A[0] : i32 from vector<1xi32>
          %mul3A_82 = arith.constant 256 : i32
          %mul3A_83 = arith.muli %scan3A_49, %mul3A_82 : i32
          %add3A_84 = arith.addi %mul3A_83, %squeeze3A : i32
          %mul3A_85 = arith.constant 16 : i32
          %mul3A_86 = vector.broadcast %mul3A_85 : i32 to vector<16xi32>
          %mul3A_87 = arith.muli %iota3A_20, %mul3A_86 : vector<16xi32>
          %add3A_88 = vector.broadcast %add3A_84 : i32 to vector<16xi32>
          %add3A_89 = arith.addi %add3A_88, %mul3A_87 : vector<16xi32>
          %gather3A = tpu.vector_load_idx %arg9[%add3A_89] : memref<69120xf32, #tpu.memory_space<vmem>>[vector<16xi32>], vector<16xf32>,
          %bitcast_convert_type3A = tpu.bitcast %gather3A : vector<16xf32> -> vector<16xi32>
          %sub3A = arith.constant 1023410176 : i32
          %sub3A_90 = vector.broadcast %sub3A : i32 to vector<16xi32>
          %sub3A_91 = arith.subi %bitcast_convert_type3A, %sub3A_90 : vector<16xi32>
          %gt3A_92 = arith.constant 5.000000e-02 : f32
          %gt3A_93 = vector.broadcast %gt3A_92 : f32 to vector<16xf32>
          %gt3A_94 = arith.cmpf ogt, %gather3A, %gt3A_93 : vector<16xf32>
          %shift_right_logical3A = arith.constant 15 : i32
          %shift_right_logical3A_95 = vector.broadcast %shift_right_logical3A : i32 to vector<16xi32>
          %shift_right_logical3A_96 = arith.shrui %sub3A_91, %shift_right_logical3A_95 : vector<16xi32>
          %eq3A_97 = vector.broadcast %select_n3A : i32 to vector<16xi32>
          %eq3A_98 = arith.cmpi eq, %shift_right_logical3A_96, %eq3A_97 : vector<16xi32>
          %and3A = arith.andi %gt3A_94, %eq3A_98 : vector<16xi1>
          %convert_element_type3A_99 = arith.extui %and3A : vector<16xi1> to vector<16xi32>
          %broadcast_in_dim3A = arith.constant true
          %broadcast_in_dim3A_100 = vector.broadcast %broadcast_in_dim3A : i1 to vector<16xi1>
          %masked_cumsum3A = tpu.scan <sum>, %convert_element_type3A_99 masked %broadcast_in_dim3A_100 : vector<16xi32>, vector<16xi1> -> vector<16xi32>
          %reduce_max3A = arith.constant true
          %reduce_max3A_101 = vector.broadcast %reduce_max3A : i1 to vector<16xi1>
          %reduce_max3A_102 = arith.constant -2147483648 : i32
          %reduce_max3A_103 = vector.broadcast %reduce_max3A_102 : i32 to vector<16xi32>
          %reduce_max3A_104 = arith.xori %masked_cumsum3A, %reduce_max3A_103 : vector<16xi32>
          %reduce_max3A_105 = tpu.scan <max>, %reduce_max3A_104 masked %reduce_max3A_101 : vector<16xi32>, vector<16xi1> -> vector<16xi32>
          %reduce_max3A_106 = arith.xori %reduce_max3A_105, %reduce_max3A_103 : vector<16xi32>
          %reduce_max3A_107 = vector.extract %reduce_max3A_106[15] : i32 from vector<16xi32>
          %mul3A_108 = arith.constant 69120 : i32
          %mul3A_109 = arith.muli %add3A, %mul3A_108 : i32
          %add3A_110 = vector.broadcast %mul3A_109 : i32 to vector<16xi32>
          %add3A_111 = arith.addi %add3A_110, %add3A_89 : vector<16xi32>
          %jit3A_112 = arith.constant 147456 : i32
          %div3A = vector.broadcast %jit3A_112 : i32 to vector<16xi32>
          %div3A_113 = arith.divsi %add3A_111, %div3A : vector<16xi32>
          %sign3A = arith.constant 0 : i32
          %sign3A_114 = vector.broadcast %sign3A : i32 to vector<16xi32>
          %sign3A_115 = arith.cmpi sgt, %add3A_111, %sign3A_114 : vector<16xi32>
          %sign3A_116 = arith.extui %sign3A_115 : vector<16xi1> to vector<16xi32>
          %sign3A_117 = arith.constant 0 : i32
          %sign3A_118 = vector.broadcast %sign3A_117 : i32 to vector<16xi32>
          %sign3A_119 = arith.cmpi slt, %add3A_111, %sign3A_118 : vector<16xi32>
          %sign3A_120 = arith.extui %sign3A_119 : vector<16xi1> to vector<16xi32>
          %sign3A_121 = arith.subi %sign3A_116, %sign3A_120 : vector<16xi32>
          %sign3A_122 = arith.constant 0 : i32
          %sign3A_123 = arith.cmpi sgt, %jit3A_112, %sign3A_122 : i32
          %sign3A_124 = arith.extui %sign3A_123 : i1 to i32
          %sign3A_125 = arith.constant 0 : i32
          %sign3A_126 = arith.cmpi slt, %jit3A_112, %sign3A_125 : i32
          %sign3A_127 = arith.extui %sign3A_126 : i1 to i32
          %sign3A_128 = arith.subi %sign3A_124, %sign3A_127 : i32
          %ne3A = vector.broadcast %sign3A_128 : i32 to vector<16xi32>
          %ne3A_129 = arith.cmpi ne, %sign3A_121, %ne3A : vector<16xi32>
          %rem3A = vector.broadcast %jit3A_112 : i32 to vector<16xi32>
          %rem3A_130 = arith.remsi %add3A_111, %rem3A : vector<16xi32>
          %ne3A_131 = arith.constant 0 : i32
          %ne3A_132 = vector.broadcast %ne3A_131 : i32 to vector<16xi32>
          %ne3A_133 = arith.cmpi ne, %rem3A_130, %ne3A_132 : vector<16xi32>
          %and3A_134 = arith.andi %ne3A_129, %ne3A_133 : vector<16xi1>
          %sub3A_135 = arith.constant 1 : i32
          %sub3A_136 = vector.broadcast %sub3A_135 : i32 to vector<16xi32>
          %sub3A_137 = arith.subi %div3A_113, %sub3A_136 : vector<16xi32>
          %select_n3A_138 = arith.select %and3A_134, %sub3A_137, %div3A_113 : vector<16xi1>, vector<16xi32>
          %mul3A_139 = arith.constant 147456 : i32
          %mul3A_140 = vector.broadcast %mul3A_139 : i32 to vector<16xi32>
          %mul3A_141 = arith.muli %select_n3A_138, %mul3A_140 : vector<16xi32>
          %sub3A_142 = arith.subi %add3A_111, %mul3A_141 : vector<16xi32>
          %mul3A_143 = arith.constant 15 : i32
          %mul3A_144 = vector.broadcast %mul3A_143 : i32 to vector<16xi32>
          %mul3A_145 = arith.muli %sub3A_142, %mul3A_144 : vector<16xi32>
          %add3A_146 = arith.addi %mul3A_145, %select_n3A_138 : vector<16xi32>
          %add3A_147 = vector.broadcast %while3A_79 : i32 to vector<16xi32>
          %add3A_148 = arith.addi %add3A_147, %masked_cumsum3A : vector<16xi32>
          %sub3A_149 = arith.constant 1 : i32
          %sub3A_150 = vector.broadcast %sub3A_149 : i32 to vector<16xi32>
          %sub3A_151 = arith.subi %add3A_148, %sub3A_150 : vector<16xi32>
          %lt3A = arith.constant 1024 : i32
          %lt3A_152 = vector.broadcast %lt3A : i32 to vector<16xi32>
          %lt3A_153 = arith.cmpi slt, %sub3A_151, %lt3A_152 : vector<16xi32>
          %and3A_154 = arith.andi %and3A, %lt3A_153 : vector<16xi1>
          %jit3A_155 = arith.constant 0 : i32
          %broadcast_in_dim3A_156 = vector.broadcast %jit3A_155 : i32 to vector<16xi32>
          %select_n3A_157 = arith.select %and3A_154, %sub3A_151, %broadcast_in_dim3A_156 : vector<16xi1>, vector<16xi32>
          tpu.vector_store_idx %arg13[%select_n3A_157], %sub3A_91 masked %and3A_154 : memref<1024xi32, #tpu.memory_space<vmem>>[vector<16xi32>], vector<16xi32>, vector<16xi1>
          tpu.vector_store_idx %arg14[%select_n3A_157], %add3A_146 masked %and3A_154 : memref<1024xi32, #tpu.memory_space<vmem>>[vector<16xi32>], vector<16xi32>, vector<16xi1>
          %ne3A_158 = vector.broadcast %squeeze3A : i32 to vector<16xi32>
          %ne3A_159 = arith.cmpi ne, %iota3A_20, %ne3A_158 : vector<16xi32>
          %jit3A_160 = arith.constant 0 : i32
          %broadcast_in_dim3A_161 = vector.broadcast %jit3A_160 : i32 to vector<16xi32>
          %select_n3A_162 = arith.select %ne3A_159, %while3A_78, %broadcast_in_dim3A_161 : vector<16xi1>, vector<16xi32>
          %add3A_163 = arith.addi %while3A_79, %reduce_max3A_107 : i32
          scf.yield %select_n3A_162, %add3A_163 : vector<16xi32>, i32
        }
        %swap3A_75 = arith.constant 0 : i32
        %swap3A_76 = arith.index_cast %swap3A_75 : i32 to index
        %swap3A_77 = memref.load %arg17[%swap3A_76] : memref<4xi32, #tpu.memory_space<smem>>
        memref.store %while3A_74#1, %arg17[%swap3A_76] : memref<4xi32, #tpu.memory_space<smem>>
      } else {
      }
      %scan3A_69 = arith.constant 0 : i32
      scf.yield %scan3A_69 : i32
    }
    %scan3A_30 = arith.constant 270 : i32
    %get3A = arith.constant 0 : i32
    %get3A_31 = arith.index_cast %get3A : i32 to index
    %get3A_32 = memref.load %arg17[%get3A_31] : memref<4xi32, #tpu.memory_space<smem>>
    %min3A = arith.constant 1024 : i32
    %min3A_33 = arith.minsi %get3A_32, %min3A : i32
    %scan3A_34 = arith.constant 0 : i32
    %scan3A_35 = arith.constant 0 : i32
    %scan3A_36 = arith.constant 8 : i32
    %scan3A_37 = arith.addi %scan3A_35, %scan3A_36 : i32
    %scan3A_38 = arith.constant 1 : i32
    %scan3A_39 = scf.for %scan3A_49 = %scan3A_35 to %scan3A_37 step %scan3A_38 iter_args(%scan3A_50 = %scan3A_34) -> (i32)  : i32 {
      %broadcast_in_dim3A = vector.broadcast %min3A_33 : i32 to vector<16xi32>
      %mul3A_51 = arith.constant 16 : i32
      %mul3A_52 = arith.muli %scan3A_49, %mul3A_51 : i32
      %swap3A_53 = arith.index_cast %mul3A_52 : i32 to index
      %swap3A_54 = tpu.vector_load %arg15[%swap3A_53] {strides = array<i32>} : memref<128xi32, #tpu.memory_space<vmem>>, vector<16xi32>,
      tpu.vector_store %arg15[%swap3A_53], %broadcast_in_dim3A {strides = array<i32>} : memref<128xi32, #tpu.memory_space<vmem>>, vector<16xi32>,
      %scan3A_55 = arith.constant 0 : i32
      scf.yield %scan3A_55 : i32
    }
    %scan3A_40 = arith.constant 8 : i32
    %mul3A_41 = arith.constant 1024 : i32
    %mul3A_42 = arith.muli %add3A, %mul3A_41 : i32
    "tpu.region"() ({
      %run_scoped3A = tpu.sem_alloc : memref<!tpu.dma_semaphore, #tpu.memory_space<semaphore_mem>>
      %dma_start3A = tpu.memref_slice %arg5[%mul3A_42] : memref<32768xi32, #tpu.memory_space<hbm>> -> memref<1024xi32, #tpu.memory_space<hbm>>
      %dma_start3A_49 = tpu.memref_slice %arg5[%mul3A_42] : memref<32768xi32, #tpu.memory_space<hbm>> -> memref<1024xi32, #tpu.memory_space<hbm>>
      tpu.enqueue_dma source(%arg13 : memref<1024xi32, #tpu.memory_space<vmem>>) target(%dma_start3A_49 : memref<1024xi32, #tpu.memory_space<hbm>>) target_semaphore(%run_scoped3A : memref<!tpu.dma_semaphore, #tpu.memory_space<semaphore_mem>>)
      %dma_wait3A = tpu.memref_slice %arg5[%mul3A_42] : memref<32768xi32, #tpu.memory_space<hbm>> -> memref<1024xi32, #tpu.memory_space<hbm>>
      %dma_wait3A_50 = tpu.memref_slice %arg5[%mul3A_42] : memref<32768xi32, #tpu.memory_space<hbm>> -> memref<1024xi32, #tpu.memory_space<hbm>>
      tpu.wait_dma2 semaphore(%run_scoped3A : memref<!tpu.dma_semaphore, #tpu.memory_space<semaphore_mem>>) src(%arg13 : memref<1024xi32, #tpu.memory_space<vmem>>) dst(%dma_wait3A_50 : memref<1024xi32, #tpu.memory_space<hbm>>)
      tpu.yield
    }) : () -> ()
    %mul3A_43 = arith.constant 1024 : i32
    %mul3A_44 = arith.muli %add3A, %mul3A_43 : i32
    "tpu.region"() ({
      %run_scoped3A = tpu.sem_alloc : memref<!tpu.dma_semaphore, #tpu.memory_space<semaphore_mem>>
      %dma_start3A = tpu.memref_slice %arg6[%mul3A_44] : memref<32768xi32, #tpu.memory_space<hbm>> -> memref<1024xi32, #tpu.memory_space<hbm>>
      %dma_start3A_49 = tpu.memref_slice %arg6[%mul3A_44] : memref<32768xi32, #tpu.memory_space<hbm>> -> memref<1024xi32, #tpu.memory_space<hbm>>
      tpu.enqueue_dma source(%arg14 : memref<1024xi32, #tpu.memory_space<vmem>>) target(%dma_start3A_49 : memref<1024xi32, #tpu.memory_space<hbm>>) target_semaphore(%run_scoped3A : memref<!tpu.dma_semaphore, #tpu.memory_space<semaphore_mem>>)
      %dma_wait3A = tpu.memref_slice %arg6[%mul3A_44] : memref<32768xi32, #tpu.memory_space<hbm>> -> memref<1024xi32, #tpu.memory_space<hbm>>
      %dma_wait3A_50 = tpu.memref_slice %arg6[%mul3A_44] : memref<32768xi32, #tpu.memory_space<hbm>> -> memref<1024xi32, #tpu.memory_space<hbm>>
      tpu.wait_dma2 semaphore(%run_scoped3A : memref<!tpu.dma_semaphore, #tpu.memory_space<semaphore_mem>>) src(%arg14 : memref<1024xi32, #tpu.memory_space<vmem>>) dst(%dma_wait3A_50 : memref<1024xi32, #tpu.memory_space<hbm>>)
      tpu.yield
    }) : () -> ()
    %mul3A_45 = arith.constant 128 : i32
    %mul3A_46 = arith.muli %add3A, %mul3A_45 : i32
    "tpu.region"() ({
      %run_scoped3A = tpu.sem_alloc : memref<!tpu.dma_semaphore, #tpu.memory_space<semaphore_mem>>
      %dma_start3A = tpu.memref_slice %arg7[%mul3A_46] : memref<4096xi32, #tpu.memory_space<hbm>> -> memref<128xi32, #tpu.memory_space<hbm>>
      %dma_start3A_49 = tpu.memref_slice %arg7[%mul3A_46] : memref<4096xi32, #tpu.memory_space<hbm>> -> memref<128xi32, #tpu.memory_space<hbm>>
      tpu.enqueue_dma source(%arg15 : memref<128xi32, #tpu.memory_space<vmem>>) target(%dma_start3A_49 : memref<128xi32, #tpu.memory_space<hbm>>) target_semaphore(%run_scoped3A : memref<!tpu.dma_semaphore, #tpu.memory_space<semaphore_mem>>)
      %dma_wait3A = tpu.memref_slice %arg7[%mul3A_46] : memref<4096xi32, #tpu.memory_space<hbm>> -> memref<128xi32, #tpu.memory_space<hbm>>
      %dma_wait3A_50 = tpu.memref_slice %arg7[%mul3A_46] : memref<4096xi32, #tpu.memory_space<hbm>> -> memref<128xi32, #tpu.memory_space<hbm>>
      tpu.wait_dma2 semaphore(%run_scoped3A : memref<!tpu.dma_semaphore, #tpu.memory_space<semaphore_mem>>) src(%arg15 : memref<128xi32, #tpu.memory_space<vmem>>) dst(%dma_wait3A_50 : memref<128xi32, #tpu.memory_space<hbm>>)
      tpu.yield
    }) : () -> ()
    %eq3A = arith.constant 0 : i32
    %eq3A_47 = arith.cmpi eq, %add3A, %eq3A : i32
    %convert_element_type3A = arith.extui %eq3A_47 : i1 to i32
    %cond3A = arith.constant 0 : i32
    %cond3A_48 = arith.cmpi ne, %convert_element_type3A, %cond3A : i32
    scf.if %cond3A_48 {
      %broadcast_in_dim3A = arith.constant 0 : i32
      %broadcast_in_dim3A_49 = vector.broadcast %broadcast_in_dim3A : i32 to vector<16xi32>
      %scan3A_50 = arith.constant 0 : i32
      %scan3A_51 = arith.constant 128 : i32
      %scan3A_52 = arith.addi %scan3A_50, %scan3A_51 : i32
      %scan3A_53 = arith.constant 1 : i32
      %scan3A_54 = scf.for %scan3A_93 = %scan3A_50 to %scan3A_52 step %scan3A_53 iter_args(%scan3A_94 = %broadcast_in_dim3A_49) -> (vector<16xi32>)  : i32 {
        %mul3A_95 = arith.constant 16 : i32
        %mul3A_96 = arith.muli %scan3A_93, %mul3A_95 : i32
        %get3A_97 = arith.index_cast %mul3A_96 : i32 to index
        %get3A_98 = tpu.vector_load %arg11[%get3A_97] {strides = array<i32>} : memref<2048xi32, #tpu.memory_space<vmem>>, vector<16xi32>,
        %add3A_99 = arith.addi %scan3A_94, %get3A_98 : vector<16xi32>
        scf.yield %add3A_99 : vector<16xi32>
      }
      %scan3A_55 = arith.constant 128 : i32
      %reduce_sum3A = arith.constant true
      %reduce_sum3A_56 = vector.broadcast %reduce_sum3A : i1 to vector<16xi1>
      %reduce_sum3A_57 = tpu.scan <sum>, %scan3A_54 masked %reduce_sum3A_56 : vector<16xi32>, vector<16xi1> -> vector<16xi32>
      %reduce_sum3A_58 = vector.extract %reduce_sum3A_57[15] : i32 from vector<16xi32>
      %jit3A_59 = arith.constant 0 : i32
      %jit3A_60 = arith.constant 1 : i32
      %select_n3A_61 = arith.select %while3A_17#0, %jit3A_59, %jit3A_60 : i32
      %sub3A = arith.constant 1 : i32
      %sub3A_62 = arith.subi %sub3A, %select_n3A_61 : i32
      %eq3A_63 = arith.constant 0 : i32
      %eq3A_64 = vector.broadcast %eq3A_63 : i32 to vector<16xi32>
      %eq3A_65 = arith.cmpi eq, %iota3A_20, %eq3A_64 : vector<16xi32>
      %convert_element_type3A_66 = arith.extui %eq3A_65 : vector<16xi1> to vector<16xi32>
      %eq3A_67 = arith.constant 1 : i32
      %eq3A_68 = vector.broadcast %eq3A_67 : i32 to vector<16xi32>
      %eq3A_69 = arith.cmpi eq, %iota3A_20, %eq3A_68 : vector<16xi32>
      %convert_element_type3A_70 = arith.extui %eq3A_69 : vector<16xi1> to vector<16xi32>
      %eq3A_71 = arith.constant 2 : i32
      %eq3A_72 = vector.broadcast %eq3A_71 : i32 to vector<16xi32>
      %eq3A_73 = arith.cmpi eq, %iota3A_20, %eq3A_72 : vector<16xi32>
      %convert_element_type3A_74 = arith.extui %eq3A_73 : vector<16xi1> to vector<16xi32>
      %eq3A_75 = arith.constant 3 : i32
      %eq3A_76 = vector.broadcast %eq3A_75 : i32 to vector<16xi32>
      %eq3A_77 = arith.cmpi eq, %iota3A_20, %eq3A_76 : vector<16xi32>
      %convert_element_type3A_78 = arith.extui %eq3A_77 : vector<16xi1> to vector<16xi32>
      %mul3A_79 = vector.broadcast %sub3A_62 : i32 to vector<16xi32>
      %mul3A_80 = arith.muli %convert_element_type3A_66, %mul3A_79 : vector<16xi32>
      %max3A = arith.constant 0 : i32
      %max3A_81 = arith.maxsi %select_n3A, %max3A : i32
      %mul3A_82 = vector.broadcast %max3A_81 : i32 to vector<16xi32>
      %mul3A_83 = arith.muli %convert_element_type3A_70, %mul3A_82 : vector<16xi32>
      %add3A_84 = arith.addi %mul3A_80, %mul3A_83 : vector<16xi32>
      %mul3A_85 = vector.broadcast %while3A_17#3 : i32 to vector<16xi32>
      %mul3A_86 = arith.muli %convert_element_type3A_74, %mul3A_85 : vector<16xi32>
      %add3A_87 = arith.addi %add3A_84, %mul3A_86 : vector<16xi32>
      %mul3A_88 = vector.broadcast %reduce_sum3A_58 : i32 to vector<16xi32>
      %mul3A_89 = arith.muli %convert_element_type3A_78, %mul3A_88 : vector<16xi32>
      %add3A_90 = arith.addi %add3A_87, %mul3A_89 : vector<16xi32>
      %swap3A_91 = arith.constant 0 : index
      %swap3A_92 = tpu.vector_load %arg16[%swap3A_91] {strides = array<i32>} : memref<16xi32, #tpu.memory_space<vmem>>, vector<16xi32>,
      tpu.vector_store %arg16[%swap3A_91], %add3A_90 {strides = array<i32>} : memref<16xi32, #tpu.memory_space<vmem>>, vector<16xi32>,
      "tpu.region"() ({
        %run_scoped3A = tpu.sem_alloc : memref<!tpu.dma_semaphore, #tpu.memory_space<semaphore_mem>>
        tpu.enqueue_dma source(%arg16 : memref<16xi32, #tpu.memory_space<vmem>>) target(%arg8 : memref<16xi32, #tpu.memory_space<hbm>>) target_semaphore(%run_scoped3A : memref<!tpu.dma_semaphore, #tpu.memory_space<semaphore_mem>>)
        tpu.wait_dma2 semaphore(%run_scoped3A : memref<!tpu.dma_semaphore, #tpu.memory_space<semaphore_mem>>) src(%arg16 : memref<16xi32, #tpu.memory_space<vmem>>) dst(%arg8 : memref<16xi32, #tpu.memory_space<hbm>>)
        tpu.yield
      }) : () -> ()
    } else {
    }
    return
  }
}

module attributes {stable_mosaic.version = 14 : i64} {
  func.func @_mean_body(%arg0: i32, %arg1: i32, %arg2: memref<8x1x384x128xf32, #tpu.memory_space<vmem>>, %arg3: memref<1x384x128xf32, #tpu.memory_space<vmem>>) attributes {dimension_semantics = [#tpu.dimension_semantics<arbitrary>, #tpu.dimension_semantics<arbitrary>], iteration_bounds = array<i64: 15, 3>, scalar_prefetch = 0 : i64, scratch_operands = 0 : i64, tpu.core_type = #tpu.core_type<tc>, window_params = [{transform_indices = @transform_0, window_bounds = array<i64: 8, 1, 384, 128>}, {transform_indices = @transform_1, window_bounds = array<i64: 1, 384, 128>}]} {
    %get3A = arith.constant 0 : index
    %get3A_0 = arith.constant 0 : index
    %get3A_1 = arith.constant 0 : index
    %get3A_2 = arith.constant 0 : index
    %get3A_3 = vector.load %arg2[%get3A, %get3A_0, %get3A_1, %get3A_2] : memref<8x1x384x128xf32, #tpu.memory_space<vmem>>, vector<8x1x384x128xf32>
    %logistic3A = arith.negf %get3A_3 : vector<8x1x384x128xf32>
    %logistic3A_4 = math.exp %logistic3A : vector<8x1x384x128xf32>
    %logistic3A_5 = arith.constant 1.000000e+00 : f32
    %logistic3A_6 = vector.broadcast %logistic3A_5 : f32 to vector<8x1x384x128xf32>
    %logistic3A_7 = arith.addf %logistic3A_6, %logistic3A_4 : vector<8x1x384x128xf32>
    %logistic3A_8 = arith.divf %logistic3A_6, %logistic3A_7 : vector<8x1x384x128xf32>
    %reduce_sum3A = arith.constant dense<0.000000e+00> : vector<1x384x128xf32>
    %reduce_sum3A_9 = vector.multi_reduction <add>, %logistic3A_8, %reduce_sum3A [0] : vector<8x1x384x128xf32> to vector<1x384x128xf32>
    %div3A = arith.constant 8.000000e+00 : f32
    %div3A_10 = vector.broadcast %div3A : f32 to vector<1x384x128xf32>
    %div3A_11 = arith.divf %reduce_sum3A_9, %div3A_10 : vector<1x384x128xf32>
    %swap3A = arith.constant 0 : index
    %swap3A_12 = arith.constant 0 : index
    %swap3A_13 = arith.constant 0 : index
    %swap3A_14 = vector.load %arg3[%swap3A, %swap3A_12, %swap3A_13] : memref<1x384x128xf32, #tpu.memory_space<vmem>>, vector<1x384x128xf32>
    tpu.vector_store %arg3[%swap3A, %swap3A_12, %swap3A_13], %div3A_11 {strides = array<i32>} : memref<1x384x128xf32, #tpu.memory_space<vmem>>, vector<1x384x128xf32>,
    return
  }
  func.func @transform_0(%arg0: i32, %arg1: i32) -> (i32, i32, i32, i32) {
    %c0_i32 = arith.constant 0 : i32
    %c0_i32_0 = arith.constant 0 : i32
    %c0_i32_1 = arith.constant 0 : i32
    return %c0_i32, %arg0, %arg1, %c0_i32_0 : i32, i32, i32, i32
  }
  func.func @transform_1(%arg0: i32, %arg1: i32) -> (i32, i32, i32) {
    %c0_i32 = arith.constant 0 : i32
    %c0_i32_0 = arith.constant 0 : i32
    return %arg0, %arg1, %c0_i32 : i32, i32, i32
  }
}

module attributes {stable_mosaic.version = 14 : i64} {
  func.func @_reg_body(%arg0: i32, %arg1: memref<16xi32, #tpu.memory_space<smem>>, %arg2: memref<15x128x128xf32, #tpu.memory_space<vmem>>, %arg3: memref<32x1024xi32, #tpu.memory_space<vmem>>, %arg4: memref<32x1024xi32, #tpu.memory_space<vmem>>, %arg5: memref<32x128xi32, #tpu.memory_space<vmem>>, %arg6: memref<8x128xf32, #tpu.memory_space<vmem>>, %arg7: memref<16xf32, #tpu.memory_space<smem>>, %arg8: memref<8xi32, #tpu.memory_space<smem>>) attributes {dimension_semantics = [#tpu.dimension_semantics<arbitrary>], iteration_bounds = array<i64: 9>, scalar_prefetch = 0 : i64, scratch_operands = 2 : i64, tpu.core_type = #tpu.core_type<tc>, window_params = [{transform_indices = @transform_0, window_bounds = array<i64: 16>}, {transform_indices = @transform_1, window_bounds = array<i64: 15, 128, 128>}, {pipeline_mode = #tpu.pipeline_mode<synchronous>, transform_indices = @transform_2, window_bounds = array<i64: 32, 1024>}, {pipeline_mode = #tpu.pipeline_mode<synchronous>, transform_indices = @transform_3, window_bounds = array<i64: 32, 1024>}, {pipeline_mode = #tpu.pipeline_mode<synchronous>, transform_indices = @transform_4, window_bounds = array<i64: 32, 128>}, {pipeline_mode = #tpu.pipeline_mode<synchronous>, transform_indices = @transform_5, window_bounds = array<i64: 8, 128>}]} {
    %eq3A = arith.constant 0 : i32
    %eq3A_0 = arith.cmpi eq, %arg0, %eq3A : i32
    %convert_element_type3A = arith.extui %eq3A_0 : i1 to i32
    %cond3A = arith.constant 0 : i32
    %cond3A_1 = arith.cmpi ne, %convert_element_type3A, %cond3A : i32
    scf.if %cond3A_1 {
      %swap3A_449 = arith.constant 0.000000e+00 : f32
      %swap3A_450 = arith.constant 0 : index
      %swap3A_451 = memref.load %arg7[%swap3A_450] : memref<16xf32, #tpu.memory_space<smem>>
      memref.store %swap3A_449, %arg7[%swap3A_450] : memref<16xf32, #tpu.memory_space<smem>>
      %swap3A_452 = arith.constant 0.000000e+00 : f32
      %swap3A_453 = arith.constant 1 : index
      %swap3A_454 = memref.load %arg7[%swap3A_453] : memref<16xf32, #tpu.memory_space<smem>>
      memref.store %swap3A_452, %arg7[%swap3A_453] : memref<16xf32, #tpu.memory_space<smem>>
      %swap3A_455 = arith.constant 0.000000e+00 : f32
      %swap3A_456 = arith.constant 2 : index
      %swap3A_457 = memref.load %arg7[%swap3A_456] : memref<16xf32, #tpu.memory_space<smem>>
      memref.store %swap3A_455, %arg7[%swap3A_456] : memref<16xf32, #tpu.memory_space<smem>>
      %swap3A_458 = arith.constant 0.000000e+00 : f32
      %swap3A_459 = arith.constant 3 : index
      %swap3A_460 = memref.load %arg7[%swap3A_459] : memref<16xf32, #tpu.memory_space<smem>>
      memref.store %swap3A_458, %arg7[%swap3A_459] : memref<16xf32, #tpu.memory_space<smem>>
      %swap3A_461 = arith.constant 0.000000e+00 : f32
      %swap3A_462 = arith.constant 4 : index
      %swap3A_463 = memref.load %arg7[%swap3A_462] : memref<16xf32, #tpu.memory_space<smem>>
      memref.store %swap3A_461, %arg7[%swap3A_462] : memref<16xf32, #tpu.memory_space<smem>>
      %swap3A_464 = arith.constant 0.000000e+00 : f32
      %swap3A_465 = arith.constant 5 : index
      %swap3A_466 = memref.load %arg7[%swap3A_465] : memref<16xf32, #tpu.memory_space<smem>>
      memref.store %swap3A_464, %arg7[%swap3A_465] : memref<16xf32, #tpu.memory_space<smem>>
      %swap3A_467 = arith.constant 0.000000e+00 : f32
      %swap3A_468 = arith.constant 6 : index
      %swap3A_469 = memref.load %arg7[%swap3A_468] : memref<16xf32, #tpu.memory_space<smem>>
      memref.store %swap3A_467, %arg7[%swap3A_468] : memref<16xf32, #tpu.memory_space<smem>>
      %swap3A_470 = arith.constant 0.000000e+00 : f32
      %swap3A_471 = arith.constant 7 : index
      %swap3A_472 = memref.load %arg7[%swap3A_471] : memref<16xf32, #tpu.memory_space<smem>>
      memref.store %swap3A_470, %arg7[%swap3A_471] : memref<16xf32, #tpu.memory_space<smem>>
      %swap3A_473 = arith.constant 0.000000e+00 : f32
      %swap3A_474 = arith.constant 8 : index
      %swap3A_475 = memref.load %arg7[%swap3A_474] : memref<16xf32, #tpu.memory_space<smem>>
      memref.store %swap3A_473, %arg7[%swap3A_474] : memref<16xf32, #tpu.memory_space<smem>>
      %swap3A_476 = arith.constant 0.000000e+00 : f32
      %swap3A_477 = arith.constant 9 : index
      %swap3A_478 = memref.load %arg7[%swap3A_477] : memref<16xf32, #tpu.memory_space<smem>>
      memref.store %swap3A_476, %arg7[%swap3A_477] : memref<16xf32, #tpu.memory_space<smem>>
      %swap3A_479 = arith.constant 0.000000e+00 : f32
      %swap3A_480 = arith.constant 10 : index
      %swap3A_481 = memref.load %arg7[%swap3A_480] : memref<16xf32, #tpu.memory_space<smem>>
      memref.store %swap3A_479, %arg7[%swap3A_480] : memref<16xf32, #tpu.memory_space<smem>>
      %swap3A_482 = arith.constant 0.000000e+00 : f32
      %swap3A_483 = arith.constant 11 : index
      %swap3A_484 = memref.load %arg7[%swap3A_483] : memref<16xf32, #tpu.memory_space<smem>>
      memref.store %swap3A_482, %arg7[%swap3A_483] : memref<16xf32, #tpu.memory_space<smem>>
      %get3A_485 = arith.constant 0 : index
      %get3A_486 = memref.load %arg1[%get3A_485] : memref<16xi32, #tpu.memory_space<smem>>
      %gt3A_487 = arith.constant 0 : i32
      %gt3A_488 = arith.cmpi sgt, %get3A_486, %gt3A_487 : i32
      %get3A_489 = arith.constant 1 : index
      %get3A_490 = memref.load %arg1[%get3A_489] : memref<16xi32, #tpu.memory_space<smem>>
      %get3A_491 = arith.constant 2 : index
      %get3A_492 = memref.load %arg1[%get3A_491] : memref<16xi32, #tpu.memory_space<smem>>
      %get3A_493 = arith.constant 3 : index
      %get3A_494 = memref.load %arg1[%get3A_493] : memref<16xi32, #tpu.memory_space<smem>>
      %get3A_495 = arith.constant 0 : index
      %get3A_496 = arith.constant 0 : index
      %get3A_497 = vector.load %arg3[%get3A_495, %get3A_496] : memref<32x1024xi32, #tpu.memory_space<vmem>>, vector<32x1024xi32>
      %get3A_498 = arith.constant 0 : index
      %get3A_499 = arith.constant 0 : index
      %get3A_500 = vector.load %arg4[%get3A_498, %get3A_499] : memref<32x1024xi32, #tpu.memory_space<vmem>>, vector<32x1024xi32>
      %get3A_501 = arith.constant 0 : index
      %get3A_502 = arith.constant 0 : index
      %get3A_503 = vector.load %arg5[%get3A_501, %get3A_502] : memref<32x128xi32, #tpu.memory_space<vmem>>, vector<32x128xi32>
      %slice3A_504 = vector.extract_strided_slice %get3A_503 {offsets = [0, 0], sizes = [32, 1], strides = [1, 1]} : vector<32x128xi32> to vector<32x1xi32>
      %iota3A_505 = tpu.iota {dimensions = array<i32: 1>} : vector<32x1024xi32>
      %lt3A = vector.broadcast %slice3A_504 : vector<32x1xi32> to vector<32x1024xi32>
      %lt3A_506 = arith.cmpi slt, %iota3A_505, %lt3A : vector<32x1024xi32>
      %convert_element_type3A_507 = arith.sitofp %get3A_492 : i32 to f32
      %sub3A_508 = arith.constant 2.000000e+03 : f32
      %sub3A_509 = arith.subf %sub3A_508, %convert_element_type3A_507 : f32
      %mul3A_510 = arith.constant 32768 : i32
      %mul3A_511 = arith.muli %get3A_490, %mul3A_510 : i32
      %add3A_512 = arith.constant 32767 : i32
      %add3A_513 = arith.addi %mul3A_511, %add3A_512 : i32
      %scan3A = arith.constant 0 : i32
      %scan3A_514 = arith.constant 15 : i32
      %scan3A_515 = arith.addi %scan3A, %scan3A_514 : i32
      %scan3A_516 = arith.constant 1 : i32
      %scan3A_517:2 = scf.for %scan3A_556 = %scan3A to %scan3A_515 step %scan3A_516 iter_args(%scan3A_557 = %mul3A_511, %scan3A_558 = %add3A_513) -> (i32, i32)  : i32 {
        %add3A_559 = arith.addi %scan3A_557, %scan3A_558 : i32
        %add3A_560 = arith.constant 1 : i32
        %add3A_561 = arith.addi %add3A_559, %add3A_560 : i32
        %shift_right_logical3A = arith.constant 1 : i32
        %shift_right_logical3A_562 = arith.shrui %add3A_561, %shift_right_logical3A : i32
        %ge3A_563 = vector.broadcast %shift_right_logical3A_562 : i32 to vector<32x1024xi32>
        %ge3A_564 = arith.cmpi sge, %get3A_497, %ge3A_563 : vector<32x1024xi32>
        %and3A_565 = arith.andi %lt3A_506, %ge3A_564 : vector<32x1024xi1>
        %jit3A_566 = arith.constant 1.000000e+00 : f32
        %jit3A_567 = arith.constant 0.000000e+00 : f32
        %broadcast_in_dim3A_568 = vector.broadcast %jit3A_566 : f32 to vector<32x1024xf32>
        %broadcast_in_dim3A_569 = vector.broadcast %jit3A_567 : f32 to vector<32x1024xf32>
        %select_n3A_570 = arith.select %and3A_565, %broadcast_in_dim3A_568, %broadcast_in_dim3A_569 : vector<32x1024xi1>, vector<32x1024xf32>
        %reduce_sum3A_571 = vector.shape_cast %select_n3A_570 : vector<32x1024xf32> to vector<1x32x1024xf32>
        %reduce_sum3A_572 = arith.constant dense<0.000000e+00> : vector<1xf32>
        %reduce_sum3A_573 = vector.multi_reduction <add>, %reduce_sum3A_571, %reduce_sum3A_572 [1, 2] : vector<1x32x1024xf32> to vector<1xf32>
        %reduce_sum3A_574 = vector.shape_cast %reduce_sum3A_573 : vector<1xf32> to vector<1x1x1xf32>
        %reduce_sum3A_575 = vector.extract %reduce_sum3A_574[0, 0, 0] : f32 from vector<1x1x1xf32>
        %ge3A_576 = arith.cmpf oge, %reduce_sum3A_575, %sub3A_509 : f32
        %select_n3A_577 = arith.select %ge3A_576, %shift_right_logical3A_562, %scan3A_557 : i32
        %sub3A_578 = arith.constant 1 : i32
        %sub3A_579 = arith.subi %shift_right_logical3A_562, %sub3A_578 : i32
        %select_n3A_580 = arith.select %ge3A_576, %scan3A_558, %sub3A_579 : i32
        scf.yield %select_n3A_577, %select_n3A_580 : i32, i32
      }
      %convert_element_type3A_518 = arith.sitofp %get3A_492 : i32 to f32
      %add3A_519 = arith.constant 1 : i32
      %add3A_520 = arith.addi %scan3A_517#0, %add3A_519 : i32
      %ge3A = vector.broadcast %add3A_520 : i32 to vector<32x1024xi32>
      %ge3A_521 = arith.cmpi sge, %get3A_497, %ge3A : vector<32x1024xi32>
      %and3A_522 = arith.andi %lt3A_506, %ge3A_521 : vector<32x1024xi1>
      %jit3A = arith.constant 1.000000e+00 : f32
      %jit3A_523 = arith.constant 0.000000e+00 : f32
      %broadcast_in_dim3A = vector.broadcast %jit3A : f32 to vector<32x1024xf32>
      %broadcast_in_dim3A_524 = vector.broadcast %jit3A_523 : f32 to vector<32x1024xf32>
      %select_n3A = arith.select %and3A_522, %broadcast_in_dim3A, %broadcast_in_dim3A_524 : vector<32x1024xi1>, vector<32x1024xf32>
      %reduce_sum3A_525 = vector.shape_cast %select_n3A : vector<32x1024xf32> to vector<1x32x1024xf32>
      %reduce_sum3A_526 = arith.constant dense<0.000000e+00> : vector<1xf32>
      %reduce_sum3A_527 = vector.multi_reduction <add>, %reduce_sum3A_525, %reduce_sum3A_526 [1, 2] : vector<1x32x1024xf32> to vector<1xf32>
      %reduce_sum3A_528 = vector.shape_cast %reduce_sum3A_527 : vector<1xf32> to vector<1x1x1xf32>
      %reduce_sum3A_529 = vector.extract %reduce_sum3A_528[0, 0, 0] : f32 from vector<1x1x1xf32>
      %add3A_530 = arith.addf %convert_element_type3A_518, %reduce_sum3A_529 : f32
      %sub3A_531 = arith.constant 2.000000e+03 : f32
      %sub3A_532 = arith.subf %sub3A_531, %add3A_530 : f32
      %eq3A_533 = vector.broadcast %scan3A_517#0 : i32 to vector<32x1024xi32>
      %eq3A_534 = arith.cmpi eq, %get3A_497, %eq3A_533 : vector<32x1024xi32>
      %and3A_535 = arith.andi %lt3A_506, %eq3A_534 : vector<32x1024xi1>
      %scan3A_536 = arith.constant 0 : i32
      %scan3A_537 = arith.constant 4194303 : i32
      %scan3A_538 = arith.constant 0 : i32
      %scan3A_539 = arith.constant 22 : i32
      %scan3A_540 = arith.addi %scan3A_538, %scan3A_539 : i32
      %scan3A_541 = arith.constant 1 : i32
      %scan3A_542:2 = scf.for %scan3A_556 = %scan3A_538 to %scan3A_540 step %scan3A_541 iter_args(%scan3A_557 = %scan3A_536, %scan3A_558 = %scan3A_537) -> (i32, i32)  : i32 {
        %add3A_559 = arith.addi %scan3A_557, %scan3A_558 : i32
        %shift_right_logical3A = arith.constant 1 : i32
        %shift_right_logical3A_560 = arith.shrui %add3A_559, %shift_right_logical3A : i32
        %le3A_561 = vector.broadcast %shift_right_logical3A_560 : i32 to vector<32x1024xi32>
        %le3A_562 = arith.cmpi sle, %get3A_500, %le3A_561 : vector<32x1024xi32>
        %and3A_563 = arith.andi %and3A_535, %le3A_562 : vector<32x1024xi1>
        %jit3A_564 = arith.constant 1.000000e+00 : f32
        %jit3A_565 = arith.constant 0.000000e+00 : f32
        %broadcast_in_dim3A_566 = vector.broadcast %jit3A_564 : f32 to vector<32x1024xf32>
        %broadcast_in_dim3A_567 = vector.broadcast %jit3A_565 : f32 to vector<32x1024xf32>
        %select_n3A_568 = arith.select %and3A_563, %broadcast_in_dim3A_566, %broadcast_in_dim3A_567 : vector<32x1024xi1>, vector<32x1024xf32>
        %reduce_sum3A_569 = vector.shape_cast %select_n3A_568 : vector<32x1024xf32> to vector<1x32x1024xf32>
        %reduce_sum3A_570 = arith.constant dense<0.000000e+00> : vector<1xf32>
        %reduce_sum3A_571 = vector.multi_reduction <add>, %reduce_sum3A_569, %reduce_sum3A_570 [1, 2] : vector<1x32x1024xf32> to vector<1xf32>
        %reduce_sum3A_572 = vector.shape_cast %reduce_sum3A_571 : vector<1xf32> to vector<1x1x1xf32>
        %reduce_sum3A_573 = vector.extract %reduce_sum3A_572[0, 0, 0] : f32 from vector<1x1x1xf32>
        %ge3A_574 = arith.cmpf oge, %reduce_sum3A_573, %sub3A_532 : f32
        %add3A_575 = arith.constant 1 : i32
        %add3A_576 = arith.addi %shift_right_logical3A_560, %add3A_575 : i32
        %select_n3A_577 = arith.select %ge3A_574, %scan3A_557, %add3A_576 : i32
        %select_n3A_578 = arith.select %ge3A_574, %shift_right_logical3A_560, %scan3A_558 : i32
        scf.yield %select_n3A_577, %select_n3A_578 : i32, i32
      }
      %jit3A_543 = arith.constant 5033165 : i32
      %select_n3A_544 = arith.select %gt3A_488, %scan3A_517#0, %jit3A_543 : i32
      %swap3A_545 = arith.constant 0 : index
      %swap3A_546 = memref.load %arg8[%swap3A_545] : memref<8xi32, #tpu.memory_space<smem>>
      memref.store %select_n3A_544, %arg8[%swap3A_545] : memref<8xi32, #tpu.memory_space<smem>>
      %jit3A_547 = arith.constant -1 : i32
      %select_n3A_548 = arith.select %gt3A_488, %scan3A_542#0, %jit3A_547 : i32
      %swap3A_549 = arith.constant 1 : index
      %swap3A_550 = memref.load %arg8[%swap3A_549] : memref<8xi32, #tpu.memory_space<smem>>
      memref.store %select_n3A_548, %arg8[%swap3A_549] : memref<8xi32, #tpu.memory_space<smem>>
      %gt3A_551 = arith.constant 0 : i32
      %gt3A_552 = arith.cmpi sgt, %get3A_494, %gt3A_551 : i32
      %convert_element_type3A_553 = arith.extui %gt3A_552 : i1 to i32
      %swap3A_554 = arith.constant 2 : index
      %swap3A_555 = memref.load %arg8[%swap3A_554] : memref<8xi32, #tpu.memory_space<smem>>
      memref.store %convert_element_type3A_553, %arg8[%swap3A_554] : memref<8xi32, #tpu.memory_space<smem>>
    } else {
    }
    %get3A = arith.constant 0 : index
    %get3A_2 = memref.load %arg8[%get3A] : memref<8xi32, #tpu.memory_space<smem>>
    %get3A_3 = arith.constant 1 : index
    %get3A_4 = memref.load %arg8[%get3A_3] : memref<8xi32, #tpu.memory_space<smem>>
    %get3A_5 = arith.constant 0 : index
    %get3A_6 = arith.constant 0 : index
    %get3A_7 = arith.constant 0 : index
    %get3A_8 = vector.load %arg2[%get3A_5, %get3A_6, %get3A_7] : memref<15x128x128xf32, #tpu.memory_space<vmem>>, vector<15x128x128xf32>
    %iota3A = tpu.iota {dimensions = array<i32: 0>} : vector<128x128xi32>
    %iota3A_9 = tpu.iota {dimensions = array<i32: 1>} : vector<128x128xi32>
    %mul3A = arith.constant 128 : i32
    %mul3A_10 = arith.muli %arg0, %mul3A : i32
    %add3A = vector.broadcast %mul3A_10 : i32 to vector<128x128xi32>
    %add3A_11 = arith.addi %add3A, %iota3A : vector<128x128xi32>
    %mul3A_12 = arith.constant 128 : i32
    %mul3A_13 = vector.broadcast %mul3A_12 : i32 to vector<128x128xi32>
    %mul3A_14 = arith.muli %add3A_11, %mul3A_13 : vector<128x128xi32>
    %add3A_15 = arith.addi %mul3A_14, %iota3A_9 : vector<128x128xi32>
    %slice3A = vector.extract_strided_slice %get3A_8 {offsets = [0, 0, 0], sizes = [1, 128, 128], strides = [1, 1, 1]} : vector<15x128x128xf32> to vector<1x128x128xf32>
    %squeeze3A = vector.shape_cast %slice3A : vector<1x128x128xf32> to vector<128x128xf32>
    %bitcast_convert_type3A = tpu.bitcast %squeeze3A : vector<128x128xf32> -> vector<128x128xi32>
    %sub3A = arith.constant 1023410176 : i32
    %sub3A_16 = vector.broadcast %sub3A : i32 to vector<128x128xi32>
    %sub3A_17 = arith.subi %bitcast_convert_type3A, %sub3A_16 : vector<128x128xi32>
    %mul3A_18 = arith.constant 15 : i32
    %mul3A_19 = vector.broadcast %mul3A_18 : i32 to vector<128x128xi32>
    %mul3A_20 = arith.muli %add3A_15, %mul3A_19 : vector<128x128xi32>
    %add3A_21 = arith.constant 0 : i32
    %add3A_22 = vector.broadcast %add3A_21 : i32 to vector<128x128xi32>
    %add3A_23 = arith.addi %mul3A_20, %add3A_22 : vector<128x128xi32>
    %gt3A = vector.broadcast %get3A_2 : i32 to vector<128x128xi32>
    %gt3A_24 = arith.cmpi sgt, %sub3A_17, %gt3A : vector<128x128xi32>
    %eq3A_25 = vector.broadcast %get3A_2 : i32 to vector<128x128xi32>
    %eq3A_26 = arith.cmpi eq, %sub3A_17, %eq3A_25 : vector<128x128xi32>
    %le3A = vector.broadcast %get3A_4 : i32 to vector<128x128xi32>
    %le3A_27 = arith.cmpi sle, %add3A_23, %le3A : vector<128x128xi32>
    %and3A = arith.andi %eq3A_26, %le3A_27 : vector<128x128xi1>
    %or3A = arith.ori %gt3A_24, %and3A : vector<128x128xi1>
    %slice3A_28 = vector.extract_strided_slice %get3A_8 {offsets = [1, 0, 0], sizes = [1, 128, 128], strides = [1, 1, 1]} : vector<15x128x128xf32> to vector<1x128x128xf32>
    %squeeze3A_29 = vector.shape_cast %slice3A_28 : vector<1x128x128xf32> to vector<128x128xf32>
    %bitcast_convert_type3A_30 = tpu.bitcast %squeeze3A_29 : vector<128x128xf32> -> vector<128x128xi32>
    %sub3A_31 = arith.constant 1023410176 : i32
    %sub3A_32 = vector.broadcast %sub3A_31 : i32 to vector<128x128xi32>
    %sub3A_33 = arith.subi %bitcast_convert_type3A_30, %sub3A_32 : vector<128x128xi32>
    %mul3A_34 = arith.constant 15 : i32
    %mul3A_35 = vector.broadcast %mul3A_34 : i32 to vector<128x128xi32>
    %mul3A_36 = arith.muli %add3A_15, %mul3A_35 : vector<128x128xi32>
    %add3A_37 = arith.constant 1 : i32
    %add3A_38 = vector.broadcast %add3A_37 : i32 to vector<128x128xi32>
    %add3A_39 = arith.addi %mul3A_36, %add3A_38 : vector<128x128xi32>
    %gt3A_40 = vector.broadcast %get3A_2 : i32 to vector<128x128xi32>
    %gt3A_41 = arith.cmpi sgt, %sub3A_33, %gt3A_40 : vector<128x128xi32>
    %eq3A_42 = vector.broadcast %get3A_2 : i32 to vector<128x128xi32>
    %eq3A_43 = arith.cmpi eq, %sub3A_33, %eq3A_42 : vector<128x128xi32>
    %le3A_44 = vector.broadcast %get3A_4 : i32 to vector<128x128xi32>
    %le3A_45 = arith.cmpi sle, %add3A_39, %le3A_44 : vector<128x128xi32>
    %and3A_46 = arith.andi %eq3A_43, %le3A_45 : vector<128x128xi1>
    %or3A_47 = arith.ori %gt3A_41, %and3A_46 : vector<128x128xi1>
    %or3A_48 = arith.ori %or3A, %or3A_47 : vector<128x128xi1>
    %slice3A_49 = vector.extract_strided_slice %get3A_8 {offsets = [2, 0, 0], sizes = [1, 128, 128], strides = [1, 1, 1]} : vector<15x128x128xf32> to vector<1x128x128xf32>
    %squeeze3A_50 = vector.shape_cast %slice3A_49 : vector<1x128x128xf32> to vector<128x128xf32>
    %bitcast_convert_type3A_51 = tpu.bitcast %squeeze3A_50 : vector<128x128xf32> -> vector<128x128xi32>
    %sub3A_52 = arith.constant 1023410176 : i32
    %sub3A_53 = vector.broadcast %sub3A_52 : i32 to vector<128x128xi32>
    %sub3A_54 = arith.subi %bitcast_convert_type3A_51, %sub3A_53 : vector<128x128xi32>
    %mul3A_55 = arith.constant 15 : i32
    %mul3A_56 = vector.broadcast %mul3A_55 : i32 to vector<128x128xi32>
    %mul3A_57 = arith.muli %add3A_15, %mul3A_56 : vector<128x128xi32>
    %add3A_58 = arith.constant 2 : i32
    %add3A_59 = vector.broadcast %add3A_58 : i32 to vector<128x128xi32>
    %add3A_60 = arith.addi %mul3A_57, %add3A_59 : vector<128x128xi32>
    %gt3A_61 = vector.broadcast %get3A_2 : i32 to vector<128x128xi32>
    %gt3A_62 = arith.cmpi sgt, %sub3A_54, %gt3A_61 : vector<128x128xi32>
    %eq3A_63 = vector.broadcast %get3A_2 : i32 to vector<128x128xi32>
    %eq3A_64 = arith.cmpi eq, %sub3A_54, %eq3A_63 : vector<128x128xi32>
    %le3A_65 = vector.broadcast %get3A_4 : i32 to vector<128x128xi32>
    %le3A_66 = arith.cmpi sle, %add3A_60, %le3A_65 : vector<128x128xi32>
    %and3A_67 = arith.andi %eq3A_64, %le3A_66 : vector<128x128xi1>
    %or3A_68 = arith.ori %gt3A_62, %and3A_67 : vector<128x128xi1>
    %or3A_69 = arith.ori %or3A_48, %or3A_68 : vector<128x128xi1>
    %slice3A_70 = vector.extract_strided_slice %get3A_8 {offsets = [3, 0, 0], sizes = [1, 128, 128], strides = [1, 1, 1]} : vector<15x128x128xf32> to vector<1x128x128xf32>
    %squeeze3A_71 = vector.shape_cast %slice3A_70 : vector<1x128x128xf32> to vector<128x128xf32>
    %bitcast_convert_type3A_72 = tpu.bitcast %squeeze3A_71 : vector<128x128xf32> -> vector<128x128xi32>
    %sub3A_73 = arith.constant 1023410176 : i32
    %sub3A_74 = vector.broadcast %sub3A_73 : i32 to vector<128x128xi32>
    %sub3A_75 = arith.subi %bitcast_convert_type3A_72, %sub3A_74 : vector<128x128xi32>
    %mul3A_76 = arith.constant 15 : i32
    %mul3A_77 = vector.broadcast %mul3A_76 : i32 to vector<128x128xi32>
    %mul3A_78 = arith.muli %add3A_15, %mul3A_77 : vector<128x128xi32>
    %add3A_79 = arith.constant 3 : i32
    %add3A_80 = vector.broadcast %add3A_79 : i32 to vector<128x128xi32>
    %add3A_81 = arith.addi %mul3A_78, %add3A_80 : vector<128x128xi32>
    %gt3A_82 = vector.broadcast %get3A_2 : i32 to vector<128x128xi32>
    %gt3A_83 = arith.cmpi sgt, %sub3A_75, %gt3A_82 : vector<128x128xi32>
    %eq3A_84 = vector.broadcast %get3A_2 : i32 to vector<128x128xi32>
    %eq3A_85 = arith.cmpi eq, %sub3A_75, %eq3A_84 : vector<128x128xi32>
    %le3A_86 = vector.broadcast %get3A_4 : i32 to vector<128x128xi32>
    %le3A_87 = arith.cmpi sle, %add3A_81, %le3A_86 : vector<128x128xi32>
    %and3A_88 = arith.andi %eq3A_85, %le3A_87 : vector<128x128xi1>
    %or3A_89 = arith.ori %gt3A_83, %and3A_88 : vector<128x128xi1>
    %or3A_90 = arith.ori %or3A_69, %or3A_89 : vector<128x128xi1>
    %slice3A_91 = vector.extract_strided_slice %get3A_8 {offsets = [4, 0, 0], sizes = [1, 128, 128], strides = [1, 1, 1]} : vector<15x128x128xf32> to vector<1x128x128xf32>
    %squeeze3A_92 = vector.shape_cast %slice3A_91 : vector<1x128x128xf32> to vector<128x128xf32>
    %bitcast_convert_type3A_93 = tpu.bitcast %squeeze3A_92 : vector<128x128xf32> -> vector<128x128xi32>
    %sub3A_94 = arith.constant 1023410176 : i32
    %sub3A_95 = vector.broadcast %sub3A_94 : i32 to vector<128x128xi32>
    %sub3A_96 = arith.subi %bitcast_convert_type3A_93, %sub3A_95 : vector<128x128xi32>
    %mul3A_97 = arith.constant 15 : i32
    %mul3A_98 = vector.broadcast %mul3A_97 : i32 to vector<128x128xi32>
    %mul3A_99 = arith.muli %add3A_15, %mul3A_98 : vector<128x128xi32>
    %add3A_100 = arith.constant 4 : i32
    %add3A_101 = vector.broadcast %add3A_100 : i32 to vector<128x128xi32>
    %add3A_102 = arith.addi %mul3A_99, %add3A_101 : vector<128x128xi32>
    %gt3A_103 = vector.broadcast %get3A_2 : i32 to vector<128x128xi32>
    %gt3A_104 = arith.cmpi sgt, %sub3A_96, %gt3A_103 : vector<128x128xi32>
    %eq3A_105 = vector.broadcast %get3A_2 : i32 to vector<128x128xi32>
    %eq3A_106 = arith.cmpi eq, %sub3A_96, %eq3A_105 : vector<128x128xi32>
    %le3A_107 = vector.broadcast %get3A_4 : i32 to vector<128x128xi32>
    %le3A_108 = arith.cmpi sle, %add3A_102, %le3A_107 : vector<128x128xi32>
    %and3A_109 = arith.andi %eq3A_106, %le3A_108 : vector<128x128xi1>
    %or3A_110 = arith.ori %gt3A_104, %and3A_109 : vector<128x128xi1>
    %or3A_111 = arith.ori %or3A_90, %or3A_110 : vector<128x128xi1>
    %slice3A_112 = vector.extract_strided_slice %get3A_8 {offsets = [5, 0, 0], sizes = [1, 128, 128], strides = [1, 1, 1]} : vector<15x128x128xf32> to vector<1x128x128xf32>
    %squeeze3A_113 = vector.shape_cast %slice3A_112 : vector<1x128x128xf32> to vector<128x128xf32>
    %bitcast_convert_type3A_114 = tpu.bitcast %squeeze3A_113 : vector<128x128xf32> -> vector<128x128xi32>
    %sub3A_115 = arith.constant 1023410176 : i32
    %sub3A_116 = vector.broadcast %sub3A_115 : i32 to vector<128x128xi32>
    %sub3A_117 = arith.subi %bitcast_convert_type3A_114, %sub3A_116 : vector<128x128xi32>
    %mul3A_118 = arith.constant 15 : i32
    %mul3A_119 = vector.broadcast %mul3A_118 : i32 to vector<128x128xi32>
    %mul3A_120 = arith.muli %add3A_15, %mul3A_119 : vector<128x128xi32>
    %add3A_121 = arith.constant 5 : i32
    %add3A_122 = vector.broadcast %add3A_121 : i32 to vector<128x128xi32>
    %add3A_123 = arith.addi %mul3A_120, %add3A_122 : vector<128x128xi32>
    %gt3A_124 = vector.broadcast %get3A_2 : i32 to vector<128x128xi32>
    %gt3A_125 = arith.cmpi sgt, %sub3A_117, %gt3A_124 : vector<128x128xi32>
    %eq3A_126 = vector.broadcast %get3A_2 : i32 to vector<128x128xi32>
    %eq3A_127 = arith.cmpi eq, %sub3A_117, %eq3A_126 : vector<128x128xi32>
    %le3A_128 = vector.broadcast %get3A_4 : i32 to vector<128x128xi32>
    %le3A_129 = arith.cmpi sle, %add3A_123, %le3A_128 : vector<128x128xi32>
    %and3A_130 = arith.andi %eq3A_127, %le3A_129 : vector<128x128xi1>
    %or3A_131 = arith.ori %gt3A_125, %and3A_130 : vector<128x128xi1>
    %or3A_132 = arith.ori %or3A_111, %or3A_131 : vector<128x128xi1>
    %slice3A_133 = vector.extract_strided_slice %get3A_8 {offsets = [6, 0, 0], sizes = [1, 128, 128], strides = [1, 1, 1]} : vector<15x128x128xf32> to vector<1x128x128xf32>
    %squeeze3A_134 = vector.shape_cast %slice3A_133 : vector<1x128x128xf32> to vector<128x128xf32>
    %bitcast_convert_type3A_135 = tpu.bitcast %squeeze3A_134 : vector<128x128xf32> -> vector<128x128xi32>
    %sub3A_136 = arith.constant 1023410176 : i32
    %sub3A_137 = vector.broadcast %sub3A_136 : i32 to vector<128x128xi32>
    %sub3A_138 = arith.subi %bitcast_convert_type3A_135, %sub3A_137 : vector<128x128xi32>
    %mul3A_139 = arith.constant 15 : i32
    %mul3A_140 = vector.broadcast %mul3A_139 : i32 to vector<128x128xi32>
    %mul3A_141 = arith.muli %add3A_15, %mul3A_140 : vector<128x128xi32>
    %add3A_142 = arith.constant 6 : i32
    %add3A_143 = vector.broadcast %add3A_142 : i32 to vector<128x128xi32>
    %add3A_144 = arith.addi %mul3A_141, %add3A_143 : vector<128x128xi32>
    %gt3A_145 = vector.broadcast %get3A_2 : i32 to vector<128x128xi32>
    %gt3A_146 = arith.cmpi sgt, %sub3A_138, %gt3A_145 : vector<128x128xi32>
    %eq3A_147 = vector.broadcast %get3A_2 : i32 to vector<128x128xi32>
    %eq3A_148 = arith.cmpi eq, %sub3A_138, %eq3A_147 : vector<128x128xi32>
    %le3A_149 = vector.broadcast %get3A_4 : i32 to vector<128x128xi32>
    %le3A_150 = arith.cmpi sle, %add3A_144, %le3A_149 : vector<128x128xi32>
    %and3A_151 = arith.andi %eq3A_148, %le3A_150 : vector<128x128xi1>
    %or3A_152 = arith.ori %gt3A_146, %and3A_151 : vector<128x128xi1>
    %or3A_153 = arith.ori %or3A_132, %or3A_152 : vector<128x128xi1>
    %slice3A_154 = vector.extract_strided_slice %get3A_8 {offsets = [7, 0, 0], sizes = [1, 128, 128], strides = [1, 1, 1]} : vector<15x128x128xf32> to vector<1x128x128xf32>
    %squeeze3A_155 = vector.shape_cast %slice3A_154 : vector<1x128x128xf32> to vector<128x128xf32>
    %bitcast_convert_type3A_156 = tpu.bitcast %squeeze3A_155 : vector<128x128xf32> -> vector<128x128xi32>
    %sub3A_157 = arith.constant 1023410176 : i32
    %sub3A_158 = vector.broadcast %sub3A_157 : i32 to vector<128x128xi32>
    %sub3A_159 = arith.subi %bitcast_convert_type3A_156, %sub3A_158 : vector<128x128xi32>
    %mul3A_160 = arith.constant 15 : i32
    %mul3A_161 = vector.broadcast %mul3A_160 : i32 to vector<128x128xi32>
    %mul3A_162 = arith.muli %add3A_15, %mul3A_161 : vector<128x128xi32>
    %add3A_163 = arith.constant 7 : i32
    %add3A_164 = vector.broadcast %add3A_163 : i32 to vector<128x128xi32>
    %add3A_165 = arith.addi %mul3A_162, %add3A_164 : vector<128x128xi32>
    %gt3A_166 = vector.broadcast %get3A_2 : i32 to vector<128x128xi32>
    %gt3A_167 = arith.cmpi sgt, %sub3A_159, %gt3A_166 : vector<128x128xi32>
    %eq3A_168 = vector.broadcast %get3A_2 : i32 to vector<128x128xi32>
    %eq3A_169 = arith.cmpi eq, %sub3A_159, %eq3A_168 : vector<128x128xi32>
    %le3A_170 = vector.broadcast %get3A_4 : i32 to vector<128x128xi32>
    %le3A_171 = arith.cmpi sle, %add3A_165, %le3A_170 : vector<128x128xi32>
    %and3A_172 = arith.andi %eq3A_169, %le3A_171 : vector<128x128xi1>
    %or3A_173 = arith.ori %gt3A_167, %and3A_172 : vector<128x128xi1>
    %or3A_174 = arith.ori %or3A_153, %or3A_173 : vector<128x128xi1>
    %slice3A_175 = vector.extract_strided_slice %get3A_8 {offsets = [8, 0, 0], sizes = [1, 128, 128], strides = [1, 1, 1]} : vector<15x128x128xf32> to vector<1x128x128xf32>
    %squeeze3A_176 = vector.shape_cast %slice3A_175 : vector<1x128x128xf32> to vector<128x128xf32>
    %bitcast_convert_type3A_177 = tpu.bitcast %squeeze3A_176 : vector<128x128xf32> -> vector<128x128xi32>
    %sub3A_178 = arith.constant 1023410176 : i32
    %sub3A_179 = vector.broadcast %sub3A_178 : i32 to vector<128x128xi32>
    %sub3A_180 = arith.subi %bitcast_convert_type3A_177, %sub3A_179 : vector<128x128xi32>
    %mul3A_181 = arith.constant 15 : i32
    %mul3A_182 = vector.broadcast %mul3A_181 : i32 to vector<128x128xi32>
    %mul3A_183 = arith.muli %add3A_15, %mul3A_182 : vector<128x128xi32>
    %add3A_184 = arith.constant 8 : i32
    %add3A_185 = vector.broadcast %add3A_184 : i32 to vector<128x128xi32>
    %add3A_186 = arith.addi %mul3A_183, %add3A_185 : vector<128x128xi32>
    %gt3A_187 = vector.broadcast %get3A_2 : i32 to vector<128x128xi32>
    %gt3A_188 = arith.cmpi sgt, %sub3A_180, %gt3A_187 : vector<128x128xi32>
    %eq3A_189 = vector.broadcast %get3A_2 : i32 to vector<128x128xi32>
    %eq3A_190 = arith.cmpi eq, %sub3A_180, %eq3A_189 : vector<128x128xi32>
    %le3A_191 = vector.broadcast %get3A_4 : i32 to vector<128x128xi32>
    %le3A_192 = arith.cmpi sle, %add3A_186, %le3A_191 : vector<128x128xi32>
    %and3A_193 = arith.andi %eq3A_190, %le3A_192 : vector<128x128xi1>
    %or3A_194 = arith.ori %gt3A_188, %and3A_193 : vector<128x128xi1>
    %or3A_195 = arith.ori %or3A_174, %or3A_194 : vector<128x128xi1>
    %slice3A_196 = vector.extract_strided_slice %get3A_8 {offsets = [9, 0, 0], sizes = [1, 128, 128], strides = [1, 1, 1]} : vector<15x128x128xf32> to vector<1x128x128xf32>
    %squeeze3A_197 = vector.shape_cast %slice3A_196 : vector<1x128x128xf32> to vector<128x128xf32>
    %bitcast_convert_type3A_198 = tpu.bitcast %squeeze3A_197 : vector<128x128xf32> -> vector<128x128xi32>
    %sub3A_199 = arith.constant 1023410176 : i32
    %sub3A_200 = vector.broadcast %sub3A_199 : i32 to vector<128x128xi32>
    %sub3A_201 = arith.subi %bitcast_convert_type3A_198, %sub3A_200 : vector<128x128xi32>
    %mul3A_202 = arith.constant 15 : i32
    %mul3A_203 = vector.broadcast %mul3A_202 : i32 to vector<128x128xi32>
    %mul3A_204 = arith.muli %add3A_15, %mul3A_203 : vector<128x128xi32>
    %add3A_205 = arith.constant 9 : i32
    %add3A_206 = vector.broadcast %add3A_205 : i32 to vector<128x128xi32>
    %add3A_207 = arith.addi %mul3A_204, %add3A_206 : vector<128x128xi32>
    %gt3A_208 = vector.broadcast %get3A_2 : i32 to vector<128x128xi32>
    %gt3A_209 = arith.cmpi sgt, %sub3A_201, %gt3A_208 : vector<128x128xi32>
    %eq3A_210 = vector.broadcast %get3A_2 : i32 to vector<128x128xi32>
    %eq3A_211 = arith.cmpi eq, %sub3A_201, %eq3A_210 : vector<128x128xi32>
    %le3A_212 = vector.broadcast %get3A_4 : i32 to vector<128x128xi32>
    %le3A_213 = arith.cmpi sle, %add3A_207, %le3A_212 : vector<128x128xi32>
    %and3A_214 = arith.andi %eq3A_211, %le3A_213 : vector<128x128xi1>
    %or3A_215 = arith.ori %gt3A_209, %and3A_214 : vector<128x128xi1>
    %or3A_216 = arith.ori %or3A_195, %or3A_215 : vector<128x128xi1>
    %slice3A_217 = vector.extract_strided_slice %get3A_8 {offsets = [10, 0, 0], sizes = [1, 128, 128], strides = [1, 1, 1]} : vector<15x128x128xf32> to vector<1x128x128xf32>
    %squeeze3A_218 = vector.shape_cast %slice3A_217 : vector<1x128x128xf32> to vector<128x128xf32>
    %bitcast_convert_type3A_219 = tpu.bitcast %squeeze3A_218 : vector<128x128xf32> -> vector<128x128xi32>
    %sub3A_220 = arith.constant 1023410176 : i32
    %sub3A_221 = vector.broadcast %sub3A_220 : i32 to vector<128x128xi32>
    %sub3A_222 = arith.subi %bitcast_convert_type3A_219, %sub3A_221 : vector<128x128xi32>
    %mul3A_223 = arith.constant 15 : i32
    %mul3A_224 = vector.broadcast %mul3A_223 : i32 to vector<128x128xi32>
    %mul3A_225 = arith.muli %add3A_15, %mul3A_224 : vector<128x128xi32>
    %add3A_226 = arith.constant 10 : i32
    %add3A_227 = vector.broadcast %add3A_226 : i32 to vector<128x128xi32>
    %add3A_228 = arith.addi %mul3A_225, %add3A_227 : vector<128x128xi32>
    %gt3A_229 = vector.broadcast %get3A_2 : i32 to vector<128x128xi32>
    %gt3A_230 = arith.cmpi sgt, %sub3A_222, %gt3A_229 : vector<128x128xi32>
    %eq3A_231 = vector.broadcast %get3A_2 : i32 to vector<128x128xi32>
    %eq3A_232 = arith.cmpi eq, %sub3A_222, %eq3A_231 : vector<128x128xi32>
    %le3A_233 = vector.broadcast %get3A_4 : i32 to vector<128x128xi32>
    %le3A_234 = arith.cmpi sle, %add3A_228, %le3A_233 : vector<128x128xi32>
    %and3A_235 = arith.andi %eq3A_232, %le3A_234 : vector<128x128xi1>
    %or3A_236 = arith.ori %gt3A_230, %and3A_235 : vector<128x128xi1>
    %or3A_237 = arith.ori %or3A_216, %or3A_236 : vector<128x128xi1>
    %slice3A_238 = vector.extract_strided_slice %get3A_8 {offsets = [11, 0, 0], sizes = [1, 128, 128], strides = [1, 1, 1]} : vector<15x128x128xf32> to vector<1x128x128xf32>
    %squeeze3A_239 = vector.shape_cast %slice3A_238 : vector<1x128x128xf32> to vector<128x128xf32>
    %bitcast_convert_type3A_240 = tpu.bitcast %squeeze3A_239 : vector<128x128xf32> -> vector<128x128xi32>
    %sub3A_241 = arith.constant 1023410176 : i32
    %sub3A_242 = vector.broadcast %sub3A_241 : i32 to vector<128x128xi32>
    %sub3A_243 = arith.subi %bitcast_convert_type3A_240, %sub3A_242 : vector<128x128xi32>
    %mul3A_244 = arith.constant 15 : i32
    %mul3A_245 = vector.broadcast %mul3A_244 : i32 to vector<128x128xi32>
    %mul3A_246 = arith.muli %add3A_15, %mul3A_245 : vector<128x128xi32>
    %add3A_247 = arith.constant 11 : i32
    %add3A_248 = vector.broadcast %add3A_247 : i32 to vector<128x128xi32>
    %add3A_249 = arith.addi %mul3A_246, %add3A_248 : vector<128x128xi32>
    %gt3A_250 = vector.broadcast %get3A_2 : i32 to vector<128x128xi32>
    %gt3A_251 = arith.cmpi sgt, %sub3A_243, %gt3A_250 : vector<128x128xi32>
    %eq3A_252 = vector.broadcast %get3A_2 : i32 to vector<128x128xi32>
    %eq3A_253 = arith.cmpi eq, %sub3A_243, %eq3A_252 : vector<128x128xi32>
    %le3A_254 = vector.broadcast %get3A_4 : i32 to vector<128x128xi32>
    %le3A_255 = arith.cmpi sle, %add3A_249, %le3A_254 : vector<128x128xi32>
    %and3A_256 = arith.andi %eq3A_253, %le3A_255 : vector<128x128xi1>
    %or3A_257 = arith.ori %gt3A_251, %and3A_256 : vector<128x128xi1>
    %or3A_258 = arith.ori %or3A_237, %or3A_257 : vector<128x128xi1>
    %slice3A_259 = vector.extract_strided_slice %get3A_8 {offsets = [12, 0, 0], sizes = [1, 128, 128], strides = [1, 1, 1]} : vector<15x128x128xf32> to vector<1x128x128xf32>
    %squeeze3A_260 = vector.shape_cast %slice3A_259 : vector<1x128x128xf32> to vector<128x128xf32>
    %bitcast_convert_type3A_261 = tpu.bitcast %squeeze3A_260 : vector<128x128xf32> -> vector<128x128xi32>
    %sub3A_262 = arith.constant 1023410176 : i32
    %sub3A_263 = vector.broadcast %sub3A_262 : i32 to vector<128x128xi32>
    %sub3A_264 = arith.subi %bitcast_convert_type3A_261, %sub3A_263 : vector<128x128xi32>
    %mul3A_265 = arith.constant 15 : i32
    %mul3A_266 = vector.broadcast %mul3A_265 : i32 to vector<128x128xi32>
    %mul3A_267 = arith.muli %add3A_15, %mul3A_266 : vector<128x128xi32>
    %add3A_268 = arith.constant 12 : i32
    %add3A_269 = vector.broadcast %add3A_268 : i32 to vector<128x128xi32>
    %add3A_270 = arith.addi %mul3A_267, %add3A_269 : vector<128x128xi32>
    %gt3A_271 = vector.broadcast %get3A_2 : i32 to vector<128x128xi32>
    %gt3A_272 = arith.cmpi sgt, %sub3A_264, %gt3A_271 : vector<128x128xi32>
    %eq3A_273 = vector.broadcast %get3A_2 : i32 to vector<128x128xi32>
    %eq3A_274 = arith.cmpi eq, %sub3A_264, %eq3A_273 : vector<128x128xi32>
    %le3A_275 = vector.broadcast %get3A_4 : i32 to vector<128x128xi32>
    %le3A_276 = arith.cmpi sle, %add3A_270, %le3A_275 : vector<128x128xi32>
    %and3A_277 = arith.andi %eq3A_274, %le3A_276 : vector<128x128xi1>
    %or3A_278 = arith.ori %gt3A_272, %and3A_277 : vector<128x128xi1>
    %or3A_279 = arith.ori %or3A_258, %or3A_278 : vector<128x128xi1>
    %slice3A_280 = vector.extract_strided_slice %get3A_8 {offsets = [13, 0, 0], sizes = [1, 128, 128], strides = [1, 1, 1]} : vector<15x128x128xf32> to vector<1x128x128xf32>
    %squeeze3A_281 = vector.shape_cast %slice3A_280 : vector<1x128x128xf32> to vector<128x128xf32>
    %bitcast_convert_type3A_282 = tpu.bitcast %squeeze3A_281 : vector<128x128xf32> -> vector<128x128xi32>
    %sub3A_283 = arith.constant 1023410176 : i32
    %sub3A_284 = vector.broadcast %sub3A_283 : i32 to vector<128x128xi32>
    %sub3A_285 = arith.subi %bitcast_convert_type3A_282, %sub3A_284 : vector<128x128xi32>
    %mul3A_286 = arith.constant 15 : i32
    %mul3A_287 = vector.broadcast %mul3A_286 : i32 to vector<128x128xi32>
    %mul3A_288 = arith.muli %add3A_15, %mul3A_287 : vector<128x128xi32>
    %add3A_289 = arith.constant 13 : i32
    %add3A_290 = vector.broadcast %add3A_289 : i32 to vector<128x128xi32>
    %add3A_291 = arith.addi %mul3A_288, %add3A_290 : vector<128x128xi32>
    %gt3A_292 = vector.broadcast %get3A_2 : i32 to vector<128x128xi32>
    %gt3A_293 = arith.cmpi sgt, %sub3A_285, %gt3A_292 : vector<128x128xi32>
    %eq3A_294 = vector.broadcast %get3A_2 : i32 to vector<128x128xi32>
    %eq3A_295 = arith.cmpi eq, %sub3A_285, %eq3A_294 : vector<128x128xi32>
    %le3A_296 = vector.broadcast %get3A_4 : i32 to vector<128x128xi32>
    %le3A_297 = arith.cmpi sle, %add3A_291, %le3A_296 : vector<128x128xi32>
    %and3A_298 = arith.andi %eq3A_295, %le3A_297 : vector<128x128xi1>
    %or3A_299 = arith.ori %gt3A_293, %and3A_298 : vector<128x128xi1>
    %or3A_300 = arith.ori %or3A_279, %or3A_299 : vector<128x128xi1>
    %slice3A_301 = vector.extract_strided_slice %get3A_8 {offsets = [14, 0, 0], sizes = [1, 128, 128], strides = [1, 1, 1]} : vector<15x128x128xf32> to vector<1x128x128xf32>
    %squeeze3A_302 = vector.shape_cast %slice3A_301 : vector<1x128x128xf32> to vector<128x128xf32>
    %bitcast_convert_type3A_303 = tpu.bitcast %squeeze3A_302 : vector<128x128xf32> -> vector<128x128xi32>
    %sub3A_304 = arith.constant 1023410176 : i32
    %sub3A_305 = vector.broadcast %sub3A_304 : i32 to vector<128x128xi32>
    %sub3A_306 = arith.subi %bitcast_convert_type3A_303, %sub3A_305 : vector<128x128xi32>
    %mul3A_307 = arith.constant 15 : i32
    %mul3A_308 = vector.broadcast %mul3A_307 : i32 to vector<128x128xi32>
    %mul3A_309 = arith.muli %add3A_15, %mul3A_308 : vector<128x128xi32>
    %add3A_310 = arith.constant 14 : i32
    %add3A_311 = vector.broadcast %add3A_310 : i32 to vector<128x128xi32>
    %add3A_312 = arith.addi %mul3A_309, %add3A_311 : vector<128x128xi32>
    %gt3A_313 = vector.broadcast %get3A_2 : i32 to vector<128x128xi32>
    %gt3A_314 = arith.cmpi sgt, %sub3A_306, %gt3A_313 : vector<128x128xi32>
    %eq3A_315 = vector.broadcast %get3A_2 : i32 to vector<128x128xi32>
    %eq3A_316 = arith.cmpi eq, %sub3A_306, %eq3A_315 : vector<128x128xi32>
    %le3A_317 = vector.broadcast %get3A_4 : i32 to vector<128x128xi32>
    %le3A_318 = arith.cmpi sle, %add3A_312, %le3A_317 : vector<128x128xi32>
    %and3A_319 = arith.andi %eq3A_316, %le3A_318 : vector<128x128xi1>
    %or3A_320 = arith.ori %gt3A_314, %and3A_319 : vector<128x128xi1>
    %or3A_321 = arith.ori %or3A_300, %or3A_320 : vector<128x128xi1>
    %slice3A_322 = vector.extract_strided_slice %get3A_8 {offsets = [3, 0, 0], sizes = [1, 128, 128], strides = [1, 1, 1]} : vector<15x128x128xf32> to vector<1x128x128xf32>
    %squeeze3A_323 = vector.shape_cast %slice3A_322 : vector<1x128x128xf32> to vector<128x128xf32>
    %slice3A_324 = vector.extract_strided_slice %get3A_8 {offsets = [5, 0, 0], sizes = [1, 128, 128], strides = [1, 1, 1]} : vector<15x128x128xf32> to vector<1x128x128xf32>
    %squeeze3A_325 = vector.shape_cast %slice3A_324 : vector<1x128x128xf32> to vector<128x128xf32>
    %gt3A_326 = arith.cmpf ogt, %squeeze3A_323, %squeeze3A_325 : vector<128x128xf32>
    %and3A_327 = arith.andi %or3A_321, %gt3A_326 : vector<128x128xi1>
    %convert_element_type3A_328 = arith.extui %and3A_327 : vector<128x128xi1> to vector<128x128xi32>
    %convert_element_type3A_329 = arith.sitofp %convert_element_type3A_328 : vector<128x128xi32> to vector<128x128xf32>
    %not3A = arith.constant dense<true> : vector<128x128xi1>
    %not3A_330 = arith.xori %gt3A_326, %not3A : vector<128x128xi1>
    %and3A_331 = arith.andi %or3A_321, %not3A_330 : vector<128x128xi1>
    %convert_element_type3A_332 = arith.extui %and3A_331 : vector<128x128xi1> to vector<128x128xi32>
    %convert_element_type3A_333 = arith.sitofp %convert_element_type3A_332 : vector<128x128xi32> to vector<128x128xf32>
    %get3A_334 = arith.constant 0 : index
    %get3A_335 = memref.load %arg7[%get3A_334] : memref<16xf32, #tpu.memory_space<smem>>
    %reduce_sum3A = vector.shape_cast %convert_element_type3A_329 : vector<128x128xf32> to vector<1x128x128xf32>
    %reduce_sum3A_336 = arith.constant dense<0.000000e+00> : vector<1xf32>
    %reduce_sum3A_337 = vector.multi_reduction <add>, %reduce_sum3A, %reduce_sum3A_336 [1, 2] : vector<1x128x128xf32> to vector<1xf32>
    %reduce_sum3A_338 = vector.shape_cast %reduce_sum3A_337 : vector<1xf32> to vector<1x1x1xf32>
    %reduce_sum3A_339 = vector.extract %reduce_sum3A_338[0, 0, 0] : f32 from vector<1x1x1xf32>
    %add3A_340 = arith.addf %get3A_335, %reduce_sum3A_339 : f32
    %swap3A = arith.constant 0 : index
    %swap3A_341 = memref.load %arg7[%swap3A] : memref<16xf32, #tpu.memory_space<smem>>
    memref.store %add3A_340, %arg7[%swap3A] : memref<16xf32, #tpu.memory_space<smem>>
    %get3A_342 = arith.constant 1 : index
    %get3A_343 = memref.load %arg7[%get3A_342] : memref<16xf32, #tpu.memory_space<smem>>
    %mul3A_344 = arith.mulf %convert_element_type3A_329, %squeeze3A_323 : vector<128x128xf32>
    %reduce_sum3A_345 = vector.shape_cast %mul3A_344 : vector<128x128xf32> to vector<1x128x128xf32>
    %reduce_sum3A_346 = arith.constant dense<0.000000e+00> : vector<1xf32>
    %reduce_sum3A_347 = vector.multi_reduction <add>, %reduce_sum3A_345, %reduce_sum3A_346 [1, 2] : vector<1x128x128xf32> to vector<1xf32>
    %reduce_sum3A_348 = vector.shape_cast %reduce_sum3A_347 : vector<1xf32> to vector<1x1x1xf32>
    %reduce_sum3A_349 = vector.extract %reduce_sum3A_348[0, 0, 0] : f32 from vector<1x1x1xf32>
    %add3A_350 = arith.addf %get3A_343, %reduce_sum3A_349 : f32
    %swap3A_351 = arith.constant 1 : index
    %swap3A_352 = memref.load %arg7[%swap3A_351] : memref<16xf32, #tpu.memory_space<smem>>
    memref.store %add3A_350, %arg7[%swap3A_351] : memref<16xf32, #tpu.memory_space<smem>>
    %get3A_353 = arith.constant 2 : index
    %get3A_354 = memref.load %arg7[%get3A_353] : memref<16xf32, #tpu.memory_space<smem>>
    %mul3A_355 = arith.mulf %convert_element_type3A_329, %squeeze3A_325 : vector<128x128xf32>
    %reduce_sum3A_356 = vector.shape_cast %mul3A_355 : vector<128x128xf32> to vector<1x128x128xf32>
    %reduce_sum3A_357 = arith.constant dense<0.000000e+00> : vector<1xf32>
    %reduce_sum3A_358 = vector.multi_reduction <add>, %reduce_sum3A_356, %reduce_sum3A_357 [1, 2] : vector<1x128x128xf32> to vector<1xf32>
    %reduce_sum3A_359 = vector.shape_cast %reduce_sum3A_358 : vector<1xf32> to vector<1x1x1xf32>
    %reduce_sum3A_360 = vector.extract %reduce_sum3A_359[0, 0, 0] : f32 from vector<1x1x1xf32>
    %add3A_361 = arith.addf %get3A_354, %reduce_sum3A_360 : f32
    %swap3A_362 = arith.constant 2 : index
    %swap3A_363 = memref.load %arg7[%swap3A_362] : memref<16xf32, #tpu.memory_space<smem>>
    memref.store %add3A_361, %arg7[%swap3A_362] : memref<16xf32, #tpu.memory_space<smem>>
    %get3A_364 = arith.constant 3 : index
    %get3A_365 = memref.load %arg7[%get3A_364] : memref<16xf32, #tpu.memory_space<smem>>
    %mul3A_366 = arith.mulf %convert_element_type3A_329, %squeeze3A_323 : vector<128x128xf32>
    %mul3A_367 = arith.mulf %mul3A_366, %squeeze3A_323 : vector<128x128xf32>
    %reduce_sum3A_368 = vector.shape_cast %mul3A_367 : vector<128x128xf32> to vector<1x128x128xf32>
    %reduce_sum3A_369 = arith.constant dense<0.000000e+00> : vector<1xf32>
    %reduce_sum3A_370 = vector.multi_reduction <add>, %reduce_sum3A_368, %reduce_sum3A_369 [1, 2] : vector<1x128x128xf32> to vector<1xf32>
    %reduce_sum3A_371 = vector.shape_cast %reduce_sum3A_370 : vector<1xf32> to vector<1x1x1xf32>
    %reduce_sum3A_372 = vector.extract %reduce_sum3A_371[0, 0, 0] : f32 from vector<1x1x1xf32>
    %add3A_373 = arith.addf %get3A_365, %reduce_sum3A_372 : f32
    %swap3A_374 = arith.constant 3 : index
    %swap3A_375 = memref.load %arg7[%swap3A_374] : memref<16xf32, #tpu.memory_space<smem>>
    memref.store %add3A_373, %arg7[%swap3A_374] : memref<16xf32, #tpu.memory_space<smem>>
    %get3A_376 = arith.constant 4 : index
    %get3A_377 = memref.load %arg7[%get3A_376] : memref<16xf32, #tpu.memory_space<smem>>
    %mul3A_378 = arith.mulf %convert_element_type3A_329, %squeeze3A_323 : vector<128x128xf32>
    %mul3A_379 = arith.mulf %mul3A_378, %squeeze3A_325 : vector<128x128xf32>
    %reduce_sum3A_380 = vector.shape_cast %mul3A_379 : vector<128x128xf32> to vector<1x128x128xf32>
    %reduce_sum3A_381 = arith.constant dense<0.000000e+00> : vector<1xf32>
    %reduce_sum3A_382 = vector.multi_reduction <add>, %reduce_sum3A_380, %reduce_sum3A_381 [1, 2] : vector<1x128x128xf32> to vector<1xf32>
    %reduce_sum3A_383 = vector.shape_cast %reduce_sum3A_382 : vector<1xf32> to vector<1x1x1xf32>
    %reduce_sum3A_384 = vector.extract %reduce_sum3A_383[0, 0, 0] : f32 from vector<1x1x1xf32>
    %add3A_385 = arith.addf %get3A_377, %reduce_sum3A_384 : f32
    %swap3A_386 = arith.constant 4 : index
    %swap3A_387 = memref.load %arg7[%swap3A_386] : memref<16xf32, #tpu.memory_space<smem>>
    memref.store %add3A_385, %arg7[%swap3A_386] : memref<16xf32, #tpu.memory_space<smem>>
    %get3A_388 = arith.constant 5 : index
    %get3A_389 = memref.load %arg7[%get3A_388] : memref<16xf32, #tpu.memory_space<smem>>
    %reduce_sum3A_390 = vector.shape_cast %convert_element_type3A_333 : vector<128x128xf32> to vector<1x128x128xf32>
    %reduce_sum3A_391 = arith.constant dense<0.000000e+00> : vector<1xf32>
    %reduce_sum3A_392 = vector.multi_reduction <add>, %reduce_sum3A_390, %reduce_sum3A_391 [1, 2] : vector<1x128x128xf32> to vector<1xf32>
    %reduce_sum3A_393 = vector.shape_cast %reduce_sum3A_392 : vector<1xf32> to vector<1x1x1xf32>
    %reduce_sum3A_394 = vector.extract %reduce_sum3A_393[0, 0, 0] : f32 from vector<1x1x1xf32>
    %add3A_395 = arith.addf %get3A_389, %reduce_sum3A_394 : f32
    %swap3A_396 = arith.constant 5 : index
    %swap3A_397 = memref.load %arg7[%swap3A_396] : memref<16xf32, #tpu.memory_space<smem>>
    memref.store %add3A_395, %arg7[%swap3A_396] : memref<16xf32, #tpu.memory_space<smem>>
    %get3A_398 = arith.constant 6 : index
    %get3A_399 = memref.load %arg7[%get3A_398] : memref<16xf32, #tpu.memory_space<smem>>
    %mul3A_400 = arith.mulf %convert_element_type3A_333, %squeeze3A_323 : vector<128x128xf32>
    %reduce_sum3A_401 = vector.shape_cast %mul3A_400 : vector<128x128xf32> to vector<1x128x128xf32>
    %reduce_sum3A_402 = arith.constant dense<0.000000e+00> : vector<1xf32>
    %reduce_sum3A_403 = vector.multi_reduction <add>, %reduce_sum3A_401, %reduce_sum3A_402 [1, 2] : vector<1x128x128xf32> to vector<1xf32>
    %reduce_sum3A_404 = vector.shape_cast %reduce_sum3A_403 : vector<1xf32> to vector<1x1x1xf32>
    %reduce_sum3A_405 = vector.extract %reduce_sum3A_404[0, 0, 0] : f32 from vector<1x1x1xf32>
    %add3A_406 = arith.addf %get3A_399, %reduce_sum3A_405 : f32
    %swap3A_407 = arith.constant 6 : index
    %swap3A_408 = memref.load %arg7[%swap3A_407] : memref<16xf32, #tpu.memory_space<smem>>
    memref.store %add3A_406, %arg7[%swap3A_407] : memref<16xf32, #tpu.memory_space<smem>>
    %get3A_409 = arith.constant 7 : index
    %get3A_410 = memref.load %arg7[%get3A_409] : memref<16xf32, #tpu.memory_space<smem>>
    %mul3A_411 = arith.mulf %convert_element_type3A_333, %squeeze3A_325 : vector<128x128xf32>
    %reduce_sum3A_412 = vector.shape_cast %mul3A_411 : vector<128x128xf32> to vector<1x128x128xf32>
    %reduce_sum3A_413 = arith.constant dense<0.000000e+00> : vector<1xf32>
    %reduce_sum3A_414 = vector.multi_reduction <add>, %reduce_sum3A_412, %reduce_sum3A_413 [1, 2] : vector<1x128x128xf32> to vector<1xf32>
    %reduce_sum3A_415 = vector.shape_cast %reduce_sum3A_414 : vector<1xf32> to vector<1x1x1xf32>
    %reduce_sum3A_416 = vector.extract %reduce_sum3A_415[0, 0, 0] : f32 from vector<1x1x1xf32>
    %add3A_417 = arith.addf %get3A_410, %reduce_sum3A_416 : f32
    %swap3A_418 = arith.constant 7 : index
    %swap3A_419 = memref.load %arg7[%swap3A_418] : memref<16xf32, #tpu.memory_space<smem>>
    memref.store %add3A_417, %arg7[%swap3A_418] : memref<16xf32, #tpu.memory_space<smem>>
    %get3A_420 = arith.constant 8 : index
    %get3A_421 = memref.load %arg7[%get3A_420] : memref<16xf32, #tpu.memory_space<smem>>
    %mul3A_422 = arith.mulf %convert_element_type3A_333, %squeeze3A_323 : vector<128x128xf32>
    %mul3A_423 = arith.mulf %mul3A_422, %squeeze3A_323 : vector<128x128xf32>
    %reduce_sum3A_424 = vector.shape_cast %mul3A_423 : vector<128x128xf32> to vector<1x128x128xf32>
    %reduce_sum3A_425 = arith.constant dense<0.000000e+00> : vector<1xf32>
    %reduce_sum3A_426 = vector.multi_reduction <add>, %reduce_sum3A_424, %reduce_sum3A_425 [1, 2] : vector<1x128x128xf32> to vector<1xf32>
    %reduce_sum3A_427 = vector.shape_cast %reduce_sum3A_426 : vector<1xf32> to vector<1x1x1xf32>
    %reduce_sum3A_428 = vector.extract %reduce_sum3A_427[0, 0, 0] : f32 from vector<1x1x1xf32>
    %add3A_429 = arith.addf %get3A_421, %reduce_sum3A_428 : f32
    %swap3A_430 = arith.constant 8 : index
    %swap3A_431 = memref.load %arg7[%swap3A_430] : memref<16xf32, #tpu.memory_space<smem>>
    memref.store %add3A_429, %arg7[%swap3A_430] : memref<16xf32, #tpu.memory_space<smem>>
    %get3A_432 = arith.constant 9 : index
    %get3A_433 = memref.load %arg7[%get3A_432] : memref<16xf32, #tpu.memory_space<smem>>
    %mul3A_434 = arith.mulf %convert_element_type3A_333, %squeeze3A_323 : vector<128x128xf32>
    %mul3A_435 = arith.mulf %mul3A_434, %squeeze3A_325 : vector<128x128xf32>
    %reduce_sum3A_436 = vector.shape_cast %mul3A_435 : vector<128x128xf32> to vector<1x128x128xf32>
    %reduce_sum3A_437 = arith.constant dense<0.000000e+00> : vector<1xf32>
    %reduce_sum3A_438 = vector.multi_reduction <add>, %reduce_sum3A_436, %reduce_sum3A_437 [1, 2] : vector<1x128x128xf32> to vector<1xf32>
    %reduce_sum3A_439 = vector.shape_cast %reduce_sum3A_438 : vector<1xf32> to vector<1x1x1xf32>
    %reduce_sum3A_440 = vector.extract %reduce_sum3A_439[0, 0, 0] : f32 from vector<1x1x1xf32>
    %add3A_441 = arith.addf %get3A_433, %reduce_sum3A_440 : f32
    %swap3A_442 = arith.constant 9 : index
    %swap3A_443 = memref.load %arg7[%swap3A_442] : memref<16xf32, #tpu.memory_space<smem>>
    memref.store %add3A_441, %arg7[%swap3A_442] : memref<16xf32, #tpu.memory_space<smem>>
    %eq3A_444 = arith.constant 8 : i32
    %eq3A_445 = arith.cmpi eq, %arg0, %eq3A_444 : i32
    %convert_element_type3A_446 = arith.extui %eq3A_445 : i1 to i32
    %cond3A_447 = arith.constant 0 : i32
    %cond3A_448 = arith.cmpi ne, %convert_element_type3A_446, %cond3A_447 : i32
    scf.if %cond3A_448 {
      %get3A_449 = arith.constant 0 : index
      %get3A_450 = memref.load %arg7[%get3A_449] : memref<16xf32, #tpu.memory_space<smem>>
      %get3A_451 = arith.constant 1 : index
      %get3A_452 = memref.load %arg7[%get3A_451] : memref<16xf32, #tpu.memory_space<smem>>
      %get3A_453 = arith.constant 2 : index
      %get3A_454 = memref.load %arg7[%get3A_453] : memref<16xf32, #tpu.memory_space<smem>>
      %get3A_455 = arith.constant 3 : index
      %get3A_456 = memref.load %arg7[%get3A_455] : memref<16xf32, #tpu.memory_space<smem>>
      %get3A_457 = arith.constant 4 : index
      %get3A_458 = memref.load %arg7[%get3A_457] : memref<16xf32, #tpu.memory_space<smem>>
      %get3A_459 = arith.constant 5 : index
      %get3A_460 = memref.load %arg7[%get3A_459] : memref<16xf32, #tpu.memory_space<smem>>
      %get3A_461 = arith.constant 6 : index
      %get3A_462 = memref.load %arg7[%get3A_461] : memref<16xf32, #tpu.memory_space<smem>>
      %get3A_463 = arith.constant 7 : index
      %get3A_464 = memref.load %arg7[%get3A_463] : memref<16xf32, #tpu.memory_space<smem>>
      %get3A_465 = arith.constant 8 : index
      %get3A_466 = memref.load %arg7[%get3A_465] : memref<16xf32, #tpu.memory_space<smem>>
      %get3A_467 = arith.constant 9 : index
      %get3A_468 = memref.load %arg7[%get3A_467] : memref<16xf32, #tpu.memory_space<smem>>
      %mul3A_469 = arith.mulf %get3A_452, %get3A_454 : f32
      %div3A = arith.divf %mul3A_469, %get3A_450 : f32
      %sub3A_470 = arith.subf %get3A_458, %div3A : f32
      %mul3A_471 = arith.mulf %get3A_452, %get3A_452 : f32
      %div3A_472 = arith.divf %mul3A_471, %get3A_450 : f32
      %sub3A_473 = arith.subf %get3A_456, %div3A_472 : f32
      %div3A_474 = arith.divf %sub3A_470, %sub3A_473 : f32
      %mul3A_475 = arith.mulf %get3A_462, %get3A_464 : f32
      %div3A_476 = arith.divf %mul3A_475, %get3A_460 : f32
      %sub3A_477 = arith.subf %get3A_468, %div3A_476 : f32
      %mul3A_478 = arith.mulf %get3A_462, %get3A_462 : f32
      %div3A_479 = arith.divf %mul3A_478, %get3A_460 : f32
      %sub3A_480 = arith.subf %get3A_466, %div3A_479 : f32
      %div3A_481 = arith.divf %sub3A_477, %sub3A_480 : f32
      %sub3A_482 = arith.subf %div3A_481, %div3A_474 : f32
      %mul3A_483 = arith.mulf %div3A_481, %div3A_474 : f32
      %add3A_484 = arith.constant 1.000000e+00 : f32
      %add3A_485 = arith.addf %add3A_484, %mul3A_483 : f32
      %add3A_486 = arith.constant 9.99999974E-6 : f32
      %add3A_487 = arith.addf %add3A_485, %add3A_486 : f32
      %div3A_488 = arith.divf %sub3A_482, %add3A_487 : f32
      %abs3A = math.absf %div3A_488 : f32
      %broadcast_in_dim3A = vector.broadcast %abs3A : f32 to vector<8x128xf32>
      %gt3A_489 = arith.constant 2.41421366 : f32
      %gt3A_490 = vector.broadcast %gt3A_489 : f32 to vector<8x128xf32>
      %gt3A_491 = arith.cmpf ogt, %broadcast_in_dim3A, %gt3A_490 : vector<8x128xf32>
      %gt3A_492 = arith.constant 0.414213568 : f32
      %gt3A_493 = vector.broadcast %gt3A_492 : f32 to vector<8x128xf32>
      %gt3A_494 = arith.cmpf ogt, %broadcast_in_dim3A, %gt3A_493 : vector<8x128xf32>
      %jit3A = arith.constant 0.785398185 : f32
      %jit3A_495 = arith.constant 0.000000e+00 : f32
      %broadcast_in_dim3A_496 = vector.broadcast %jit3A : f32 to vector<8x128xf32>
      %broadcast_in_dim3A_497 = vector.broadcast %jit3A_495 : f32 to vector<8x128xf32>
      %select_n3A = arith.select %gt3A_494, %broadcast_in_dim3A_496, %broadcast_in_dim3A_497 : vector<8x128xi1>, vector<8x128xf32>
      %jit3A_498 = arith.constant 1.57079637 : f32
      %broadcast_in_dim3A_499 = vector.broadcast %jit3A_498 : f32 to vector<8x128xf32>
      %select_n3A_500 = arith.select %gt3A_491, %broadcast_in_dim3A_499, %select_n3A : vector<8x128xi1>, vector<8x128xf32>
      %div3A_501 = arith.constant -1.000000e+00 : f32
      %div3A_502 = vector.broadcast %div3A_501 : f32 to vector<8x128xf32>
      %div3A_503 = arith.divf %div3A_502, %broadcast_in_dim3A : vector<8x128xf32>
      %sub3A_504 = arith.constant 1.000000e+00 : f32
      %sub3A_505 = vector.broadcast %sub3A_504 : f32 to vector<8x128xf32>
      %sub3A_506 = arith.subf %broadcast_in_dim3A, %sub3A_505 : vector<8x128xf32>
      %add3A_507 = arith.constant 1.000000e+00 : f32
      %add3A_508 = vector.broadcast %add3A_507 : f32 to vector<8x128xf32>
      %add3A_509 = arith.addf %broadcast_in_dim3A, %add3A_508 : vector<8x128xf32>
      %div3A_510 = arith.divf %sub3A_506, %add3A_509 : vector<8x128xf32>
      %select_n3A_511 = arith.select %gt3A_494, %div3A_510, %broadcast_in_dim3A : vector<8x128xi1>, vector<8x128xf32>
      %select_n3A_512 = arith.select %gt3A_491, %div3A_503, %select_n3A_511 : vector<8x128xi1>, vector<8x128xf32>
      %mul3A_513 = arith.mulf %select_n3A_512, %select_n3A_512 : vector<8x128xf32>
      %mul3A_514 = arith.constant 0.0805374458 : f32
      %mul3A_515 = vector.broadcast %mul3A_514 : f32 to vector<8x128xf32>
      %mul3A_516 = arith.mulf %mul3A_515, %mul3A_513 : vector<8x128xf32>
      %sub3A_517 = arith.constant 0.138776854 : f32
      %sub3A_518 = vector.broadcast %sub3A_517 : f32 to vector<8x128xf32>
      %sub3A_519 = arith.subf %mul3A_516, %sub3A_518 : vector<8x128xf32>
      %mul3A_520 = arith.mulf %sub3A_519, %mul3A_513 : vector<8x128xf32>
      %add3A_521 = arith.constant 0.199777111 : f32
      %add3A_522 = vector.broadcast %add3A_521 : f32 to vector<8x128xf32>
      %add3A_523 = arith.addf %mul3A_520, %add3A_522 : vector<8x128xf32>
      %mul3A_524 = arith.mulf %add3A_523, %mul3A_513 : vector<8x128xf32>
      %sub3A_525 = arith.constant 0.333329499 : f32
      %sub3A_526 = vector.broadcast %sub3A_525 : f32 to vector<8x128xf32>
      %sub3A_527 = arith.subf %mul3A_524, %sub3A_526 : vector<8x128xf32>
      %mul3A_528 = arith.mulf %sub3A_527, %mul3A_513 : vector<8x128xf32>
      %mul3A_529 = arith.mulf %mul3A_528, %select_n3A_512 : vector<8x128xf32>
      %add3A_530 = arith.addf %mul3A_529, %select_n3A_512 : vector<8x128xf32>
      %add3A_531 = arith.addf %select_n3A_500, %add3A_530 : vector<8x128xf32>
      %mul3A_532 = arith.constant 57.2957802 : f32
      %mul3A_533 = vector.broadcast %mul3A_532 : f32 to vector<8x128xf32>
      %mul3A_534 = arith.mulf %add3A_531, %mul3A_533 : vector<8x128xf32>
      %get3A_535 = arith.constant 2 : index
      %get3A_536 = memref.load %arg8[%get3A_535] : memref<8xi32, #tpu.memory_space<smem>>
      %gt3A_537 = arith.constant 0 : i32
      %gt3A_538 = arith.cmpi sgt, %get3A_536, %gt3A_537 : i32
      %gt3A_539 = arith.constant 0.000000e+00 : f32
      %gt3A_540 = arith.cmpf ogt, %get3A_450, %gt3A_539 : f32
      %and3A_541 = arith.andi %gt3A_538, %gt3A_540 : i1
      %broadcast_in_dim3A_542 = arith.constant 0.000000e+00 : f32
      %broadcast_in_dim3A_543 = vector.broadcast %broadcast_in_dim3A_542 : f32 to vector<8x128xf32>
      %select_n3A_544 = arith.select %and3A_541, %mul3A_534, %broadcast_in_dim3A_543 : vector<8x128xf32>
      %swap3A_545 = arith.constant 0 : index
      %swap3A_546 = arith.constant 0 : index
      %swap3A_547 = vector.load %arg6[%swap3A_545, %swap3A_546] : memref<8x128xf32, #tpu.memory_space<vmem>>, vector<8x128xf32>
      tpu.vector_store %arg6[%swap3A_545, %swap3A_546], %select_n3A_544 {strides = array<i32>} : memref<8x128xf32, #tpu.memory_space<vmem>>, vector<8x128xf32>,
    } else {
    }
    return
  }
  func.func @transform_0(%arg0: i32) -> i32 {
    %c0_i32 = arith.constant 0 : i32
    %c0_i32_0 = arith.constant 0 : i32
    return %c0_i32 : i32
  }
  func.func @transform_1(%arg0: i32) -> (i32, i32, i32) {
    %c0_i32 = arith.constant 0 : i32
    %c0_i32_0 = arith.constant 0 : i32
    %c0_i32_1 = arith.constant 0 : i32
    return %c0_i32, %arg0, %c0_i32_0 : i32, i32, i32
  }
  func.func @transform_2(%arg0: i32) -> (i32, i32) {
    %c0_i32 = arith.constant 0 : i32
    %c0_i32_0 = arith.constant 0 : i32
    %c0_i32_1 = arith.constant 0 : i32
    return %c0_i32, %c0_i32_0 : i32, i32
  }
  func.func @transform_3(%arg0: i32) -> (i32, i32) {
    %c0_i32 = arith.constant 0 : i32
    %c0_i32_0 = arith.constant 0 : i32
    %c0_i32_1 = arith.constant 0 : i32
    return %c0_i32, %c0_i32_0 : i32, i32
  }
  func.func @transform_4(%arg0: i32) -> (i32, i32) {
    %c0_i32 = arith.constant 0 : i32
    %c0_i32_0 = arith.constant 0 : i32
    %c0_i32_1 = arith.constant 0 : i32
    return %c0_i32, %c0_i32_0 : i32, i32
  }
  func.func @transform_5(%arg0: i32) -> (i32, i32) {
    %c0_i32 = arith.constant 0 : i32
    %c0_i32_0 = arith.constant 0 : i32
    %c0_i32_1 = arith.constant 0 : i32
    return %c0_i32, %c0_i32_0 : i32, i32
  }
}

</mosaic_0001>

<sc_bundles>
// kernel: kernel.6.cloned.1.call-start
scs
__scs_entry_jumppad:
0x0: {  	(pc) =	sbr.rel $0x88, $3  }
0x1: {  	(tag) =	ssettag $0x0;
	lr =	simm.s32 $0x1  }
0x2: {  	[smem:$0x3FA0] =	sst lr;
	_ =	strace $0xD0000000  }
0x3: {  	_ = 	snop  }
0x4: {  	_ = 	snop  }
0x5: {  	_ = 	snop  }
0x6: {  	_ = 	snop  }
0x7: {  	_ = 	snop  }
__scs_overlays_trampoline_lowered:
0x8: {  	[smem:$0x3FAF] =	sst s0  }
0x9: {  	[smem:$0x3FB0] =	sst s1  }
0xa: {  	[smem:$0x3FB1] =	sst s2  }
0xb: {  	[smem:$0x3FB2] =	sst s3  }
0xc: {  	[smem:$0x3FB3] =	sst s4  }
0xd: {  	[smem:$0x3FB4] =	sst s5  }
0xe: {  	[smem:$0x3FB5] =	sst s6  }
0xf: {  	[smem:$0x3FB6] =	sst s7  }
0x10: {  	[smem:$0x3FB7] =	sst s8  }
0x11: {  	[smem:$0x3FB8] =	sst s9;
	s0 =	simm.s32 @!p0 $0x0  }
0x12: {  	s1 =	sld [smem:$0x3F9E];
	s0 =	simm.s32 @p0 $0x1  }
0x13: {  	[smem:$0x3FB9] =	sst s0;
	s0 =	simm.s32 @!p1 $0x0  }
0x14: {  	s2 =	sld [smem:$0x3F9D];
	s0 =	simm.s32 @p1 $0x1  }
0x15: {  	[smem:$0x3FBA] =	sst s0;
	s0 =	simm.s32 @!p2 $0x0  }
0x16: {  	s3 =	sld [smem:$0x3FDB];
	s0 =	simm.s32 @p2 $0x1  }
0x17: {  	s4 =	simm.s32 $0x1BF5;
	[smem:$0x3FBC] =	sst s0  }
0x18: {  	s0 =	sld [smem:$0x3F9F];
	_ =	swait.ge [sflag:s4], $0x0  }
0x19: {  	s7 =	sld [smem:$0x3FA0]  }
0x1a: {  	s8 =	sadd.s32 $0xFFFFE003, lr  }
0x1b: {  	s9 =	sadd.s32 $0xFFFFFEF7, lr;
	s5 =	simm.s32 $0xFFFFFFFF;
	p2 =	slt.u32 s8, $0xFFFFF086  }
0x1c: {  	p1 =	slt.u32 s9, $0xF7A;
	s5 =	simm.s32 @!p2 $0x0  }
0x1d: {  	s5 =	simm.s32 @p1 $0x1;
	p0 =	seq.s32 s7, s2  }
0x1e: {  	s7 =	smul.u32 @!p0 $0xF7A, s2;
	p2 =	seq.s32 @!p0 s5, $0x0  }
0x1f: {  	s9 =	smul.u32 $0xF7A, s1;
	s8 =	simm.s32 @!p0 $0x1BF5;
	p2 =	por !p2, p0  }
0x20: {  	[sflag:s8] =	ssyncset.s32 @!p0 $0xFFFFF086;
	s6 =	sadd.s32 @!p0 s3, s7;
	s7 =	simm.s32 @!p0 $0x108  }
0x21: {  	s3 =	sadd.s32 s3, s9;
	s6 =	sadd.s32 @!p0 $0x88, s6;
	s7 =	simm.s32 @p2 $0x1082  }
0x22: {  	[simem:s7], [sflag:s8] =	dma.local @!p0 [hbm:s6], $0xF7A  }
0x23: {  	s9 =	sor.u32 $0xD0000000, s2;
	s6 =	simm.s32 $0x108;
	_ =	swait.ge @!p0 [sflag:s8], $0x0  }
0x24: {  	s3 =	sadd.s32 $0x88, s3;
	s6 =	simm.s32 @!p1 $0x1082;
	[sflag:s4] =	ssyncset.s32 $0xFFFFF086  }
0x25: {  	[simem:s6], [sflag:s4] =	dma.local [hbm:s3], $0xF7A  }
0x26: {  	[smem:$0x3FA0] =	sst s1;
	(tag) =	ssettag s2;
	_ =	strace s9  }
0x27: {  	s1 =	sld [smem:$0x3FB0]  }
0x28: {  	s2 =	sld [smem:$0x3FB1]  }
0x29: {  	s4 =	sld [smem:$0x3FB3]  }
0x2a: {  	p0 =	seq.s32 s5, $0x0;
	s5 =	sld [smem:$0x3FB4]  }
0x2b: {  	s6 =	sld [smem:$0x3FB5]  }
0x2c: {  	s7 =	sld [smem:$0x3FB6]  }
0x2d: {  	s3 =	simm.s32 $0x108;
	s8 =	sld [smem:$0x3FB7]  }
0x2e: {  	s3 =	simm.s32 @!p0 $0x1082;
	s9 =	sld [smem:$0x3FB8]  }
0x2f: {  	lr =	sadd.s32 s0, s3;
	s0 =	sld [smem:$0x3FAF]  }
0x30: {  	s3 =	sld [smem:$0x3FB2]  }
0x31: {  	[smem:$0x3FBB] =	sst s10  }
0x32: {  	s10 =	sld [smem:$0x3FB9];
	_ =	sdelay $0x3  }
0x33: {  	p0 =	seq.s32 s10, $0x1;
	s10 =	sld [smem:$0x3FBB];
	_ =	sdelay $0x3  }
0x34: {  	[smem:$0x3FBB] =	sst s10  }
0x35: {  	s10 =	sld [smem:$0x3FBA];
	_ =	sdelay $0x3  }
0x36: {  	p1 =	seq.s32 s10, $0x1;
	s10 =	sld [smem:$0x3FBB];
	_ =	sdelay $0x3  }
0x37: {  	[smem:$0x3FBB] =	sst s10  }
0x38: {  	s10 =	sld [smem:$0x3FBC]  }
0x39: {  	_ = 	snop;
	(pc) =	sbr.ind lr, $3  }
0x3a: {  	_ = 	snop  }
0x3b: {  	_ = 	snop  }
0x3c: {  	p2 =	seq.s32 s10, $0x1;
	s10 =	sld [smem:$0x3FBB]  }
0x3d: {  	_ =	shalt  }
0x3e: {  	_ =	shalt  }
0x3f: {  	_ =	shalt  }
0x40: {  	_ =	shalt  }
0x41: {  	_ =	shalt  }
0x42: {  	_ =	shalt  }
0x43: {  	_ =	shalt  }
0x44: {  	_ =	shalt  }
0x45: {  	_ =	shalt  }
0x46: {  	_ =	shalt  }
0x47: {  	_ =	shalt  }
0x48: {  	_ =	shalt  }
0x49: {  	_ =	shalt  }
0x4a: {  	_ =	shalt  }
0x4b: {  	_ =	shalt  }
0x4c: {  	_ =	shalt  }
0x4d: {  	_ =	shalt  }
0x4e: {  	_ =	shalt  }
0x4f: {  	_ =	shalt  }
0x50: {  	_ =	shalt  }
0x51: {  	_ =	shalt  }
0x52: {  	_ =	shalt  }
0x53: {  	_ =	shalt  }
0x54: {  	_ =	shalt  }
0x55: {  	_ =	shalt  }
0x56: {  	_ =	shalt  }
0x57: {  	_ =	shalt  }
0x58: {  	_ =	shalt  }
0x59: {  	_ =	shalt  }
0x5a: {  	_ =	shalt  }
0x5b: {  	_ =	shalt  }
0x5c: {  	_ =	shalt  }
0x5d: {  	_ =	shalt  }
0x5e: {  	_ =	shalt  }
0x5f: {  	_ =	shalt  }
0x60: {  	_ =	shalt  }
0x61: {  	_ =	shalt  }
0x62: {  	_ =	shalt  }
0x63: {  	_ =	shalt  }
0x64: {  	_ =	shalt  }
0x65: {  	_ =	shalt  }
0x66: {  	_ =	shalt  }
0x67: {  	_ =	shalt  }
0x68: {  	_ =	shalt  }
0x69: {  	_ =	shalt  }
0x6a: {  	_ =	shalt  }
0x6b: {  	_ =	shalt  }
0x6c: {  	_ =	shalt  }
0x6d: {  	_ =	shalt  }
0x6e: {  	_ =	shalt  }
0x6f: {  	_ =	shalt  }
0x70: {  	_ =	shalt  }
0x71: {  	_ =	shalt  }
0x72: {  	_ =	shalt  }
0x73: {  	_ =	shalt  }
0x74: {  	_ =	shalt  }
0x75: {  	_ =	shalt  }
0x76: {  	_ =	shalt  }
0x77: {  	_ =	shalt  }
0x78: {  	_ =	shalt  }
0x79: {  	_ =	shalt  }
0x7a: {  	_ =	shalt  }
0x7b: {  	_ =	shalt  }
0x7c: {  	_ =	shalt  }
0x7d: {  	_ =	shalt  }
0x7e: {  	_ =	shalt  }
0x7f: {  	_ =	shalt  }
0x80: {  	_ =	shalt  }
0x81: {  	_ =	shalt  }
0x82: {  	_ =	shalt  }
0x83: {  	_ =	shalt  }
0x84: {  	_ =	shalt  }
0x85: {  	_ =	shalt  }
0x86: {  	_ =	shalt  }
0x87: {  	_ =	shalt  }
.Lfunc_end0:
.L_simem_size_0:
called_computation_lowered:
.L_overlay_start_0:
0x88: {  	s2 =	sld [smem:$0x3FD9]  }
0x89: {  	s3 =	sld [smem:$0x3FFE];
	_ =	sdelay $0x1  }
0x8a: {  	s1 =	srdreg.scid  }
0x8b: {  	s0 =	sand.u32 $0x1, s1  }
0x8c: {  	s16 =	sshll.u32 s0, $0xA;
	s2 =	sadd.s32 s3, s2  }
0x8d: {  	s2 =	sadd.s32 s2, s16  }
0x8e: {  	[smem:$0x3FC7] =	sst s2  }
0x8f: {  	_ = 	snop  }
0x90: {  	(tm) =	ssettm $0x1  }
0x91: {  	s17 =	sld [smem:$0x3FFB];
	_ =	sdelay $0x3  }
0x92: {  	_ =	strace s17  }
0x93: {  	s2 =	sld [smem:$0x3FFC];
	_ =	sdelay $0x3  }
0x94: {  	_ =	strace s2  }
0x95: {  	s2 =	sld [smem:$0x3FFD];
	_ =	sdelay $0x3  }
0x96: {  	_ =	strace s2  }
0x97: {  	_ =	strace $0x8FFFFFFF  }
0x98: {  	s18 =	sld [smem:$0x3FDB];
	_ =	sdelay $0x1  }
0x99: {  	s19 =	simm.s32 $_scs_section_size  }
0x9a: {  	s4 =	simm.s32 $_size__tile_overlayer_lowered;
	s5 =	simm.s32 $_tile_overlayer_lowered  }
0x9b: {  	s22 =	simm.s32 $0x1BFF;
	s21 =	sshll.u32 s5, $0x1;
	s2 =	sadd.s32 s19, s18  }
0x9c: {  	s6 =	simm.s32 $0x0;
	s20 =	sshll.u32 s4, $0x1;
	s4 =	sadd.s32 s21, s2  }
0x9d: {  	[timem:s6], [sflag:s22] =	dma.local [hbm:s4], s20  }
0x9e: {  	_ =	swait.ge [sflag:s22], s20  }
0x9f: {  	s3 =	ssub.s32 $0x0, s20;
	[sflag:s22] =	ssyncset.done $0x0  }
0xa0: {  	[sflag:s22] =	ssyncadd.s32 s3;
	_ =	sdelay $0x1  }
0xa1: {  	s23 =	simm.s32 $0x1B8B  }
0xa2: {  	_ =	swait.ge [sflag:s23], $0x1  }
0xa3: {  	[sflag:s23] =	ssyncset.done $0x0  }
0xa4: {  	s25 =	simm.s32 $0x1B8E;
	s24 =	sld [smem:$0x3FFE];
	[sflag:s23] =	ssyncadd.s32 $0xFFFFFFFF  }
0xa5: {  	s26 =	simm.s32 $execute0_lowered;
	[smem:$0x3FD2] =	sst s25  }
0xa6: {  	s4 =	sshll.u32 s26, $0x1;
	_ =	strace $0x80000046;
	[dreg:$0x1] =	wrdreg $0xFFFFFFFF  }
0xa7: {  	s28 =	simm.s32 $_size_execute0_lowered;
	s2 =	sadd.s32 s2, s4;
	[dreg:$0x0] =	wrdreg $0x0  }
0xa8: {  	s4 =	sshll.u32 s28, $0x1;
	[dreg:$0x2] =	wrdreg s2  }
0xa9: {  	[dreg:$0x3] =	wrdreg s4  }
0xaa: {  	[dreg:$0x4] =	wrdreg $0xC0  }
0xab: {  	_ =	task [dreg:s6], $0x5FFFF  }
0xac: {  	[dreg:$0x1] =	wrdreg $0xFFFFFFFF  }
0xad: {  	[dreg:$0x0] =	wrdreg $0x60  }
0xae: {  	[dreg:$0x2] =	wrdreg s24  }
0xaf: {  	[dreg:$0x3] =	wrdreg $0x127000  }
0xb0: {  	[dreg:$0x4] =	wrdreg $0x9  }
0xb1: {  	_ =	task.clear_ibuf [dreg:s6], $0x5FFFF;
	_ =	strace $0x90000046  }
0xb2: {  	s29 =	simm.s32 $0x9;
	_ =	strace $0x80000048  }
0xb3: {  	_ =	swait.ge [sflag:s29], $0x1  }
0xb4: {  	[sflag:s29] =	ssyncadd.s32 $0xFFFFFFFF  }
0xb5: {  	_ =	strace $0x90000048  }
0xb6: {  	_ =	sfence  }
0xb7: {  	s30 =	sld [smem:$0x0];
	_ =	sdelay $0x2  }
0xb8: {  	s31 =	sshll.u32 s1, $0xD;
	s1 =	sshrl.u32 s1, $0x2  }
0xb9: {  	s3 =	sand.u32 $0x4000, s31;
	s1 =	sadd.s32 s1, s30  }
0xba: {  	s0 =	sor.u32 s3, s0;
	s1 =	sshll.u32 s1, $0x11  }
0xbb: {  	s0 =	sor.u32 s1, s0  }
0xbc: {  	s0 =	sadd.s32 $0x8F2B, s0  }
0xbd: {  	[sflag:s0] =	ssyncadd.remote.s32 $0x1  }
0xbe: {  	_ =	sfence.sel $0xFFFF  }
0xbf: {  	[dreg:$0x0] =	wrdreg $0xFFFFFFFF;
	(pc) =	sbr.abs _section_cstart, $3  }
0xc0: {  	[dreg:$0x1] =	wrdreg $0xFFFFFFFF  }
0xc1: {  	_ =	task.clear_ibuf [dreg:s6], $0x2FFFF;
	_ =	strace $0x9FFFFFFF  }
0xc2: {  	(tm) =	ssettm $0x7FFFFFFF  }
0xc3: {  	_ =	shalt  }
tec
execute0_lowered:
.L_overlay_start_1:
0x0: {  	(tag) =	ssettag $0x1  }
0x1: {  	s3 =	rddreg [dreg:$0x0]  }
0x2: {  	s1 =	rddreg [dreg:$0x1]  }
0x3: {  	s0 =	rddreg [dreg:$0x2];
	s4 =	srdreg.scid  }
0x4: {  	s10 =	stileid.u32;
	s2 =	simm.s32 $0x0;
	s11 =	simm.s32 $0x80  }
0x5: {  	s12 =	simm.s32 $0x400;
	s13 =	simm.s32 $0x12F00;
	s14 =	simm.s32 $0x100  }
0x6: {  	s15 =	simm.s32 $0x0;
	s4 =	sand.u32 $0x1, s4;
	s5 =	sshll.u32 s10, $0x1  }
0x7: {  	[smem:$0x7FF] =	sst s2;
	s29 =	sshll.u32 s10, $0xB;
	s9 =	sshll.u32 s10, $0x7  }
0x8: {  	p0 =	sne.s32 s10, $0x0;
	s10 =	simm.s32 $0x11600;
	s5 =	sor.u32 s4, s5  }
0x9: {  	_ =	strace $0x80000047;
	s7 =	sshll.u32 s4, $0x4;
	s6 =	smul.u32 $0x21C0, s5  }
0xa: {  	s4 =	ssub.s32 $0x2, s4;
	s30 =	sand.u32 $0x4000, s29;
	s5 =	smul.u32 $0x21C, s5  }
.Ltmp0:
0xb: {  	s31 =	sand.u32 $0x380, s9;
	s9 =	simm.s32 $0x10E00;
	(pc) =	sbr.rel .LBB2_1-.Ltmp0, $4  }
0xc: {  	s7 =	sadd.s32 s7, s3;
	s8 =	sshrl.u32 s4, $0x1;
	s6 =	sadd.s32 s6, s3  }
0xd: {  	s5 =	sadd.s32 s5, s3;
	s3 =	sadd.s32 $0x1800, s6;
	s6 =	sadd.s32 s30, s1  }
0xe: {  	s8 =	ssub.s32 s4, s8;
	s4 =	sadd.s32 $0x45200, s5;
	s5 =	sadd.s32 s31, s6  }
0xf: {  	v0 =	vimm.s32 $0x0;
	v1 =	vimm.s32 $0x1;
	s6 =	sadd.s32 $0x45000, s7;
	s7 =	smax.u32 s8, $0x1;
	s8 =	simm.s32 $0x1  }
.LBB2_9:
0x10: {  	s15 =	sadd.s32 $0x1, s15  }
0x11: {  	p1 =	sne.s32 s15, s7  }
.Ltmp1:
0x12: {  	_ = 	snop;
	(pc) =	sbr.rel @!p1 .LBB2_10-.Ltmp1, $1  }
0x13: {  	_ =	sdelay $0x3  }
.LBB2_1:
0x14: {  	[tilespmem:s2], [sflag:$0x1] =	stream.linear.gather [hbm4b:s3+s2], $0x10E00, $0x38;
	[tilespmem:$0x1AF00] =	vst v63  }
0x15: {  	_ =	swait.ge [sflag:s8], $0x10E00  }
0x16: {  	[sflag:s8] =	ssyncset.done $0x0  }
0x17: {  	s16 =	simm.s32 $0x0;
	[sflag:s8] =	ssyncadd.s32 $0xFFFEF200  }
.LBB2_2:
0x18: {  	p1 =	sne.s32 s16, $0x1FC0  }
.Ltmp2:
0x19: {  	_ = 	snop;
	(pc) =	sbr.rel @p1 .LBB2_2-.Ltmp2, $3  }
0x1a: {  	_ =	sdelay $0x1  }
0x1b: {  	s17 =	sshra.s32 s16, $0x2  }
0x1c: {  	s16 =	sadd.s32 $0x40, s16;
	[tilespmem:s17+$0x10E00] =	vst v0  }
0x1d: {  	s16 =	simm.s32 $0x0;
	s17 =	simm.s32 $0x80  }
.LBB2_4:
0x1e: {  	v2 =	vld [tilespmem:s17+$0xFFFFFF80];
	_ =	sdelay $0x4  }
0x1f: {  	v3 =	vadd.s32 $0xC3000000, v2  }
0x20: {  	vm1 =	vgt.f32 v2, $5.000000070e-02;
	v2 =	vshrl.u32 v3, $0xF  }
0x21: {  	v2 =	vnsel vm1, $0x0, v2;
	_ =	sdelay $0x4  }
0x22: {  	[tilespmem:v2+s9+$0x0] =	vst.idx.add.s32.msk vm1, v1  }
0x23: {  	v2 =	vld [tilespmem:s17+$0xFFFFFF90];
	_ =	sdelay $0x4  }
0x24: {  	v4 =	vadd.s32 $0xC3000000, v2  }
0x25: {  	vm0 =	vgt.f32 v2, $5.000000070e-02;
	v2 =	vshrl.u32 v4, $0xF  }
0x26: {  	v2 =	vnsel vm0, $0x0, v2;
	_ =	sdelay $0x4  }
0x27: {  	[tilespmem:v2+s9+$0x0] =	vst.idx.add.s32.msk vm0, v1  }
0x28: {  	v2 =	vld [tilespmem:s17+$0xFFFFFFA0];
	_ =	sdelay $0x4  }
0x29: {  	v5 =	vadd.s32 $0xC3000000, v2  }
0x2a: {  	vm2 =	vgt.f32 v2, $5.000000070e-02;
	v2 =	vshrl.u32 v5, $0xF  }
0x2b: {  	v2 =	vnsel vm2, $0x0, v2;
	_ =	sdelay $0x4  }
0x2c: {  	[tilespmem:v2+s9+$0x0] =	vst.idx.add.s32.msk vm2, v1  }
0x2d: {  	v2 =	vld [tilespmem:s17+$0xFFFFFFB0];
	_ =	sdelay $0x4  }
0x2e: {  	v6 =	vadd.s32 $0xC3000000, v2  }
0x2f: {  	vm3 =	vgt.f32 v2, $5.000000070e-02;
	v2 =	vshrl.u32 v6, $0xF  }
0x30: {  	v2 =	vnsel vm3, $0x0, v2;
	_ =	sdelay $0x4  }
0x31: {  	[tilespmem:v2+s9+$0x0] =	vst.idx.add.s32.msk vm3, v1  }
0x32: {  	v2 =	vld [tilespmem:s17+$0xFFFFFFC0];
	_ =	sdelay $0x4  }
0x33: {  	v7 =	vadd.s32 $0xC3000000, v2  }
0x34: {  	vm4 =	vgt.f32 v2, $5.000000070e-02;
	v2 =	vshrl.u32 v7, $0xF  }
0x35: {  	v2 =	vnsel vm4, $0x0, v2;
	_ =	sdelay $0x4  }
0x36: {  	[tilespmem:v2+s9+$0x0] =	vst.idx.add.s32.msk vm4, v1  }
0x37: {  	v2 =	vld [tilespmem:s17+$0xFFFFFFD0];
	_ =	sdelay $0x4  }
0x38: {  	v8 =	vadd.s32 $0xC3000000, v2  }
0x39: {  	vm5 =	vgt.f32 v2, $5.000000070e-02;
	v2 =	vshrl.u32 v8, $0xF  }
0x3a: {  	v2 =	vnsel vm5, $0x0, v2;
	_ =	sdelay $0x4  }
0x3b: {  	[tilespmem:v2+s9+$0x0] =	vst.idx.add.s32.msk vm5, v1  }
0x3c: {  	v2 =	vld [tilespmem:s17+$0xFFFFFFE0];
	_ =	sdelay $0x4  }
0x3d: {  	v9 =	vadd.s32 $0xC3000000, v2  }
0x3e: {  	vm6 =	vgt.f32 v2, $5.000000070e-02;
	v2 =	vshrl.u32 v9, $0xF  }
0x3f: {  	v2 =	vnsel vm6, $0x0, v2;
	_ =	sdelay $0x4  }
0x40: {  	[tilespmem:v2+s9+$0x0] =	vst.idx.add.s32.msk vm6, v1  }
0x41: {  	v2 =	vld [tilespmem:s17+$0xFFFFFFF0];
	_ =	sdelay $0x4  }
0x42: {  	v10 =	vadd.s32 $0xC3000000, v2  }
0x43: {  	vm7 =	vgt.f32 v2, $5.000000070e-02;
	v2 =	vshrl.u32 v10, $0xF  }
0x44: {  	v2 =	vnsel vm7, $0x0, v2;
	_ =	sdelay $0x4  }
0x45: {  	[tilespmem:v2+s9+$0x0] =	vst.idx.add.s32.msk vm7, v1  }
0x46: {  	v2 =	vld [tilespmem:s17+$0x0];
	_ =	sdelay $0x4  }
0x47: {  	v11 =	vadd.s32 $0xC3000000, v2  }
0x48: {  	vm8 =	vgt.f32 v2, $5.000000070e-02;
	v2 =	vshrl.u32 v11, $0xF  }
0x49: {  	v2 =	vnsel vm8, $0x0, v2;
	_ =	sdelay $0x4  }
0x4a: {  	[tilespmem:v2+s9+$0x0] =	vst.idx.add.s32.msk vm8, v1  }
0x4b: {  	v2 =	vld [tilespmem:s17+$0x10];
	_ =	sdelay $0x4  }
0x4c: {  	v12 =	vadd.s32 $0xC3000000, v2  }
0x4d: {  	vm9 =	vgt.f32 v2, $5.000000070e-02;
	v2 =	vshrl.u32 v12, $0xF  }
0x4e: {  	v2 =	vnsel vm9, $0x0, v2;
	_ =	sdelay $0x4  }
0x4f: {  	[tilespmem:v2+s9+$0x0] =	vst.idx.add.s32.msk vm9, v1  }
0x50: {  	v2 =	vld [tilespmem:s17+$0x20];
	_ =	sdelay $0x4  }
0x51: {  	v13 =	vadd.s32 $0xC3000000, v2  }
0x52: {  	vm10 =	vgt.f32 v2, $5.000000070e-02;
	v2 =	vshrl.u32 v13, $0xF  }
0x53: {  	v2 =	vnsel vm10, $0x0, v2;
	_ =	sdelay $0x4  }
0x54: {  	[tilespmem:v2+s9+$0x0] =	vst.idx.add.s32.msk vm10, v1  }
0x55: {  	v2 =	vld [tilespmem:s17+$0x30];
	_ =	sdelay $0x4  }
0x56: {  	v14 =	vadd.s32 $0xC3000000, v2  }
0x57: {  	vm11 =	vgt.f32 v2, $5.000000070e-02;
	v2 =	vshrl.u32 v14, $0xF  }
0x58: {  	v2 =	vnsel vm11, $0x0, v2;
	_ =	sdelay $0x4  }
0x59: {  	[tilespmem:v2+s9+$0x0] =	vst.idx.add.s32.msk vm11, v1  }
0x5a: {  	v2 =	vld [tilespmem:s17+$0x40];
	_ =	sdelay $0x4  }
0x5b: {  	v15 =	vadd.s32 $0xC3000000, v2  }
0x5c: {  	vm12 =	vgt.f32 v2, $5.000000070e-02;
	v2 =	vshrl.u32 v15, $0xF  }
0x5d: {  	v2 =	vnsel vm12, $0x0, v2;
	_ =	sdelay $0x4  }
0x5e: {  	[tilespmem:v2+s9+$0x0] =	vst.idx.add.s32.msk vm12, v1  }
0x5f: {  	v2 =	vld [tilespmem:s17+$0x50];
	_ =	sdelay $0x2  }
0x60: {  	vm13 =	vgt.s32 v3, $0x80000001  }
0x61: {  	v3 =	vnsel vm13, $0x80000001, v3  }
0x62: {  	v3 =	vnsel vm1, $0x80000001, v3;
	v16 =	vadd.s32 $0xC3000000, v2  }
0x63: {  	vm13 =	vgt.s32 v3, v4;
	vm15 =	vgt.f32 v2, $5.000000070e-02;
	v2 =	vshrl.u32 v16, $0xF  }
0x64: {  	v4 =	vsel vm13, v3, v4;
	v2 =	vnsel vm15, $0x0, v2  }
0x65: {  	v3 =	vsel vm0, v4, v3;
	v49 =	vnsel vm2, $0x80000001, v5  }
0x66: {  	vm0 =	vgt.s32 v3, v49  }
0x67: {  	v3 =	vsel vm0, v3, v49;
	v50 =	vnsel vm3, $0x80000001, v6  }
0x68: {  	vm0 =	vgt.s32 v3, v50  }
0x69: {  	v3 =	vsel vm0, v3, v50;
	v51 =	vnsel vm4, $0x80000001, v7;
	[tilespmem:v2+s9+$0x0] =	vst.idx.add.s32.msk vm15, v1  }
0x6a: {  	vm0 =	vgt.s32 v3, v51;
	v2 =	vld [tilespmem:s17+$0x60]  }
0x6b: {  	v3 =	vsel vm0, v3, v51;
	v52 =	vnsel vm5, $0x80000001, v8  }
0x6c: {  	vm0 =	vgt.s32 v3, v52  }
0x6d: {  	v3 =	vsel vm0, v3, v52;
	v53 =	vnsel vm6, $0x80000001, v9  }
0x6e: {  	vm0 =	vgt.s32 v3, v53  }
0x6f: {  	v3 =	vsel vm0, v3, v53;
	v54 =	vadd.s32 $0xC3000000, v2  }
0x70: {  	v55 =	vnsel vm7, $0x80000001, v10;
	vm13 =	vgt.f32 v2, $5.000000070e-02;
	v2 =	vshrl.u32 v54, $0xF  }
0x71: {  	vm14 =	vgt.s32 v3, v55;
	v2 =	vnsel vm13, $0x0, v2  }
0x72: {  	v3 =	vsel vm14, v3, v55;
	v56 =	vnsel vm8, $0x80000001, v11  }
0x73: {  	vm2 =	vgt.s32 v3, v56  }
0x74: {  	v3 =	vsel vm2, v3, v56;
	v57 =	vnsel vm9, $0x80000001, v12  }
0x75: {  	vm2 =	vgt.s32 v3, v57  }
0x76: {  	v3 =	vsel vm2, v3, v57;
	v58 =	vnsel vm10, $0x80000001, v13;
	[tilespmem:v2+s9+$0x0] =	vst.idx.add.s32.msk vm13, v1  }
0x77: {  	vm2 =	vgt.s32 v3, v58;
	v2 =	vld [tilespmem:s17+$0x70]  }
0x78: {  	v3 =	vsel vm2, v3, v58;
	v59 =	vnsel vm11, $0x80000001, v14  }
0x79: {  	vm2 =	vgt.s32 v3, v59  }
0x7a: {  	v3 =	vsel vm2, v3, v59;
	v60 =	vnsel vm12, $0x80000001, v15  }
0x7b: {  	vm2 =	vgt.s32 v3, v60  }
0x7c: {  	v3 =	vsel vm2, v3, v60;
	v61 =	vadd.s32 $0xC3000000, v2  }
0x7d: {  	v62 =	vnsel vm15, $0x80000001, v16;
	vm15 =	vgt.f32 v2, $5.000000070e-02;
	v2 =	vshrl.u32 v61, $0xF  }
0x7e: {  	vm2 =	vgt.s32 v3, v62;
	v2 =	vnsel vm15, $0x0, v2  }
0x7f: {  	p1 =	sne.s32 s16, $0x4340;
	v3 =	vsel vm2, v3, v62;
	v4 =	vnsel vm13, $0x80000001, v54  }
.Ltmp3:
0x80: {  	vm0 =	vgt.s32 v3, v4;
	(pc) =	sbr.rel @p1 .LBB2_4-.Ltmp3, $4  }
0x81: {  	v3 =	vsel vm0, v3, v4;
	v63 =	vnsel vm15, $0x80000001, v61  }
0x82: {  	vm0 =	vgt.s32 v3, v63  }
0x83: {  	s18 =	sshra.s32 s16, $0x2;
	[tilespmem:v2+s9+$0x0] =	vst.idx.add.s32.msk vm15, v1;
	v2 =	vsel vm0, v3, v63  }
0x84: {  	s16 =	sadd.s32 $0x40, s16;
	s17 =	sadd.s32 $0x100, s17;
	[tilespmem:s18+$0x11600] =	vst v2  }
0x85: {  	[hbm4b:s4+s2] =	stream.linear.scatter [tilespmem:s10], [sflag:$0x1], $0x10E0, $0x38;
	[tilespmem:$0x1AF00] =	vst v63  }
0x86: {  	_ =	swait.ge [sflag:s8], $0x10E0  }
0x87: {  	[sflag:s8] =	ssyncset.done $0x0  }
0x88: {  	[sflag:s8] =	ssyncadd.s32 $0xFFFFEF20  }
0x89: {  	[spmem:s5] =	stream.strided.scatter [tilespmem:s9], [sflag:$0x1], $0x800, s12, s11, $0x38;
	[tilespmem:$0x1AF00] =	vst v63  }
.Ltmp4:
0x8a: {  	_ =	swait.ge [sflag:s8], $0x800;
	(pc) =	sbr.rel @p0 .LBB2_9-.Ltmp4, $3  }
0x8b: {  	[sflag:s8] =	ssyncset.done $0x0  }
0x8c: {  	[sflag:s8] =	ssyncadd.s32 $0xFFFFF800  }
0x8d: {  	[bflag:$0x0] =	sbarrier.arrive $0xFFFF;
	_ =	sdelay $0x1  }
0x8e: {  	[tilespmem:s13], [sflag:$0x1] =	stream.linear.gather [spmem:s1], $0x8000, $0x38;
	[tilespmem:$0x1AF00] =	vst v63  }
0x8f: {  	s16 =	simm.s32 $0x0  }
0x90: {  	_ =	swait.ge [sflag:s8], $0x8000;
	s17 =	sand.u32 $0x70, s16;
	s16 =	sand.u32 $0x3C00, s16  }
0x91: {  	[sflag:s8] =	ssyncset.done $0x0;
	s16 =	sor.u32 s17, s16  }
0x92: {  	[sflag:s8] =	ssyncadd.s32 $0xFFFF8000;
	s17 =	sadd.s32 $0x12F00, s16  }
0x93: {  	v2 =	vld [tilespmem:s17+$0x80]  }
0x94: {  	v3 =	vld [tilespmem:s16+$0x12F00]  }
0x95: {  	v4 =	vld [tilespmem:s17+$0x100]  }
0x96: {  	v5 =	vld [tilespmem:s17+$0x180]  }
0x97: {  	v6 =	vld [tilespmem:s17+$0x200]  }
0x98: {  	v7 =	vld [tilespmem:s17+$0x280]  }
0x99: {  	v2 =	vadd.s32 v3, v2;
	v3 =	vld [tilespmem:s17+$0x300]  }
0x9a: {  	v56 =	vld [tilespmem:s17+$0x380];
	v2 =	vadd.s32 v4, v2  }
0x9b: {  	v57 =	vld [tilespmem:s16+$0x16F00];
	v2 =	vadd.s32 v5, v2  }
0x9c: {  	v58 =	vld [tilespmem:s16+$0x16F80];
	v2 =	vadd.s32 v6, v2  }
0x9d: {  	v59 =	vld [tilespmem:s16+$0x17000];
	v2 =	vadd.s32 v7, v2  }
0x9e: {  	v2 =	vadd.s32 v3, v2;
	v3 =	vld [tilespmem:s16+$0x17080]  }
0x9f: {  	v60 =	vld [tilespmem:s16+$0x17100];
	v2 =	vadd.s32 v56, v2  }
0xa0: {  	v61 =	vld [tilespmem:s16+$0x17180];
	v2 =	vadd.s32 v57, v2  }
0xa1: {  	v62 =	vld [tilespmem:s16+$0x17200];
	v2 =	vadd.s32 v58, v2  }
0xa2: {  	v63 =	vld [tilespmem:s16+$0x17280];
	v2 =	vadd.s32 v59, v2  }
0xa3: {  	v2 =	vadd.s32 v3, v2  }
0xa4: {  	v2 =	vadd.s32 v60, v2  }
0xa5: {  	s30 =	simm.s32 $0x10;
	s18 =	simm.s32 $0x80;
	v2 =	vadd.s32 v61, v2  }
0xa6: {  	s31 =	sand.u32 $0x70, s30;
	s19 =	sand.u32 $0x3C00, s18;
	v2 =	vadd.s32 v62, v2  }
0xa7: {  	s17 =	sor.u32 s31, s19;
	s19 =	simm.s32 $0x20;
	s16 =	simm.s32 $0x10E00;
	v2 =	vadd.s32 v63, v2  }
.LBB2_7:
0xa8: {  	p1 =	sne.s32 s19, $0x7F0;
	s20 =	sadd.s32 $0x12F00, s17;
	[tilespmem:s16+$0x0] =	vst v2  }
0xa9: {  	v2 =	vld [tilespmem:s20+$0x80]  }
0xaa: {  	v3 =	vld [tilespmem:s17+$0x12F00]  }
0xab: {  	v4 =	vld [tilespmem:s20+$0x100]  }
0xac: {  	v5 =	vld [tilespmem:s20+$0x180]  }
0xad: {  	v6 =	vld [tilespmem:s20+$0x200]  }
0xae: {  	v7 =	vld [tilespmem:s20+$0x280]  }
0xaf: {  	v2 =	vadd.s32 v3, v2;
	v3 =	vld [tilespmem:s20+$0x300]  }
0xb0: {  	v2 =	vadd.s32 v4, v2;
	v4 =	vld [tilespmem:s20+$0x380]  }
0xb1: {  	v2 =	vadd.s32 v5, v2;
	v5 =	vld [tilespmem:s17+$0x16F00]  }
0xb2: {  	v2 =	vadd.s32 v6, v2;
	v6 =	vld [tilespmem:s17+$0x16F80]  }
0xb3: {  	v2 =	vadd.s32 v7, v2;
	v7 =	vld [tilespmem:s17+$0x17000]  }
0xb4: {  	v2 =	vadd.s32 v3, v2;
	v3 =	vld [tilespmem:s17+$0x17080]  }
0xb5: {  	v2 =	vadd.s32 v4, v2;
	v4 =	vld [tilespmem:s17+$0x17100]  }
0xb6: {  	v2 =	vadd.s32 v5, v2;
	v5 =	vld [tilespmem:s17+$0x17180]  }
0xb7: {  	v2 =	vadd.s32 v6, v2;
	v6 =	vld [tilespmem:s17+$0x17200]  }
0xb8: {  	v2 =	vadd.s32 v7, v2;
	v7 =	vld [tilespmem:s17+$0x17280]  }
.Ltmp5:
0xb9: {  	v2 =	vadd.s32 v3, v2;
	(pc) =	sbr.rel @p1 .LBB2_7-.Ltmp5, $4  }
0xba: {  	v2 =	vadd.s32 v4, v2  }
0xbb: {  	s18 =	sadd.s32 $0x80, s18;
	v2 =	vadd.s32 v5, v2  }
0xbc: {  	s20 =	sand.u32 $0x3C00, s18;
	s17 =	sand.u32 $0x70, s19;
	v2 =	vadd.s32 v6, v2  }
0xbd: {  	s16 =	sadd.s32 $0x10, s16;
	s19 =	sadd.s32 $0x10, s19;
	s17 =	sor.u32 s17, s20;
	v2 =	vadd.s32 v7, v2  }
0xbe: {  	s18 =	sadd.s32 $0x12F00, s17;
	[tilespmem:s16+$0x0] =	vst v2  }
0xbf: {  	v2 =	vld [tilespmem:s18+$0x80]  }
0xc0: {  	v3 =	vld [tilespmem:s17+$0x12F00]  }
0xc1: {  	v4 =	vld [tilespmem:s18+$0x100]  }
0xc2: {  	v5 =	vld [tilespmem:s18+$0x180]  }
0xc3: {  	v6 =	vld [tilespmem:s18+$0x200]  }
0xc4: {  	v7 =	vld [tilespmem:s18+$0x280]  }
0xc5: {  	v2 =	vadd.s32 v3, v2;
	v3 =	vld [tilespmem:s18+$0x300]  }
0xc6: {  	v56 =	vld [tilespmem:s18+$0x380];
	v2 =	vadd.s32 v4, v2  }
0xc7: {  	v57 =	vld [tilespmem:s17+$0x16F00];
	v2 =	vadd.s32 v5, v2  }
0xc8: {  	v58 =	vld [tilespmem:s17+$0x16F80];
	v2 =	vadd.s32 v6, v2  }
0xc9: {  	v59 =	vld [tilespmem:s17+$0x17000];
	v2 =	vadd.s32 v7, v2  }
0xca: {  	v2 =	vadd.s32 v3, v2;
	v3 =	vld [tilespmem:s17+$0x17080]  }
0xcb: {  	v60 =	vld [tilespmem:s17+$0x17100];
	v2 =	vadd.s32 v56, v2  }
0xcc: {  	v61 =	vld [tilespmem:s17+$0x17180];
	v2 =	vadd.s32 v57, v2  }
0xcd: {  	v62 =	vld [tilespmem:s17+$0x17200];
	v2 =	vadd.s32 v58, v2  }
0xce: {  	v63 =	vld [tilespmem:s17+$0x17280];
	v2 =	vadd.s32 v59, v2  }
0xcf: {  	v2 =	vadd.s32 v3, v2  }
0xd0: {  	v2 =	vadd.s32 v60, v2  }
0xd1: {  	v2 =	vadd.s32 v61, v2  }
0xd2: {  	v2 =	vadd.s32 v62, v2  }
0xd3: {  	s31 =	sadd.s32 $0x10, s16;
	v2 =	vadd.s32 v63, v2  }
.Ltmp6:
0xd4: {  	[tilespmem:s31+$0x0] =	vst v2;
	(pc) =	sbr.rel .LBB2_9-.Ltmp6, $4  }
0xd5: {  	[hbm4b:s6+s11] =	stream.strided.scatter [tilespmem:s9], [sflag:$0x1], $0x800, s14, s11, $0x38;
	[tilespmem:$0x1AF00] =	vst v63  }
0xd6: {  	_ =	swait.ge [sflag:s8], $0x800  }
0xd7: {  	[sflag:s8] =	ssyncset.done $0x0  }
0xd8: {  	[sflag:s8] =	ssyncadd.s32 $0xFFFFF800  }
.LBB2_10:
0xd9: {  	_ =	sfence.sel $0x180000  }
0xda: {  	[bflag:$0x0] =	sbarrier.arrive $0xFFFF  }
0xdb: {  	_ =	strace $0x90000047  }
0xdc: {  	s0 =	sadd.s32 @!p0 $0x100000, s0;
	[bflag:$0x2] =	sbarrier.arrive $0xFFFF  }
0xdd: {  	[sflag:s0] =	ssyncadd.tile.s32 @!p0 $0x1;
	_ =	shalt  }
.Lfunc_end2:
_tile_overlayer_lowered:
.L_overlay_start_2:
0xde: {  	(tag) =	ssettag $0x2  }
0xdf: {  	s0 =	rddreg [dreg:$0x0];
	s2 =	stileid.u32  }
0xe0: {  	s1 =	rddreg [dreg:$0x1];
	p0 =	sne.s32 s2, $0x0  }
0xe1: {  	s3 =	rddreg [dreg:$0x2];
	[bflag:$0x3] =	sbarrier.arrive $0xFFFF;
	s2 =	simm.s32 @!p0 $0x1C01  }
0xe2: {  	[timem:s3], [sflag:s2] =	dma.local @!p0 [hbm:s0], s1  }
0xe3: {  	s0 =	simm.s32 @!p0 $0x1  }
0xe4: {  	_ =	swait.ge @!p0 [sflag:s0], s1  }
0xe5: {  	s1 =	ssub.s32 @!p0 $0x0, s1;
	[sflag:s0] =	ssyncset.done @!p0 $0x0  }
0xe6: {  	[sflag:s0] =	ssyncadd.s32 @!p0 s1  }
0xe7: {  	[bflag:$0x3] =	sbarrier.arrive $0xFFFF  }
0xe8: {  	_ =	shalt  }

// kernel: kernel.9.cloned.1.call-start
scs
__scs_entry_jumppad:
0x0: {  	(pc) =	sbr.rel $0x88, $3  }
0x1: {  	(tag) =	ssettag $0x0;
	lr =	simm.s32 $0x1  }
0x2: {  	[smem:$0x3FA0] =	sst lr;
	_ =	strace $0xD0000000  }
0x3: {  	_ = 	snop  }
0x4: {  	_ = 	snop  }
0x5: {  	_ = 	snop  }
0x6: {  	_ = 	snop  }
0x7: {  	_ = 	snop  }
__scs_overlays_trampoline_lowered:
0x8: {  	[smem:$0x3FAF] =	sst s0  }
0x9: {  	[smem:$0x3FB0] =	sst s1  }
0xa: {  	[smem:$0x3FB1] =	sst s2  }
0xb: {  	[smem:$0x3FB2] =	sst s3  }
0xc: {  	[smem:$0x3FB3] =	sst s4  }
0xd: {  	[smem:$0x3FB4] =	sst s5  }
0xe: {  	[smem:$0x3FB5] =	sst s6  }
0xf: {  	[smem:$0x3FB6] =	sst s7  }
0x10: {  	[smem:$0x3FB7] =	sst s8  }
0x11: {  	[smem:$0x3FB8] =	sst s9;
	s0 =	simm.s32 @!p0 $0x0  }
0x12: {  	s1 =	sld [smem:$0x3F9E];
	s0 =	simm.s32 @p0 $0x1  }
0x13: {  	[smem:$0x3FB9] =	sst s0;
	s0 =	simm.s32 @!p1 $0x0  }
0x14: {  	s2 =	sld [smem:$0x3F9D];
	s0 =	simm.s32 @p1 $0x1  }
0x15: {  	[smem:$0x3FBA] =	sst s0;
	s0 =	simm.s32 @!p2 $0x0  }
0x16: {  	s3 =	sld [smem:$0x3FDB];
	s0 =	simm.s32 @p2 $0x1  }
0x17: {  	s4 =	simm.s32 $0x1BF5;
	[smem:$0x3FBC] =	sst s0  }
0x18: {  	s0 =	sld [smem:$0x3F9F];
	_ =	swait.ge [sflag:s4], $0x0  }
0x19: {  	s7 =	sld [smem:$0x3FA0]  }
0x1a: {  	s8 =	sadd.s32 $0xFFFFE003, lr  }
0x1b: {  	s9 =	sadd.s32 $0xFFFFFEF7, lr;
	s5 =	simm.s32 $0xFFFFFFFF;
	p2 =	slt.u32 s8, $0xFFFFF086  }
0x1c: {  	p1 =	slt.u32 s9, $0xF7A;
	s5 =	simm.s32 @!p2 $0x0  }
0x1d: {  	s5 =	simm.s32 @p1 $0x1;
	p0 =	seq.s32 s7, s2  }
0x1e: {  	s7 =	smul.u32 @!p0 $0xF7A, s2;
	p2 =	seq.s32 @!p0 s5, $0x0  }
0x1f: {  	s9 =	smul.u32 $0xF7A, s1;
	s8 =	simm.s32 @!p0 $0x1BF5;
	p2 =	por !p2, p0  }
0x20: {  	[sflag:s8] =	ssyncset.s32 @!p0 $0xFFFFF086;
	s6 =	sadd.s32 @!p0 s3, s7;
	s7 =	simm.s32 @!p0 $0x108  }
0x21: {  	s3 =	sadd.s32 s3, s9;
	s6 =	sadd.s32 @!p0 $0x88, s6;
	s7 =	simm.s32 @p2 $0x1082  }
0x22: {  	[simem:s7], [sflag:s8] =	dma.local @!p0 [hbm:s6], $0xF7A  }
0x23: {  	s9 =	sor.u32 $0xD0000000, s2;
	s6 =	simm.s32 $0x108;
	_ =	swait.ge @!p0 [sflag:s8], $0x0  }
0x24: {  	s3 =	sadd.s32 $0x88, s3;
	s6 =	simm.s32 @!p1 $0x1082;
	[sflag:s4] =	ssyncset.s32 $0xFFFFF086  }
0x25: {  	[simem:s6], [sflag:s4] =	dma.local [hbm:s3], $0xF7A  }
0x26: {  	[smem:$0x3FA0] =	sst s1;
	(tag) =	ssettag s2;
	_ =	strace s9  }
0x27: {  	s1 =	sld [smem:$0x3FB0]  }
0x28: {  	s2 =	sld [smem:$0x3FB1]  }
0x29: {  	s4 =	sld [smem:$0x3FB3]  }
0x2a: {  	p0 =	seq.s32 s5, $0x0;
	s5 =	sld [smem:$0x3FB4]  }
0x2b: {  	s6 =	sld [smem:$0x3FB5]  }
0x2c: {  	s7 =	sld [smem:$0x3FB6]  }
0x2d: {  	s3 =	simm.s32 $0x108;
	s8 =	sld [smem:$0x3FB7]  }
0x2e: {  	s3 =	simm.s32 @!p0 $0x1082;
	s9 =	sld [smem:$0x3FB8]  }
0x2f: {  	lr =	sadd.s32 s0, s3;
	s0 =	sld [smem:$0x3FAF]  }
0x30: {  	s3 =	sld [smem:$0x3FB2]  }
0x31: {  	[smem:$0x3FBB] =	sst s10  }
0x32: {  	s10 =	sld [smem:$0x3FB9];
	_ =	sdelay $0x3  }
0x33: {  	p0 =	seq.s32 s10, $0x1;
	s10 =	sld [smem:$0x3FBB];
	_ =	sdelay $0x3  }
0x34: {  	[smem:$0x3FBB] =	sst s10  }
0x35: {  	s10 =	sld [smem:$0x3FBA];
	_ =	sdelay $0x3  }
0x36: {  	p1 =	seq.s32 s10, $0x1;
	s10 =	sld [smem:$0x3FBB];
	_ =	sdelay $0x3  }
0x37: {  	[smem:$0x3FBB] =	sst s10  }
0x38: {  	s10 =	sld [smem:$0x3FBC]  }
0x39: {  	_ = 	snop;
	(pc) =	sbr.ind lr, $3  }
0x3a: {  	_ = 	snop  }
0x3b: {  	_ = 	snop  }
0x3c: {  	p2 =	seq.s32 s10, $0x1;
	s10 =	sld [smem:$0x3FBB]  }
0x3d: {  	_ =	shalt  }
0x3e: {  	_ =	shalt  }
0x3f: {  	_ =	shalt  }
0x40: {  	_ =	shalt  }
0x41: {  	_ =	shalt  }
0x42: {  	_ =	shalt  }
0x43: {  	_ =	shalt  }
0x44: {  	_ =	shalt  }
0x45: {  	_ =	shalt  }
0x46: {  	_ =	shalt  }
0x47: {  	_ =	shalt  }
0x48: {  	_ =	shalt  }
0x49: {  	_ =	shalt  }
0x4a: {  	_ =	shalt  }
0x4b: {  	_ =	shalt  }
0x4c: {  	_ =	shalt  }
0x4d: {  	_ =	shalt  }
0x4e: {  	_ =	shalt  }
0x4f: {  	_ =	shalt  }
0x50: {  	_ =	shalt  }
0x51: {  	_ =	shalt  }
0x52: {  	_ =	shalt  }
0x53: {  	_ =	shalt  }
0x54: {  	_ =	shalt  }
0x55: {  	_ =	shalt  }
0x56: {  	_ =	shalt  }
0x57: {  	_ =	shalt  }
0x58: {  	_ =	shalt  }
0x59: {  	_ =	shalt  }
0x5a: {  	_ =	shalt  }
0x5b: {  	_ =	shalt  }
0x5c: {  	_ =	shalt  }
0x5d: {  	_ =	shalt  }
0x5e: {  	_ =	shalt  }
0x5f: {  	_ =	shalt  }
0x60: {  	_ =	shalt  }
0x61: {  	_ =	shalt  }
0x62: {  	_ =	shalt  }
0x63: {  	_ =	shalt  }
0x64: {  	_ =	shalt  }
0x65: {  	_ =	shalt  }
0x66: {  	_ =	shalt  }
0x67: {  	_ =	shalt  }
0x68: {  	_ =	shalt  }
0x69: {  	_ =	shalt  }
0x6a: {  	_ =	shalt  }
0x6b: {  	_ =	shalt  }
0x6c: {  	_ =	shalt  }
0x6d: {  	_ =	shalt  }
0x6e: {  	_ =	shalt  }
0x6f: {  	_ =	shalt  }
0x70: {  	_ =	shalt  }
0x71: {  	_ =	shalt  }
0x72: {  	_ =	shalt  }
0x73: {  	_ =	shalt  }
0x74: {  	_ =	shalt  }
0x75: {  	_ =	shalt  }
0x76: {  	_ =	shalt  }
0x77: {  	_ =	shalt  }
0x78: {  	_ =	shalt  }
0x79: {  	_ =	shalt  }
0x7a: {  	_ =	shalt  }
0x7b: {  	_ =	shalt  }
0x7c: {  	_ =	shalt  }
0x7d: {  	_ =	shalt  }
0x7e: {  	_ =	shalt  }
0x7f: {  	_ =	shalt  }
0x80: {  	_ =	shalt  }
0x81: {  	_ =	shalt  }
0x82: {  	_ =	shalt  }
0x83: {  	_ =	shalt  }
0x84: {  	_ =	shalt  }
0x85: {  	_ =	shalt  }
0x86: {  	_ =	shalt  }
0x87: {  	_ =	shalt  }
.Lfunc_end0:
.L_simem_size_0:
called_computation.1_lowered:
.L_overlay_start_0:
0x88: {  	s2 =	sld [smem:$0x3FD9]  }
0x89: {  	s3 =	sld [smem:$0x3FFE];
	_ =	sdelay $0x1  }
0x8a: {  	s1 =	srdreg.scid  }
0x8b: {  	s0 =	sand.u32 $0x1, s1  }
0x8c: {  	s17 =	sshll.u32 s0, $0xA;
	s2 =	sadd.s32 s3, s2  }
0x8d: {  	s2 =	sadd.s32 s2, s17  }
0x8e: {  	[smem:$0x3FC7] =	sst s2  }
0x8f: {  	_ = 	snop  }
0x90: {  	s2 =	sld [smem:$0x3FD0];
	(tm) =	ssettm $0x1  }
0x91: {  	s18 =	sld [smem:$0x3FFB];
	_ =	sdelay $0x3  }
0x92: {  	_ =	strace s18  }
0x93: {  	s3 =	sld [smem:$0x3FFC];
	_ =	sdelay $0x3  }
0x94: {  	_ =	strace s3  }
0x95: {  	s3 =	sld [smem:$0x3FFD];
	_ =	sdelay $0x3  }
0x96: {  	_ =	strace s3  }
0x97: {  	_ =	strace $0x8FFFFFFF  }
0x98: {  	s19 =	sld [smem:$0x3FDB];
	_ =	sdelay $0x1  }
0x99: {  	s4 =	simm.s32 $_scs_section_size  }
0x9a: {  	s5 =	simm.s32 $_size__tile_overlayer_lowered;
	s6 =	simm.s32 $_tile_overlayer_lowered  }
0x9b: {  	s22 =	simm.s32 $0x1BFF;
	s21 =	sshll.u32 s6, $0x1;
	s3 =	sadd.s32 s4, s19  }
0x9c: {  	s7 =	simm.s32 $0x0;
	s20 =	sshll.u32 s5, $0x1;
	s5 =	sadd.s32 s21, s3  }
0x9d: {  	[timem:s7], [sflag:s22] =	dma.local [hbm:s5], s20  }
0x9e: {  	_ =	swait.ge [sflag:s22], s20  }
0x9f: {  	s4 =	ssub.s32 $0x0, s20;
	[sflag:s22] =	ssyncset.done $0x0  }
0xa0: {  	[sflag:s22] =	ssyncadd.s32 s4;
	_ =	sdelay $0x1  }
0xa1: {  	s23 =	simm.s32 $0x1B8B  }
0xa2: {  	_ =	swait.ge [sflag:s23], $0x1  }
0xa3: {  	[sflag:s23] =	ssyncset.done $0x0  }
0xa4: {  	s25 =	simm.s32 $0x1B8E;
	s24 =	sld [smem:$0x3FFE];
	[sflag:s23] =	ssyncadd.s32 $0xFFFFFFFF  }
0xa5: {  	s26 =	simm.s32 $execute0_lowered;
	[smem:$0x3FD2] =	sst s25  }
0xa6: {  	s5 =	sshll.u32 s26, $0x1;
	_ =	strace $0x80000049;
	[dreg:$0x1] =	wrdreg $0xFFFFFFFF  }
0xa7: {  	s28 =	simm.s32 $_size_execute0_lowered;
	s3 =	sadd.s32 s3, s5;
	[dreg:$0x0] =	wrdreg $0x0  }
0xa8: {  	s5 =	sshll.u32 s28, $0x1;
	[dreg:$0x2] =	wrdreg s3  }
0xa9: {  	[dreg:$0x3] =	wrdreg s5  }
0xaa: {  	[dreg:$0x4] =	wrdreg $0xC0  }
0xab: {  	_ =	task [dreg:s7], $0x5FFFF  }
0xac: {  	[dreg:$0x1] =	wrdreg $0xFFFFFFFF  }
0xad: {  	[dreg:$0x0] =	wrdreg $0x60  }
0xae: {  	[dreg:$0x2] =	wrdreg s24  }
0xaf: {  	[dreg:$0x3] =	wrdreg s2  }
0xb0: {  	[dreg:$0x4] =	wrdreg $0x9  }
0xb1: {  	_ =	task.clear_ibuf [dreg:s7], $0x5FFFF;
	_ =	strace $0x90000049  }
0xb2: {  	s29 =	simm.s32 $0x9;
	_ =	strace $0x8000004B  }
0xb3: {  	_ =	swait.ge [sflag:s29], $0x1  }
0xb4: {  	[sflag:s29] =	ssyncadd.s32 $0xFFFFFFFF  }
0xb5: {  	_ =	strace $0x9000004B  }
0xb6: {  	_ =	sfence  }
0xb7: {  	s30 =	sld [smem:$0x0];
	_ =	sdelay $0x2  }
0xb8: {  	s31 =	sshll.u32 s1, $0xD;
	s1 =	sshrl.u32 s1, $0x2  }
0xb9: {  	s3 =	sand.u32 $0x4000, s31;
	s1 =	sadd.s32 s1, s30  }
0xba: {  	s0 =	sor.u32 s3, s0;
	s1 =	sshll.u32 s1, $0x11  }
0xbb: {  	s0 =	sor.u32 s1, s0  }
0xbc: {  	s0 =	sadd.s32 $0x8F2B, s0  }
0xbd: {  	[sflag:s0] =	ssyncadd.remote.s32 $0x1  }
0xbe: {  	_ =	sfence.sel $0xFFFF  }
0xbf: {  	[dreg:$0x0] =	wrdreg $0xFFFFFFFF;
	(pc) =	sbr.abs _section_cstart, $3  }
0xc0: {  	[dreg:$0x1] =	wrdreg $0xFFFFFFFF  }
0xc1: {  	_ =	task.clear_ibuf [dreg:s7], $0x2FFFF;
	_ =	strace $0x9FFFFFFF  }
0xc2: {  	(tm) =	ssettm $0x7FFFFFFF  }
0xc3: {  	_ =	shalt  }
tec
execute0_lowered:
.L_overlay_start_1:
0x0: {  	(tag) =	ssettag $0x1  }
0x1: {  	s0 =	srdreg.scid  }
0x2: {  	s1 =	stileid.u32;
	s2 =	rddreg [dreg:$0x0]  }
0x3: {  	s3 =	simm.s32 $0x0;
	s0 =	sand.u32 $0x1, s0;
	s1 =	sshll.u32 s1, $0x1  }
0x4: {  	[smem:$0x7FF] =	sst s3;
	s1 =	sor.u32 s0, s1  }
0x5: {  	s26 =	sadd.s32 $0x45000, s2;
	_ =	strace $0x8000004A;
	s4 =	smul.u32 $0x10E00, s1  }
0x6: {  	v0 =	vlaneseq.u32;
	[dreg:$0x3] =	wrdreg s26;
	s0 =	ssub.s32 $0x2, s0;
	s6 =	smul.u32 $0x21C, s1  }
0x7: {  	v4 =	vimm.s32 $0xECA86420;
	v5 =	vimm.s32 $0x0;
	vm0 =	vcmask $0xB08;
	s7 =	sshll.u32 s1, $0x7;
	s8 =	sshll.u32 s1, $0x4;
	s9 =	sshrl.u32 s0, $0x1  }
0x8: {  	vm1 =	vcmask $0x1310;
	vm2 =	vcmask $0x1B18;
	vm3 =	vcmask $0x300;
	p0 =	sne.s32 s1, $0x0;
	s1 =	simm.s32 $0x0;
	s10 =	sadd.s32 s7, s2  }
0x9: {  	vm4 =	vcmask $0x2320;
	vm5 =	vcmask $0x2B28;
	vm6 =	vcmask $0x3330;
	s0 =	ssub.s32 s0, s9;
	s5 =	sshrl.u32 s4, $0x3;
	s30 =	sadd.s32 $0x49600, s10  }
0xa: {  	vm7 =	vcmask $0x3B38;
	vm8 =	vmmov $0xff;
	vm11 =	vcmask $0x704;
	s6 =	sadd.s32 s6, s2;
	s31 =	sadd.s32 $0x4A600, s10;
	[dreg:$0x6] =	wrdreg s30  }
.Ltmp0:
0xb: {  	vm12 =	vcmask $0xF0C;
	vm13 =	vcmask $0x1714;
	vm14 =	vcmask $0x1F1C;
	s0 =	smax.u32 s0, $0x1;
	[dreg:$0x7] =	wrdreg s31;
	(pc) =	sbr.rel .LBB2_1-.Ltmp0, $4  }
0xc: {  	vm15 =	vcmask $0x2724;
	v1 =	vmul.u32 $0x10, v0;
	v3 =	vor.u32 $0x80000000, v0;
	s5 =	sadd.s32 s5, s2;
	s29 =	sadd.s32 $0x45200, s6;
	[dreg:$0x9] =	wrdreg s0  }
0xd: {  	v6 =	vunpack.c.l.s4.s8 v4;
	v4 =	vimm.f32 $0.0e+00;
	v7 =	vmul.u32 $0x2, v0;
	s2 =	sadd.s32 s8, s2;
	s28 =	sadd.s32 $0x1800, s5;
	[dreg:$0x5] =	wrdreg s29  }
0xe: {  	v8 =	vsel vm3, $0xFFFFFFFF, v5;
	v9 =	vsel vm11, $0xFFFFFFFF, v5;
	v2 =	vor.u32 s4, v1;
	s4 =	simm.s32 $0x13700;
	s2 =	sadd.s32 $0x4B600, s2;
	[dreg:$0x4] =	wrdreg s28  }
0xf: {  	v10 =	vsel vm0, $0xFFFFFFFF, v5;
	v11 =	vsel vm12, $0xFFFFFFFF, v5;
	v6 =	vunpack.c.0.s8.s32 v6;
	s5 =	simm.s32 $0x13B00;
	[dreg:$0x8] =	wrdreg s2;
	s2 =	simm.s32 $0x1  }
.LBB2_11:
0x10: {  	p2 =	slt.s32 s21, $0x400  }
0x11: {  	s21 =	simm.s32 @!p2 $0x400  }
0x12: {  	v12 =	vmov s21  }
0x13: {  	[tilespmem:$0x13F00] =	vst v12  }
0x14: {  	[tilespmem:$0x13F10] =	vst v12  }
0x15: {  	[tilespmem:$0x13F20] =	vst v12  }
0x16: {  	[tilespmem:$0x13F30] =	vst v12  }
0x17: {  	[tilespmem:$0x13F40] =	vst v12  }
0x18: {  	[tilespmem:$0x13F50] =	vst v12  }
0x19: {  	[tilespmem:$0x13F60] =	vst v12  }
0x1a: {  	s0 =	simm.s32 $0x0;
	s1 =	rddreg [dreg:$0x6];
	s2 =	simm.s32 $0x1;
	[tilespmem:$0x13F70] =	vst v12  }
0x1b: {  	[hbm4b:s1+s0] =	stream.linear.scatter [tilespmem:s4], [sflag:$0x1], $0x400, $0x38;
	[tilespmem:$0x14000] =	vst v63  }
0x1c: {  	_ =	swait.ge [sflag:s2], $0x400  }
0x1d: {  	[sflag:s2] =	ssyncset.done $0x0  }
0x1e: {  	s30 =	rddreg [dreg:$0x7];
	[sflag:s2] =	ssyncadd.s32 $0xFFFFFC00  }
0x1f: {  	[hbm4b:s30+s0] =	stream.linear.scatter [tilespmem:s5], [sflag:$0x1], $0x400, $0x38;
	[tilespmem:$0x14000] =	vst v63  }
0x20: {  	_ =	swait.ge [sflag:s2], $0x400  }
0x21: {  	s6 =	simm.s32 $0x13F00;
	[sflag:s2] =	ssyncset.done $0x0  }
.Ltmp1:
0x22: {  	s31 =	rddreg [dreg:$0x8];
	[sflag:s2] =	ssyncadd.s32 $0xFFFFFC00;
	(pc) =	sbr.rel @!p0 .LBB2_12-.Ltmp1, $4  }
0x23: {  	[hbm4b:s31+s0] =	stream.linear.scatter [tilespmem:s6], [sflag:$0x1], $0x80, $0x38;
	[tilespmem:$0x14000] =	vst v63  }
0x24: {  	_ =	swait.ge [sflag:s2], $0x80  }
0x25: {  	[sflag:s2] =	ssyncset.done $0x0  }
0x26: {  	s1 =	rddreg [dreg:$0xa];
	[sflag:s2] =	ssyncadd.s32 $0xFFFFFF80  }
.LBB2_15:
0x27: {  	s1 =	sadd.s32 $0x1, s1;
	s0 =	rddreg [dreg:$0x9]  }
0x28: {  	p1 =	sne.s32 s1, s0  }
.Ltmp2:
0x29: {  	_ = 	snop;
	(pc) =	sbr.rel @!p1 .LBB2_16-.Ltmp2, $1  }
0x2a: {  	_ =	sdelay $0x3  }
.LBB2_1:
0x2b: {  	[dreg:$0xa] =	wrdreg s1  }
0x2c: {  	s0 =	rddreg [dreg:$0x4]  }
0x2d: {  	[tilespmem:s3], [sflag:$0x1] =	stream.linear.gather [hbm4b:s0+s3], $0x10E00, $0x38;
	[tilespmem:$0x14000] =	vst v63  }
0x2e: {  	_ =	swait.ge [sflag:s2], $0x10E00  }
0x2f: {  	[sflag:s2] =	ssyncset.done $0x0  }
0x30: {  	s25 =	simm.s32 $0x12600;
	s24 =	rddreg [dreg:$0x5];
	[sflag:s2] =	ssyncadd.s32 $0xFFFEF200  }
0x31: {  	[tilespmem:s25], [sflag:$0x1] =	stream.linear.gather [hbm4b:s24+s3], $0x10E0, $0x38;
	[tilespmem:$0x14000] =	vst v63  }
0x32: {  	_ =	swait.ge [sflag:s2], $0x10E0  }
0x33: {  	[sflag:s2] =	ssyncset.done $0x0  }
0x34: {  	s28 =	simm.s32 $0x10E00;
	s26 =	rddreg [dreg:$0x3];
	[sflag:s2] =	ssyncadd.s32 $0xFFFFEF20  }
0x35: {  	[tilespmem:s28], [sflag:$0x1] =	stream.linear.gather [hbm4b:s26+s3], $0x1000, $0x38;
	[tilespmem:$0x14000] =	vst v63  }
0x36: {  	s29 =	sand.u32 $0x70, s3;
	s30 =	sand.u32 $0xF00, s3;
	_ =	swait.ge [sflag:s2], $0x1000  }
0x37: {  	s0 =	sor.u32 s29, s30;
	[sflag:s2] =	ssyncset.done $0x0  }
0x38: {  	s1 =	sadd.s32 $0x10E00, s0;
	[sflag:s2] =	ssyncadd.s32 $0xFFFFF000  }
0x39: {  	v12 =	vld [tilespmem:s1+$0x80]  }
0x3a: {  	v13 =	vld [tilespmem:s0+$0x10E00];
	_ =	sdelay $0x2  }
0x3b: {  	s31 =	simm.s32 $0x10;
	s0 =	simm.s32 $0x20  }
0x3c: {  	s1 =	sand.u32 $0x70, s31;
	s12 =	sand.u32 $0xF00, s0  }
0x3d: {  	s2 =	simm.s32 $0x11E00;
	s12 =	sor.u32 s1, s12;
	s1 =	simm.s32 $0x20;
	v12 =	vadd.s32 v13, v12  }
.LBB2_2:
0x3e: {  	p1 =	sne.s32 s1, $0x7F0;
	s17 =	sadd.s32 $0x10E00, s12;
	[tilespmem:s2+$0x0] =	vst v12  }
0x3f: {  	v12 =	vld [tilespmem:s17+$0x80]  }
0x40: {  	v13 =	vld [tilespmem:s12+$0x10E00]  }
.Ltmp3:
0x41: {  	(pc) =	sbr.rel @p1 .LBB2_2-.Ltmp3, $4  }
0x42: {  	_ = 	snop  }
0x43: {  	s0 =	sadd.s32 $0x20, s0  }
0x44: {  	s17 =	sand.u32 $0xF00, s0;
	s12 =	sand.u32 $0x70, s1  }
0x45: {  	s2 =	sadd.s32 $0x10, s2;
	s1 =	sadd.s32 $0x10, s1;
	s12 =	sor.u32 s12, s17;
	v12 =	vadd.s32 v13, v12  }
0x46: {  	s0 =	sadd.s32 $0x10E00, s12;
	[tilespmem:s2+$0x0] =	vst v12  }
0x47: {  	v12 =	vld [tilespmem:s0+$0x80]  }
0x48: {  	v13 =	vld [tilespmem:s12+$0x10E00];
	_ =	sdelay $0x4  }
0x49: {  	s1 =	simm.s32 $0x125F0;
	s31 =	sadd.s32 $0x10, s2;
	s2 =	simm.s32 $0x0;
	v12 =	vadd.s32 v13, v12  }
0x4a: {  	s6 =	simm.s32 $0x0;
	s0 =	simm.s32 $0x80000800;
	s12 =	simm.s32 $0x0;
	[tilespmem:s31+$0x0] =	vst v12  }
.LBB2_4:
0x4b: {  	v12 =	vld [tilespmem:s1+$0x0];
	_ =	sdelay $0x4  }
0x4c: {  	(xrf0) =	vadd.scan.msk.s32 $0xffff, v12;
	_ =	sdelay $0x5  }
0x4d: {  	v13, _, _ =	vpop (xrf0)  }
0x4e: {  	v14 =	vxor.u32 $0x80000000, v13  }
0x4f: {  	(xrf0) =	vmax.scan.msk.u32 $0xffff, v14;
	_ =	sdelay $0x5  }
0x50: {  	v15, _, _ =	vpop (xrf0)  }
0x51: {  	(v2sf) =	vpush v15, $0xF;
	_ =	sdelay $0xe  }
0x52: {  	s17 =	spop (v2sf)  }
0x53: {  	s2 =	sadd.s32 s17, s2  }
0x54: {  	v12 =	vsub.s32 v12, v13;
	s2 =	sadd.s32 $0x80000000, s2  }
0x55: {  	v12 =	vadd.s32 s2, v12  }
0x56: {  	vm9 =	vgt.s32 v12, $0x7CF  }
0x57: {  	v12 =	vnsel vm9, $0x7FFFFFFF, v3  }
0x58: {  	(xrf0) =	vmax.scan.msk.u32 $0xffff, v12;
	_ =	sdelay $0x5  }
0x59: {  	v12, _, _ =	vpop (xrf0)  }
0x5a: {  	(v2sf) =	vpush v12, $0xF;
	_ =	sdelay $0xe  }
0x5b: {  	s17 =	spop (v2sf)  }
0x5c: {  	s20 =	sxor.u32 $0x80000000, s17  }
0x5d: {  	v63 =	vmov s20  }
0x5e: {  	vm9 =	veq.s32 v63, v0  }
0x5f: {  	v12 =	vnsel vm9, $0x1, v14  }
0x60: {  	(xrf0) =	vmax.scan.msk.u32 $0xffff, v12;
	_ =	sdelay $0x5  }
0x61: {  	v12, _, _ =	vpop (xrf0)  }
0x62: {  	(v2sf) =	vpush v12, $0xF;
	_ =	sdelay $0xa  }
0x63: {  	p1 =	sgt.s32 s2, $0x7CF  }
0x64: {  	p2 =	slt.u32 @!p1 s12, $0x7F  }
0x65: {  	p2 =	por p1, !p2  }
.Ltmp4:
0x66: {  	_ = 	snop;
	(pc) =	sbr.rel @!p2 .LBB2_4-.Ltmp4, $4  }
0x67: {  	s31 =	spop (v2sf)  }
0x68: {  	s20 =	sxor.u32 $0x80000000, s31  }
0x69: {  	s0 =	sadd.s32 $0xFFFFFFF0, s0;
	s20 =	ssub.s32 s2, s20  }
0x6a: {  	s1 =	sadd.s32 $0xFFFFFFF0, s1;
	s12 =	sadd.s32 $0x1, s12;
	s6 =	smov.u32 @p1 s20  }
.Ltmp5:
0x6b: {  	(pc) =	sbr.rel .LBB2_6-.Ltmp5, $4  }
0x6c: {  	s1 =	sadd.s32 s0, s17  }
0x6d: {  	[dreg:$0xb] =	wrdreg s6;
	s21 =	simm.s32 $0x0;
	s1 =	simm.s32 @!p1 $0xFFFFFFFF  }
0x6e: {  	[smem:$0x0] =	sst s21;
	s31 =	sshll.u32 s1, $0xF  }
0x6f: {  	[dreg:$0xc] =	wrdreg s1;
	v13 =	vmov s1;
	s1 =	simm.s32 $0x0;
	v12 =	vmov s31  }
.LBB2_10:
0x70: {  	s1 =	sadd.s32 $0x1, s1  }
0x71: {  	p2 =	sne.s32 s1, $0x10E  }
.Ltmp6:
0x72: {  	_ = 	snop;
	(pc) =	sbr.rel @!p2 .LBB2_11-.Ltmp6, $1  }
0x73: {  	_ =	sdelay $0x3  }
.LBB2_6:
0x74: {  	s0 =	sshll.u32 s1, $0x4  }
0x75: {  	s0 =	sand.u32 $0x3FFFFFF0, s0  }
0x76: {  	v14 =	vld [tilespmem:s0+$0x12600];
	_ =	sdelay $0x4  }
0x77: {  	vm10 =	vge.s32 v14, v12  }
0x78: {  	v15 =	vsel vm10, $0x3F800000, v4  }
0x79: {  	(xrf0) =	vmax.scan.msk.f32 $0xffff, v15;
	_ =	sdelay $0x5  }
0x7a: {  	v15, _, _ =	vpop (xrf0)  }
0x7b: {  	(v2sf) =	vpush v15, $0xF;
	_ =	sdelay $0xe  }
0x7c: {  	s31 =	spop (v2sf)  }
0x7d: {  	p2 =	sgt.f32 s31, $0.0e+00  }
.Ltmp7:
0x7e: {  	_ = 	snop;
	(pc) =	sbr.rel @!p2 .LBB2_10-.Ltmp7, $1  }
0x7f: {  	_ =	sdelay $0x3  }
0x80: {  	vm9 =	vge.s32 v14, v12  }
0x81: {  	[dreg:$0xd] =	wrdreg s1;
	s23 =	sshll.u32 s1, $0x8;
	v14 =	vsel vm9, $0x1, v5  }
.LBB2_8:
0x82: {  	v18 =	vmctz.xlane vm10;
	_ =	sdelay $0x1  }
0x83: {  	(v2sf) =	vpush v18, $0x0;
	_ =	sdelay $0xe  }
0x84: {  	s0 =	spop (v2sf)  }
0x85: {  	s0 =	sadd.s32 s23, s0  }
0x86: {  	v15 =	vadd.s32 s0, v1;
	_ =	sdelay $0x4  }
0x87: {  	v16 =	vld.idx.msk [tilespmem:v15+s3+$0x0], $0xffff;
	_ =	sdelay $0x4  }
0x88: {  	v15 =	vadd.s32 $0xC3000000, v16  }
0x89: {  	v17 =	vshrl.u32 v15, $0xF  }
0x8a: {  	vm9 =	vgt.f32 v16, $5.000000070e-02;
	vm10 =	veq.s32 v17, v13  }
0x8b: {  	vm9 =	vmand vm9, vm10  }
0x8c: {  	v46 =	vsel vm9, $0x1, v5  }
0x8d: {  	(xrf0) =	vadd.scan.msk.s32 $0xffff, v46;
	_ =	sdelay $0x5  }
0x8e: {  	v47, _, _ =	vpop (xrf0)  }
0x8f: {  	v48 =	vxor.u32 $0x80000000, v47  }
0x90: {  	(xrf0) =	vmax.scan.msk.u32 $0xffff, v48;
	_ =	sdelay $0x1  }
0x91: {  	v45 =	vimm.s32 $0x0  }
0x92: {  	v16 =	vsel vm9, $0xFFFFFFFF, v45;
	_ =	sdelay $0x2  }
0x93: {  	[tilespmem:$0x1FFE0] =	vst v16;
	v16, _, _ =	vpop (xrf0)  }
0x94: {  	v49 =	vadd.s32 s0, v2;
	(v2sf) =	vpush v16, $0xF  }
0x95: {  	(v2sf) =	vpush v49, $0xD;
	_ =	sdelay $0x1  }
0x96: {  	(v2sf) =	vpush v49, $0xC;
	_ =	sdelay $0x1  }
0x97: {  	(v2sf) =	vpush v49, $0xE;
	_ =	sdelay $0x1  }
0x98: {  	(v2sf) =	vpush v49, $0xF;
	_ =	sdelay $0x1  }
0x99: {  	(v2sf) =	vpush v49, $0x9;
	_ =	sdelay $0x1  }
0x9a: {  	(v2sf) =	vpush v49, $0x8;
	_ =	sdelay $0x1  }
0x9b: {  	(v2sf) =	vpush v49, $0xA  }
0x9c: {  	(v2sf) =	vpush v49, $0xB  }
0x9d: {  	s24 =	spop (v2sf)  }
0x9e: {  	(v2sf) =	vpush v49, $0x0;
	s10 =	spop (v2sf)  }
0x9f: {  	(v2sf) =	vpush v49, $0x1;
	s1 =	smulhi.u32 $0x38E38E39, s10;
	s0 =	sshra.s32 s10, $0x1F  }
0xa0: {  	s2 =	spop (v2sf);
	s0 =	smul.u32 $0x38E38E39, s0  }
0xa1: {  	(v2sf) =	vpush v49, $0x2;
	s25 =	smulhi.u32 $0x38E38E39, s2;
	s2 =	sshra.s32 s2, $0x1F  }
0xa2: {  	s12 =	spop (v2sf);
	s2 =	smul.u32 $0x38E38E39, s2  }
0xa3: {  	(v2sf) =	vpush v49, $0x3;
	s28 =	smulhi.u32 $0x38E38E39, s12;
	s12 =	sshra.s32 s12, $0x1F  }
0xa4: {  	s17 =	spop (v2sf);
	s29 =	smul.u32 $0x38E38E39, s12  }
0xa5: {  	(v2sf) =	vpush v49, $0x4;
	s31 =	smulhi.u32 $0x38E38E39, s17;
	s17 =	sshra.s32 s17, $0x1F  }
0xa6: {  	(v2sf) =	vpush v49, $0x5;
	s26 =	spop (v2sf);
	s13 =	smul.u32 $0x38E38E39, s17  }
0xa7: {  	(v2sf) =	vpush v49, $0x6;
	s16 =	smulhi.u32 $0x38E38E39, s26;
	s14 =	sshra.s32 s26, $0x1F  }
0xa8: {  	(v2sf) =	vpush v49, $0x7;
	s11 =	spop (v2sf);
	s5 =	smul.u32 $0x38E38E39, s14  }
0xa9: {  	s26 =	sadd.s32 s0, s1;
	s7 =	smulhi.u32 $0x38E38E39, s11;
	s12 =	sshra.s32 s11, $0x1F  }
0xaa: {  	s30 =	spop (v2sf);
	s28 =	sadd.s32 s29, s28;
	s9 =	smul.u32 $0x38E38E39, s12  }
0xab: {  	s15 =	spop (v2sf);
	s18 =	smulhi.u32 $0x38E38E39, s30;
	s19 =	sshra.s32 s30, $0x1F  }
0xac: {  	s30 =	sadd.s32 s2, s25;
	s25 =	sadd.s32 s13, s31;
	s11 =	smul.u32 $0x38E38E39, s19  }
0xad: {  	s4 =	spop (v2sf);
	s3 =	smulhi.u32 $0x38E38E39, s15;
	s22 =	sshra.s32 s15, $0x1F  }
0xae: {  	s0 =	sadd.s32 s5, s16;
	s6 =	spop (v2sf);
	s14 =	smul.u32 $0x38E38E39, s22  }
0xaf: {  	s15 =	smulhi.u32 $0x38E38E39, s4;
	s1 =	sshra.s32 s4, $0x1F;
	s4 =	sshrl.u32 s26, $0x1F  }
0xb0: {  	v18 =	vbroadcast v18, $0x0;
	s22 =	sshrl.u32 s30, $0x1F;
	s8 =	spop (v2sf);
	s19 =	smul.u32 $0x38E38E39, s1  }
0xb1: {  	s29 =	smulhi.u32 $0x38E38E39, s6;
	s2 =	sshra.s32 s6, $0x1F;
	s6 =	sshrl.u32 s28, $0x1F  }
0xb2: {  	vm10 =	veq.s32 v18, v0;
	s1 =	sadd.s32 s11, s18;
	s10 =	spop (v2sf);
	s13 =	smul.u32 $0x38E38E39, s2  }
0xb3: {  	v14 =	vsel vm10, $0x0, v14;
	s5 =	smulhi.u32 $0x38E38E39, s8;
	s16 =	sshra.s32 s8, $0x1F;
	s2 =	sadd.s32 s9, s7  }
0xb4: {  	vm9 =	vne.s32 v14, $0x0;
	s7 =	sshrl.u32 s25, $0x1F;
	s20 =	spop (v2sf);
	s8 =	smul.u32 $0x38E38E39, s16  }
0xb5: {  	v52 =	vsel vm9, $0x3F800000, v4;
	s31 =	sadd.s32 s14, s3;
	s9 =	smulhi.u32 $0x38E38E39, s10;
	s12 =	spop (v2sf)  }
0xb6: {  	(xrf0) =	vmax.scan.msk.f32 $0xffff, v52;
	s10 =	sshra.s32 s10, $0x1F;
	s11 =	sadd.s32 s19, s15;
	s17 =	spop (v2sf)  }
0xb7: {  	v19 =	vmov s22;
	s15 =	sshrl.u32 s0, $0x1F;
	s3 =	smul.u32 $0x38E38E39, s10;
	s18 =	spop (v2sf)  }
0xb8: {  	v19 =	vsel vm0, s4, v19;
	s0 =	sshra.s32 s0, $0xF;
	s19 =	smulhi.u32 $0x38E38E39, s18;
	s10 =	sshra.s32 s18, $0x1F  }
0xb9: {  	v19 =	vsel vm1, s6, v19;
	s13 =	sadd.s32 s13, s29;
	s22 =	sshra.s32 s20, $0x1F;
	s10 =	smul.u32 $0x38E38E39, s10  }
0xba: {  	v19 =	vsel vm2, s7, v19;
	s7 =	sshrl.u32 s31, $0x1F;
	s14 =	sshra.s32 s11, $0xF;
	s16 =	sshrl.u32 s11, $0x1F  }
0xbb: {  	v51 =	vimm.s32 $0x0;
	s5 =	sadd.s32 s8, s5;
	s8 =	smulhi.u32 $0x38E38E39, s20;
	s29 =	sadd.s32 s10, s19  }
0xbc: {  	v58 =	vmov s21;
	v60 =	vsub.s32 $0x0, v49;
	vm10 =	vmmov vm15;
	v56, _, _ =	vpop (xrf0);
	s20 =	sshrl.u32 s1, $0x1F;
	s19 =	smul.u32 $0x38E38E39, s22;
	s22 =	sshra.s32 s29, $0x1F  }
0xbd: {  	(v2sf) =	vpush v56, $0xF;
	v22 =	vmov s16;
	s3 =	sadd.s32 s3, s9;
	s16 =	sshra.s32 s17, $0x1F;
	s18 =	sshrl.u32 s2, $0x1F;
	v21 =	vmov s22  }
0xbe: {  	v22 =	vnsel vm3, $0x0, v22;
	s2 =	sshra.s32 s2, $0xF;
	v20 =	vmov s18;
	s4 =	sadd.s32 s19, s8;
	s19 =	sshra.s32 s11, $0x1F;
	v21 =	vsel vm3, s14, v21  }
0xbf: {  	s18 =	sshrl.u32 s13, $0x1F;
	v55 =	vmov s2;
	v20 =	vsel vm0, s15, v20;
	s15 =	smulhi.u32 $0x38E38E39, s17;
	s11 =	sshra.s32 s13, $0xF;
	v21 =	vsel vm11, s19, v21  }
0xc0: {  	v50 =	vsel vm0, s18, v22;
	s17 =	sshra.s32 s5, $0xF;
	s18 =	sshrl.u32 s3, $0x1F;
	v20 =	vsel vm1, s20, v20;
	s14 =	sshra.s32 s13, $0x1F;
	v21 =	vsel vm0, s11, v21  }
0xc1: {  	v22 =	vsel vm9, $0xFFFFFFFF, v51;
	s20 =	smulhi.u32 $0x38E38E39, s12;
	v20 =	vsel vm2, s7, v20;
	s22 =	sshra.s32 s12, $0x1F;
	s12 =	sshrl.u32 s5, $0x1F;
	v21 =	vsel vm12, s14, v21  }
0xc2: {  	vm9 =	vcmask $0x2F2C;
	s5 =	sshra.s32 s5, $0x1F;
	v19 =	vcombine.low v20, v19;
	s9 =	smul.u32 $0x38E38E39, s22;
	s22 =	sshra.s32 s3, $0xF;
	v21 =	vsel vm1, s17, v21  }
0xc3: {  	[tilespmem:$0x1FFF0] =	vst v22;
	v22 =	vsel vm0, s0, v55;
	v18 =	vsel vm1, s12, v50;
	s3 =	sshra.s32 s3, $0x1F;
	s12 =	sshra.s32 s4, $0xF;
	s19 =	smul.u32 $0x38E38E39, s16;
	v21 =	vsel vm13, s5, v21  }
0xc4: {  	v18 =	vsel vm2, s18, v18;
	s16 =	sshra.s32 s1, $0xF;
	v19 =	vperm.xlane v19, v6;
	s6 =	sadd.s32 s9, s20;
	s20 =	sshrl.u32 s4, $0x1F;
	v21 =	vsel vm2, s22, v21  }
0xc5: {  	s13 =	sshra.s32 s26, $0xF;
	s11 =	sshra.s32 s30, $0xF;
	v22 =	vsel vm1, s16, v22;
	v18 =	vsel vm4, s20, v18;
	s10 =	sshrl.u32 s6, $0x1F;
	v53 =	vsel vm14, s3, v21  }
0xc6: {  	s8 =	sadd.s32 s19, s15;
	v54 =	vmov s11;
	s14 =	sshra.s32 s4, $0x1F;
	s19 =	sshra.s32 s31, $0xF;
	v18 =	vsel vm5, s10, v18;
	v20 =	vsel vm4, s12, v53  }
0xc7: {  	s15 =	sshra.s32 s28, $0xF;
	s17 =	sshra.s32 s6, $0xF;
	v22 =	vsel vm2, s19, v22;
	s22 =	sshrl.u32 s8, $0x1F;
	v21 =	vsel vm0, s13, v54;
	v20 =	vsel vm15, s14, v20  }
0xc8: {  	s26 =	sshrl.u32 s29, $0x1F;
	s18 =	sshra.s32 s25, $0xF;
	s20 =	sshra.s32 s6, $0x1F;
	v18 =	vsel vm6, s22, v18;
	v21 =	vsel vm1, s15, v21;
	v20 =	vsel vm5, s17, v20  }
0xc9: {  	s25 =	sshra.s32 s8, $0xF;
	v18 =	vsel vm7, s26, v18;
	v21 =	vsel vm2, s18, v21;
	v20 =	vsel vm9, s20, v20  }
0xca: {  	s28 =	sshra.s32 s8, $0x1F;
	v18 =	vperm.xlane v18, v7;
	vm9 =	vcmask $0x3734;
	v20 =	vsel vm6, s25, v20  }
0xcb: {  	s29 =	sshra.s32 s29, $0xF;
	vm15 =	vmmov vm13;
	v21 =	vcombine.low v22, v21;
	v20 =	vsel vm9, s28, v20  }
0xcc: {  	vm13 =	vmmov vm11;
	v18 =	vsel vm8, v18, v19;
	v20 =	vsel vm7, s29, v20  }
0xcd: {  	v19 =	vadd.s32 $0xFFFFFFFF, v58;
	v21 =	vperm.xlane v21, v6;
	v20 =	vperm.xlane v20, v7  }
0xce: {  	v19 =	vbroadcast v19, $0x0;
	vm9 =	vmmov vm2;
	vm2 =	vmmov vm1  }
0xcf: {  	vm1 =	vmmov vm0;
	vm0 =	vmmov vm8;
	v57 =	vsel vm8, v20, v21  }
0xd0: {  	v17 =	vadd.s32 v47, v19;
	vm8 =	vmmov vm7;
	v18 =	vadd.s32 v18, v57  }
0xd1: {  	vm7 =	vmmov vm6;
	vm6 =	vmmov vm5;
	v59 =	vmul.u32 $0xFFFDC000, v18  }
0xd2: {  	vm5 =	vmmov vm4;
	vm4 =	vmmov vm3;
	vm3 =	vmmov vm14  }
0xd3: {  	v62 =	vld [tilespmem:$0x1FFE0];
	vm14 =	vmmov vm12;
	vm12 =	vlt.s32 v49, $0x1;
	vm11 =	vne.s32 v59, v60  }
0xd4: {  	vm11 =	vmand vm12, vm11;
	vm12 =	vmmov vm14;
	vm14 =	vmmov vm3  }
0xd5: {  	vm3 =	vmmov vm4;
	vm4 =	vmmov vm5;
	vm5 =	vmmov vm6  }
0xd6: {  	vm6 =	vmmov vm7;
	vm7 =	vmmov vm8;
	vm8 =	vmmov vm0  }
0xd7: {  	vm0 =	vmmov vm1;
	vm1 =	vmmov vm2;
	vm2 =	vmmov vm9  }
0xd8: {  	vm9 =	vnez.u8 v62;
	v61 =	vsel vm11, $0xFFFFFFFF, v5;
	vm11 =	vlt.s32 v17, $0x400  }
0xd9: {  	vm9 =	vmand vm9, vm11;
	v18 =	vadd.s32 v61, v18  }
0xda: {  	s30 =	spop (v2sf);
	v19 =	vmul.u32 $0xFFFDC000, v18;
	v17 =	vnsel vm9, $0x0, v17  }
0xdb: {  	v63 =	vld [tilespmem:$0x1FFF0];
	p2 =	sgt.f32 s30, $0.0e+00  }
.Ltmp8:
0xdc: {  	v16 =	vadd.s32 v49, v19;
	(pc) =	sbr.rel @p2 .LBB2_8-.Ltmp8, $4  }
0xdd: {  	v16 =	vmul.u32 $0xF, v16  }
0xde: {  	s4 =	simm.s32 $0x13700  }
0xdf: {  	s31 =	sadd.s32 s24, s21;
	s5 =	simm.s32 $0x13B00;
	vm11 =	vmmov vm13;
	v16 =	vadd.s32 v18, v16;
	[tilespmem:v17+s4+$0x0] =	vst.idx.msk vm9, v15  }
0xe0: {  	s21 =	sadd.s32 $0x80000000, s31;
	s3 =	simm.s32 $0x0;
	vm13 =	vmmov vm15;
	vm15 =	vmmov vm10;
	vm10 =	vnez.u8 v63;
	[tilespmem:v17+s5+$0x0] =	vst.idx.msk vm9, v16  }
.Ltmp9:
0xe1: {  	(pc) =	sbr.rel .LBB2_10-.Ltmp9, $3  }
0xe2: {  	_ =	sdelay $0x1  }
0xe3: {  	[smem:$0x0] =	sst s21  }
0xe4: {  	s1 =	rddreg [dreg:$0xd]  }
.LBB2_12:
0xe5: {  	s1 =	simm.s32 $0x0  }
0xe6: {  	v12 =	vimm.s32 $0x0;
	s0 =	simm.s32 $0x40;
	v13 =	vld [tilespmem:s1+$0x11E00]  }
.LBB2_13:
0xe7: {  	p2 =	sne.s32 s0, $0x1FC0  }
.Ltmp10:
0xe8: {  	_ = 	snop;
	(pc) =	sbr.rel @p2 .LBB2_13-.Ltmp10, $3  }
0xe9: {  	_ =	sdelay $0x1  }
0xea: {  	s1 =	sshra.s32 s0, $0x2;
	s0 =	sadd.s32 $0x40, s0;
	v12 =	vadd.s32 v12, v13  }
0xeb: {  	v13 =	vld [tilespmem:s1+$0x11E00]  }
0xec: {  	_ =	sdelay $0x3  }
0xed: {  	v12 =	vadd.s32 v12, v13  }
0xee: {  	(xrf0) =	vadd.scan.msk.s32 $0xffff, v12;
	_ =	sdelay $0x4  }
0xef: {  	s0 =	simm.s32 $0x1;
	s1 =	rddreg [dreg:$0xc]  }
0xf0: {  	s29 =	rddreg [dreg:$0xb];
	s0 =	simm.s32 @!p1 $0x0;
	p1 =	sgt.s32 s1, $0x0;
	v12, _, _ =	vpop (xrf0)  }
0xf1: {  	v14 =	vand.u32 s29, v10;
	v63 =	vand.u32 s0, v8;
	s1 =	simm.s32 @!p1 $0x0;
	v12 =	vbroadcast v12, $0xF  }
0xf2: {  	v15 =	vand.u32 s1, v9;
	v13 =	vadd.s32 v63, v14  }
0xf3: {  	v13 =	vadd.s32 v15, v13;
	v12 =	vand.u32 v11, v12  }
0xf4: {  	v12 =	vadd.s32 v12, v13  }
.Ltmp11:
0xf5: {  	s30 =	rddreg [dreg:$0x1];
	s31 =	simm.s32 $0x13F80;
	[tilespmem:$0x13F80] =	vst v12;
	(pc) =	sbr.rel .LBB2_15-.Ltmp11, $4  }
0xf6: {  	[hbm4b:s30+s3] =	stream.linear.scatter [tilespmem:s31], [sflag:$0x1], $0x80, $0x38;
	[tilespmem:$0x14000] =	vst v63  }
0xf7: {  	_ =	swait.ge [sflag:s2], $0x80  }
0xf8: {  	[sflag:s2] =	ssyncset.done $0x0  }
0xf9: {  	s1 =	rddreg [dreg:$0xa];
	[sflag:s2] =	ssyncadd.s32 $0xFFFFFF80  }
.LBB2_16:
0xfa: {  	_ =	sfence.sel $0x180000  }
0xfb: {  	[bflag:$0x0] =	sbarrier.arrive $0xFFFF  }
0xfc: {  	_ =	strace $0x9000004A  }
0xfd: {  	s0 =	stileid.u32;
	[bflag:$0x2] =	sbarrier.arrive $0xFFFF  }
0xfe: {  	p0 =	sne.s32 s0, $0x0;
	s0 =	rddreg [dreg:$0x2]  }
0xff: {  	s0 =	sadd.s32 @!p0 $0x100000, s0  }
0x100: {  	[sflag:s0] =	ssyncadd.tile.s32 @!p0 $0x1;
	_ =	shalt  }
.Lfunc_end2:
_tile_overlayer_lowered:
.L_overlay_start_2:
0x101: {  	(tag) =	ssettag $0x2  }
0x102: {  	s0 =	rddreg [dreg:$0x0];
	s2 =	stileid.u32  }
0x103: {  	s1 =	rddreg [dreg:$0x1];
	p0 =	sne.s32 s2, $0x0  }
0x104: {  	s3 =	rddreg [dreg:$0x2];
	[bflag:$0x3] =	sbarrier.arrive $0xFFFF;
	s2 =	simm.s32 @!p0 $0x1C01  }
0x105: {  	[timem:s3], [sflag:s2] =	dma.local @!p0 [hbm:s0], s1  }
0x106: {  	s0 =	simm.s32 @!p0 $0x1  }
0x107: {  	_ =	swait.ge @!p0 [sflag:s0], s1  }
0x108: {  	s1 =	ssub.s32 @!p0 $0x0, s1;
	[sflag:s0] =	ssyncset.done @!p0 $0x0  }
0x109: {  	[sflag:s0] =	ssyncadd.s32 @!p0 s1  }
0x10a: {  	[bflag:$0x3] =	sbarrier.arrive $0xFFFF  }
0x10b: {  	_ =	shalt  }

</sc_bundles>
